<compile_context>
chip_gen: v7x
topology: tpu7x:2x2x1
jax: 0.10.2.dev20260603
libtpu: 0.0.44.dev20260713+nightly
codegen_flags: <defaults>
</compile_context>

<pallas_src>
import functools

import jax
import jax.numpy as jnp
from jax import lax
from jax.experimental import pallas as pl
from jax.experimental.pallas import tpu as pltpu
from jax.experimental.pallas import tpu_sc as plsc

N = 10000
E = 320000
NP = 10240
D_IN = 128
H = 256
HALF = 128

E_FULL = E + N
ROWS = 2688
E_PAD = ROWS * 128
EPT = E_PAD // 32
RC = ROWS // 16
RPT = NP // 16
NCHUNK = RPT // 128

_mesh = plsc.VectorSubcoreMesh(core_axis_name="c", subcore_axis_name="s")
_sc_params = pltpu.CompilerParams(needs_layout_passes=False)


@functools.partial(
    pl.kernel,
    out_type=jax.ShapeDtypeStruct((32 * NP,), jnp.float32),
    mesh=_mesh,
    scratch_types=[
        pltpu.VMEM((EPT,), jnp.int32),
        pltpu.VMEM((EPT,), jnp.float32),
        pltpu.VMEM((NP,), jnp.float32),
    ],
    compiler_params=_sc_params,
)
def _deg_kernel(dst_hbm, ew_hbm, parts_hbm, dst_v, ew_v, hist_v):
    cid = lax.axis_index("c")
    sid = lax.axis_index("s")
    wid = sid * 2 + cid
    base = wid * EPT
    pltpu.sync_copy(dst_hbm.at[pl.ds(base, EPT)], dst_v)
    pltpu.sync_copy(ew_hbm.at[pl.ds(base, EPT)], ew_v)

    zeros16 = jnp.zeros((16,), jnp.float32)

    def zbody(i, carry):
        hist_v[pl.ds(i * 16, 16)] = zeros16
        return carry

    lax.fori_loop(0, NP // 16, zbody, 0)

    def rbody(r, carry):
        idx = dst_v[pl.ds(r * 16, 16)]
        w = ew_v[pl.ds(r * 16, 16)]
        plsc.addupdate_scatter(hist_v, [idx], w)
        return carry

    lax.fori_loop(0, EPT // 16, rbody, 0)
    pltpu.sync_copy(hist_v, parts_hbm.at[pl.ds(wid * NP, NP)])


@functools.partial(
    pl.kernel,
    out_type=(
        jax.ShapeDtypeStruct((NP, HALF), jnp.float32),
        jax.ShapeDtypeStruct((NP, HALF), jnp.float32),
    ),
    mesh=_mesh,
    scratch_types=[
        pltpu.VMEM((8, 128), jnp.int32),
        pltpu.VMEM((8, 128), jnp.int32),
        pltpu.VMEM((8, 128), jnp.float32),
        pltpu.VMEM((128, HALF), jnp.float32),
        pltpu.VMEM((128, HALF), jnp.float32),
        pltpu.VMEM_SHARED((NP, HALF), jnp.float32),
        pltpu.SemaphoreType.DMA,
    ],
    compiler_params=_sc_params,
)
def _agg_kernel(src_hbm, dst_hbm, ew_hbm, g0_hbm, g1_hbm,
                out0_hbm, out1_hbm,
                src_v, dst_v, ew_v, rows_v, msg_v, acc, gsem):
    cid = lax.axis_index("c")
    sid = lax.axis_index("s")

    zeros16 = jnp.zeros((16,), jnp.float32)

    def zbody(i, carry):
        for k in range(HALF // 16):
            msg_v[i, pl.ds(k * 16, 16)] = zeros16
        return carry

    lax.fori_loop(0, 128, zbody, 0)
    for i in range(NCHUNK):
        pltpu.sync_copy(msg_v, acc.at[pl.ds(sid * RPT + i * 128, 128)])
    plsc.subcore_barrier()

    def run(g_hbm, out_hbm):
        def gbody(gi, carry):
            base = sid * RC + gi * 8
            pltpu.sync_copy(src_hbm.at[pl.ds(base, 8)], src_v)
            pltpu.sync_copy(dst_hbm.at[pl.ds(base, 8)], dst_v)
            pltpu.sync_copy(ew_hbm.at[pl.ds(base, 8)], ew_v)

            def blk(jj, c1):
                pltpu.async_copy(g_hbm.at[src_v.at[jj]], rows_v, gsem).wait()

                def ebody(e, c2):
                    w = plsc.load_gather(
                        ew_v,
                        [jnp.full((16,), jj, jnp.int32),
                         jnp.full((16,), e, jnp.int32)],
                    )
                    for k in range(HALF // 16):
                        msg_v[e, pl.ds(k * 16, 16)] = (
                            rows_v[e, pl.ds(k * 16, 16)] * w)
                    return c2

                lax.fori_loop(0, 128, ebody, 0)
                pltpu.sync_copy(msg_v, acc.at[dst_v.at[jj]], add=True)
                return c1

            lax.fori_loop(0, 8, blk, 0)
            return carry

        lax.fori_loop(0, RC // 8, gbody, 0)
        plsc.subcore_barrier()
        for i in range(NCHUNK):
            r0 = sid * RPT + i * 128
            pltpu.sync_copy(acc.at[pl.ds(r0, 128)], rows_v)
            pltpu.sync_copy(rows_v, out_hbm.at[pl.ds(r0, 128)])

    @pl.when(cid == 0)
    def _():
        run(g0_hbm, out0_hbm)

    @pl.when(cid == 1)
    def _():
        run(g1_hbm, out1_hbm)


def _mm1_body(x_ref, w_ref, parts_ref, g0_ref, g1_ref, dinv_ref):
    deg = jnp.sum(parts_ref[...], axis=0)
    dinv = jnp.where(deg > 0.0, lax.rsqrt(jnp.where(deg > 0.0, deg, 1.0)), 0.0)
    h = jnp.dot(x_ref[...], w_ref[...], preferred_element_type=jnp.float32)
    g = h * dinv[:, None]
    g0_ref[...] = g[:, :HALF]
    g1_ref[...] = g[:, HALF:]
    dinv_ref[...] = dinv


def _mm1(x_p, W1, parts):
    bm = 256
    grid = (NP // bm,)
    return pl.pallas_call(
        _mm1_body,
        grid=grid,
        in_specs=[
            pl.BlockSpec((bm, D_IN), lambda i: (i, 0)),
            pl.BlockSpec((D_IN, H), lambda i: (0, 0)),
            pl.BlockSpec((32, bm), lambda i: (0, i)),
        ],
        out_specs=[
            pl.BlockSpec((bm, HALF), lambda i: (i, 0)),
            pl.BlockSpec((bm, HALF), lambda i: (i, 0)),
            pl.BlockSpec((bm,), lambda i: (i,)),
        ],
        out_shape=[
            jax.ShapeDtypeStruct((NP, HALF), jnp.float32),
            jax.ShapeDtypeStruct((NP, HALF), jnp.float32),
            jax.ShapeDtypeStruct((NP,), jnp.float32),
        ],
    )(x_p, W1, parts)


def _mm2_body(a0_ref, a1_ref, dinv_ref, b_ref, w_ref, g0_ref, g1_ref):
    dinv = dinv_ref[...]
    acc = jnp.concatenate([a0_ref[...], a1_ref[...]], axis=1)
    a = jnp.maximum(acc * dinv[:, None] + b_ref[...][None, :], 0.0)
    h = jnp.dot(a, w_ref[...], preferred_element_type=jnp.float32)
    g = h * dinv[:, None]
    g0_ref[...] = g[:, :HALF]
    g1_ref[...] = g[:, HALF:]


def _mm2(acc0, acc1, dinv, b1, W2):
    bm = 256
    grid = (NP // bm,)
    return pl.pallas_call(
        _mm2_body,
        grid=grid,
        in_specs=[
            pl.BlockSpec((bm, HALF), lambda i: (i, 0)),
            pl.BlockSpec((bm, HALF), lambda i: (i, 0)),
            pl.BlockSpec((bm,), lambda i: (i,)),
            pl.BlockSpec((H,), lambda i: (0,)),
            pl.BlockSpec((H, H), lambda i: (0, 0)),
        ],
        out_specs=[
            pl.BlockSpec((bm, HALF), lambda i: (i, 0)),
            pl.BlockSpec((bm, HALF), lambda i: (i, 0)),
        ],
        out_shape=[
            jax.ShapeDtypeStruct((NP, HALF), jnp.float32),
            jax.ShapeDtypeStruct((NP, HALF), jnp.float32),
        ],
    )(acc0, acc1, dinv, b1, W2)


def _fin_body(a0_ref, a1_ref, dinv_ref, b_ref, o_ref):
    dinv = dinv_ref[...]
    acc = jnp.concatenate([a0_ref[...], a1_ref[...]], axis=1)
    o_ref[...] = jnp.maximum(acc * dinv[:, None] + b_ref[...][None, :], 0.0)


def _fin(acc0, acc1, dinv, b2):
    bm = 256
    grid = (NP // bm,)
    return pl.pallas_call(
        _fin_body,
        grid=grid,
        in_specs=[
            pl.BlockSpec((bm, HALF), lambda i: (i, 0)),
            pl.BlockSpec((bm, HALF), lambda i: (i, 0)),
            pl.BlockSpec((bm,), lambda i: (i,)),
            pl.BlockSpec((H,), lambda i: (0,)),
        ],
        out_specs=pl.BlockSpec((bm, H), lambda i: (i, 0)),
        out_shape=jax.ShapeDtypeStruct((NP, H), jnp.float32),
    )(acc0, acc1, dinv, b2)


def kernel(x, edge_index, edge_weight, W1, b1, W2, b2):
    src = edge_index[0].astype(jnp.int32)
    dst = edge_index[1].astype(jnp.int32)
    loop = jnp.arange(N, dtype=jnp.int32)
    padi = jnp.zeros((E_PAD - E_FULL,), jnp.int32)
    padf = jnp.zeros((E_PAD - E_FULL,), jnp.float32)
    src2 = jnp.concatenate([src, loop, padi]).reshape(ROWS, 128)
    dst2 = jnp.concatenate([dst, loop, padi]).reshape(ROWS, 128)
    ew1 = jnp.concatenate(
        [edge_weight.astype(jnp.float32), jnp.ones((N,), jnp.float32), padf]
    )
    ew2 = ew1.reshape(ROWS, 128)
    x_p = jnp.pad(x, ((0, NP - N), (0, 0)))

    parts = _deg_kernel(dst2.reshape(-1), ew1).reshape(32, NP)
    g0, g1, dinv = _mm1(x_p, W1, parts)
    a0, a1 = _agg_kernel(src2, dst2, ew2, g0, g1)
    g20, g21 = _mm2(a0, a1, dinv, b1, W2)
    c0, c1 = _agg_kernel(src2, dst2, ew2, g20, g21)
    out = _fin(c0, c1, dinv, b2)
    return out[:N]

# --- scband reference (transcript-rebuilt; emitter-appended) ---
"""Pipeline reference for scband-gcn-57389353009902 (READ-ONLY COPY).

The authoritative reference and input builder live on the scoring server;
editing this copy changes nothing except your own understanding.
"""

import jax, jax.numpy as jnp
import numpy as np

N = 10000
E = 320000
D_IN = 128
H1 = 256
H2 = 256


def setup_inputs(seed: int = 0) -> dict:
    key = jax.random.key(seed)
    ks = jax.random.split(key, 8)
    x = jax.random.normal(ks[0], (N, D_IN), dtype=jnp.float32)
    edge_index = jax.random.randint(ks[1], (2, E), 0, N)
    edge_weight = jax.random.uniform(ks[2], (E,), dtype=jnp.float32)
    W1 = jax.random.normal(ks[3], (D_IN, H1), dtype=jnp.float32) * (1.0 / np.sqrt(D_IN))
    b1 = jnp.zeros((H1,), dtype=jnp.float32)
    W2 = jax.random.normal(ks[4], (H1, H2), dtype=jnp.float32) * (1.0 / np.sqrt(H1))
    b2 = jnp.zeros((H2,), dtype=jnp.float32)
    return {"x": x, "edge_index": edge_index, "edge_weight": edge_weight,
            "W1": W1, "b1": b1, "W2": W2, "b2": b2}


def _gcn_conv(x, edge_index, edge_weight, W, b, num_nodes):
    # PyG GCNConv semantics: linear transform, add self-loops (weight 1),
    # symmetric normalization D^-1/2 A D^-1/2, scatter-add aggregation, bias.
    src = edge_index[0]
    dst = edge_index[1]
    loop = jnp.arange(num_nodes, dtype=src.dtype)
    src_full = jnp.concatenate([src, loop], axis=0)
    dst_full = jnp.concatenate([dst, loop], axis=0)
    ew_full = jnp.concatenate([edge_weight, jnp.ones((num_nodes,), dtype=edge_weight.dtype)], axis=0)
    deg = jax.ops.segment_sum(ew_full, dst_full, num_segments=num_nodes)
    deg_inv_sqrt = jnp.where(deg > 0, jax.lax.rsqrt(jnp.where(deg > 0, deg, 1.0)), 0.0)
    norm = deg_inv_sqrt[src_full] * ew_full * deg_inv_sqrt[dst_full]
    h = x @ W
    msg = h[src_full] * norm[:, None]
    out = jax.ops.segment_sum(msg, dst_full, num_segments=num_nodes)
    return out + b


def reference(x, edge_index, edge_weight, W1, b1, W2, b2):
    h = _gcn_conv(x, edge_index, edge_weight, W1, b1, N)
    h = jax.nn.relu(h)
    h = _gcn_conv(h, edge_index, edge_weight, W2, b2, N)
    h = jax.nn.relu(h)
    return h

if __name__ == "__main__":
    import jax
    _d = setup_inputs()
    print(jax.jit(kernel)(*tuple(_d.values())))

</pallas_src>

<mosaic_0001>
#map = affine_map<(d0, d1) -> (0, 0)>
module attributes {stable_mosaic.version = 14 : i64} {
  func.func @_agg_kernel(%arg0: i32, %arg1: i32, %arg2: memref<2688x128xi32, #tpu.memory_space<hbm>>, %arg3: memref<2688x128xi32, #tpu.memory_space<hbm>>, %arg4: memref<2688x128xf32, #tpu.memory_space<hbm>>, %arg5: memref<10240x128xf32, #tpu.memory_space<hbm>>, %arg6: memref<10240x128xf32, #tpu.memory_space<hbm>>, %arg7: memref<10240x128xf32, #tpu.memory_space<hbm>>, %arg8: memref<10240x128xf32, #tpu.memory_space<hbm>>, %arg9: memref<8x128xi32, #tpu.memory_space<vmem>>, %arg10: memref<8x128xi32, #tpu.memory_space<vmem>>, %arg11: memref<8x128xf32, #tpu.memory_space<vmem>>, %arg12: memref<128x128xf32, #tpu.memory_space<vmem>>, %arg13: memref<128x128xf32, #tpu.memory_space<vmem>>, %arg14: memref<10240x128xf32, #tpu.memory_space<vmem_shared>>, %arg15: memref<!tpu.dma_semaphore, #tpu.memory_space<semaphore_mem>>) attributes {dimension_semantics = [#tpu.dimension_semantics<core_parallel>, #tpu.dimension_semantics<subcore_parallel>], iteration_bounds = array<i64: 2, 16>, scalar_prefetch = 0 : i64, scratch_operands = 7 : i64, tpu.core_type = #tpu.core_type<sc_vector_subcore>, window_params = [{transform_indices = #map}, {transform_indices = #map}, {transform_indices = #map}, {transform_indices = #map}, {transform_indices = #map}, {transform_indices = #map}, {transform_indices = #map}]} {
    %broadcast_in_dim3A = arith.constant 0.000000e+00 : f32
    %broadcast_in_dim3A_0 = vector.broadcast %broadcast_in_dim3A : f32 to vector<16xf32>
    %scan3A = arith.constant 0 : i32
    %scan3A_1 = arith.constant 0 : i32
    %scan3A_2 = arith.constant 128 : i32
    %scan3A_3 = arith.addi %scan3A_1, %scan3A_2 : i32
    %scan3A_4 = arith.constant 1 : i32
    scf.for %scan3A_31 = %scan3A_1 to %scan3A_3 step %scan3A_4  : i32 {
      %swap3A = arith.index_cast %scan3A_31 : i32 to index
      %swap3A_32 = arith.constant 0 : index
      %swap3A_33 = tpu.vector_load %arg13[%swap3A, %swap3A_32] {strides = array<i32>} : memref<128x128xf32, #tpu.memory_space<vmem>>, vector<16xf32>,
      tpu.vector_store %arg13[%swap3A, %swap3A_32], %broadcast_in_dim3A_0 {strides = array<i32>} : memref<128x128xf32, #tpu.memory_space<vmem>>, vector<16xf32>,
      %swap3A_34 = arith.index_cast %scan3A_31 : i32 to index
      %swap3A_35 = arith.constant 16 : index
      %swap3A_36 = tpu.vector_load %arg13[%swap3A_34, %swap3A_35] {strides = array<i32>} : memref<128x128xf32, #tpu.memory_space<vmem>>, vector<16xf32>,
      tpu.vector_store %arg13[%swap3A_34, %swap3A_35], %broadcast_in_dim3A_0 {strides = array<i32>} : memref<128x128xf32, #tpu.memory_space<vmem>>, vector<16xf32>,
      %swap3A_37 = arith.index_cast %scan3A_31 : i32 to index
      %swap3A_38 = arith.constant 32 : index
      %swap3A_39 = tpu.vector_load %arg13[%swap3A_37, %swap3A_38] {strides = array<i32>} : memref<128x128xf32, #tpu.memory_space<vmem>>, vector<16xf32>,
      tpu.vector_store %arg13[%swap3A_37, %swap3A_38], %broadcast_in_dim3A_0 {strides = array<i32>} : memref<128x128xf32, #tpu.memory_space<vmem>>, vector<16xf32>,
      %swap3A_40 = arith.index_cast %scan3A_31 : i32 to index
      %swap3A_41 = arith.constant 48 : index
      %swap3A_42 = tpu.vector_load %arg13[%swap3A_40, %swap3A_41] {strides = array<i32>} : memref<128x128xf32, #tpu.memory_space<vmem>>, vector<16xf32>,
      tpu.vector_store %arg13[%swap3A_40, %swap3A_41], %broadcast_in_dim3A_0 {strides = array<i32>} : memref<128x128xf32, #tpu.memory_space<vmem>>, vector<16xf32>,
      %swap3A_43 = arith.index_cast %scan3A_31 : i32 to index
      %swap3A_44 = arith.constant 64 : index
      %swap3A_45 = tpu.vector_load %arg13[%swap3A_43, %swap3A_44] {strides = array<i32>} : memref<128x128xf32, #tpu.memory_space<vmem>>, vector<16xf32>,
      tpu.vector_store %arg13[%swap3A_43, %swap3A_44], %broadcast_in_dim3A_0 {strides = array<i32>} : memref<128x128xf32, #tpu.memory_space<vmem>>, vector<16xf32>,
      %swap3A_46 = arith.index_cast %scan3A_31 : i32 to index
      %swap3A_47 = arith.constant 80 : index
      %swap3A_48 = tpu.vector_load %arg13[%swap3A_46, %swap3A_47] {strides = array<i32>} : memref<128x128xf32, #tpu.memory_space<vmem>>, vector<16xf32>,
      tpu.vector_store %arg13[%swap3A_46, %swap3A_47], %broadcast_in_dim3A_0 {strides = array<i32>} : memref<128x128xf32, #tpu.memory_space<vmem>>, vector<16xf32>,
      %swap3A_49 = arith.index_cast %scan3A_31 : i32 to index
      %swap3A_50 = arith.constant 96 : index
      %swap3A_51 = tpu.vector_load %arg13[%swap3A_49, %swap3A_50] {strides = array<i32>} : memref<128x128xf32, #tpu.memory_space<vmem>>, vector<16xf32>,
      tpu.vector_store %arg13[%swap3A_49, %swap3A_50], %broadcast_in_dim3A_0 {strides = array<i32>} : memref<128x128xf32, #tpu.memory_space<vmem>>, vector<16xf32>,
      %swap3A_52 = arith.index_cast %scan3A_31 : i32 to index
      %swap3A_53 = arith.constant 112 : index
      %swap3A_54 = tpu.vector_load %arg13[%swap3A_52, %swap3A_53] {strides = array<i32>} : memref<128x128xf32, #tpu.memory_space<vmem>>, vector<16xf32>,
      tpu.vector_store %arg13[%swap3A_52, %swap3A_53], %broadcast_in_dim3A_0 {strides = array<i32>} : memref<128x128xf32, #tpu.memory_space<vmem>>, vector<16xf32>,
    }
    %scan3A_5 = arith.constant 128 : i32
    %mul3A = arith.constant 640 : i32
    %mul3A_6 = arith.muli %arg1, %mul3A : i32
    %add3A = arith.constant 0 : i32
    %add3A_7 = arith.addi %mul3A_6, %add3A : i32
    "tpu.region"() ({
      %run_scoped3A = tpu.sem_alloc : memref<!tpu.dma_semaphore, #tpu.memory_space<semaphore_mem>>
      %dma_start3A = arith.constant 0 : i32
      %dma_start3A_31 = tpu.memref_slice %arg14[%add3A_7, %dma_start3A] : memref<10240x128xf32, #tpu.memory_space<vmem_shared>> -> memref<128x128xf32, #tpu.memory_space<vmem_shared>>
      %dma_start3A_32 = arith.constant 0 : i32
      %dma_start3A_33 = tpu.memref_slice %arg14[%add3A_7, %dma_start3A_32] : memref<10240x128xf32, #tpu.memory_space<vmem_shared>> -> memref<128x128xf32, #tpu.memory_space<vmem_shared>>
      tpu.enqueue_dma source(%arg13 : memref<128x128xf32, #tpu.memory_space<vmem>>) target(%dma_start3A_33 : memref<128x128xf32, #tpu.memory_space<vmem_shared>>) target_semaphore(%run_scoped3A : memref<!tpu.dma_semaphore, #tpu.memory_space<semaphore_mem>>)
      %dma_wait3A = arith.constant 0 : i32
      %dma_wait3A_34 = tpu.memref_slice %arg14[%add3A_7, %dma_wait3A] : memref<10240x128xf32, #tpu.memory_space<vmem_shared>> -> memref<128x128xf32, #tpu.memory_space<vmem_shared>>
      %dma_wait3A_35 = arith.constant 0 : i32
      %dma_wait3A_36 = tpu.memref_slice %arg14[%add3A_7, %dma_wait3A_35] : memref<10240x128xf32, #tpu.memory_space<vmem_shared>> -> memref<128x128xf32, #tpu.memory_space<vmem_shared>>
      tpu.wait_dma2 semaphore(%run_scoped3A : memref<!tpu.dma_semaphore, #tpu.memory_space<semaphore_mem>>) src(%arg13 : memref<128x128xf32, #tpu.memory_space<vmem>>) dst(%dma_wait3A_36 : memref<128x128xf32, #tpu.memory_space<vmem_shared>>)
      tpu.yield
    }) : () -> ()
    %mul3A_8 = arith.constant 640 : i32
    %mul3A_9 = arith.muli %arg1, %mul3A_8 : i32
    %add3A_10 = arith.constant 128 : i32
    %add3A_11 = arith.addi %mul3A_9, %add3A_10 : i32
    "tpu.region"() ({
      %run_scoped3A = tpu.sem_alloc : memref<!tpu.dma_semaphore, #tpu.memory_space<semaphore_mem>>
      %dma_start3A = arith.constant 0 : i32
      %dma_start3A_31 = tpu.memref_slice %arg14[%add3A_11, %dma_start3A] : memref<10240x128xf32, #tpu.memory_space<vmem_shared>> -> memref<128x128xf32, #tpu.memory_space<vmem_shared>>
      %dma_start3A_32 = arith.constant 0 : i32
      %dma_start3A_33 = tpu.memref_slice %arg14[%add3A_11, %dma_start3A_32] : memref<10240x128xf32, #tpu.memory_space<vmem_shared>> -> memref<128x128xf32, #tpu.memory_space<vmem_shared>>
      tpu.enqueue_dma source(%arg13 : memref<128x128xf32, #tpu.memory_space<vmem>>) target(%dma_start3A_33 : memref<128x128xf32, #tpu.memory_space<vmem_shared>>) target_semaphore(%run_scoped3A : memref<!tpu.dma_semaphore, #tpu.memory_space<semaphore_mem>>)
      %dma_wait3A = arith.constant 0 : i32
      %dma_wait3A_34 = tpu.memref_slice %arg14[%add3A_11, %dma_wait3A] : memref<10240x128xf32, #tpu.memory_space<vmem_shared>> -> memref<128x128xf32, #tpu.memory_space<vmem_shared>>
      %dma_wait3A_35 = arith.constant 0 : i32
      %dma_wait3A_36 = tpu.memref_slice %arg14[%add3A_11, %dma_wait3A_35] : memref<10240x128xf32, #tpu.memory_space<vmem_shared>> -> memref<128x128xf32, #tpu.memory_space<vmem_shared>>
      tpu.wait_dma2 semaphore(%run_scoped3A : memref<!tpu.dma_semaphore, #tpu.memory_space<semaphore_mem>>) src(%arg13 : memref<128x128xf32, #tpu.memory_space<vmem>>) dst(%dma_wait3A_36 : memref<128x128xf32, #tpu.memory_space<vmem_shared>>)
      tpu.yield
    }) : () -> ()
    %mul3A_12 = arith.constant 640 : i32
    %mul3A_13 = arith.muli %arg1, %mul3A_12 : i32
    %add3A_14 = arith.constant 256 : i32
    %add3A_15 = arith.addi %mul3A_13, %add3A_14 : i32
    "tpu.region"() ({
      %run_scoped3A = tpu.sem_alloc : memref<!tpu.dma_semaphore, #tpu.memory_space<semaphore_mem>>
      %dma_start3A = arith.constant 0 : i32
      %dma_start3A_31 = tpu.memref_slice %arg14[%add3A_15, %dma_start3A] : memref<10240x128xf32, #tpu.memory_space<vmem_shared>> -> memref<128x128xf32, #tpu.memory_space<vmem_shared>>
      %dma_start3A_32 = arith.constant 0 : i32
      %dma_start3A_33 = tpu.memref_slice %arg14[%add3A_15, %dma_start3A_32] : memref<10240x128xf32, #tpu.memory_space<vmem_shared>> -> memref<128x128xf32, #tpu.memory_space<vmem_shared>>
      tpu.enqueue_dma source(%arg13 : memref<128x128xf32, #tpu.memory_space<vmem>>) target(%dma_start3A_33 : memref<128x128xf32, #tpu.memory_space<vmem_shared>>) target_semaphore(%run_scoped3A : memref<!tpu.dma_semaphore, #tpu.memory_space<semaphore_mem>>)
      %dma_wait3A = arith.constant 0 : i32
      %dma_wait3A_34 = tpu.memref_slice %arg14[%add3A_15, %dma_wait3A] : memref<10240x128xf32, #tpu.memory_space<vmem_shared>> -> memref<128x128xf32, #tpu.memory_space<vmem_shared>>
      %dma_wait3A_35 = arith.constant 0 : i32
      %dma_wait3A_36 = tpu.memref_slice %arg14[%add3A_15, %dma_wait3A_35] : memref<10240x128xf32, #tpu.memory_space<vmem_shared>> -> memref<128x128xf32, #tpu.memory_space<vmem_shared>>
      tpu.wait_dma2 semaphore(%run_scoped3A : memref<!tpu.dma_semaphore, #tpu.memory_space<semaphore_mem>>) src(%arg13 : memref<128x128xf32, #tpu.memory_space<vmem>>) dst(%dma_wait3A_36 : memref<128x128xf32, #tpu.memory_space<vmem_shared>>)
      tpu.yield
    }) : () -> ()
    %mul3A_16 = arith.constant 640 : i32
    %mul3A_17 = arith.muli %arg1, %mul3A_16 : i32
    %add3A_18 = arith.constant 384 : i32
    %add3A_19 = arith.addi %mul3A_17, %add3A_18 : i32
    "tpu.region"() ({
      %run_scoped3A = tpu.sem_alloc : memref<!tpu.dma_semaphore, #tpu.memory_space<semaphore_mem>>
      %dma_start3A = arith.constant 0 : i32
      %dma_start3A_31 = tpu.memref_slice %arg14[%add3A_19, %dma_start3A] : memref<10240x128xf32, #tpu.memory_space<vmem_shared>> -> memref<128x128xf32, #tpu.memory_space<vmem_shared>>
      %dma_start3A_32 = arith.constant 0 : i32
      %dma_start3A_33 = tpu.memref_slice %arg14[%add3A_19, %dma_start3A_32] : memref<10240x128xf32, #tpu.memory_space<vmem_shared>> -> memref<128x128xf32, #tpu.memory_space<vmem_shared>>
      tpu.enqueue_dma source(%arg13 : memref<128x128xf32, #tpu.memory_space<vmem>>) target(%dma_start3A_33 : memref<128x128xf32, #tpu.memory_space<vmem_shared>>) target_semaphore(%run_scoped3A : memref<!tpu.dma_semaphore, #tpu.memory_space<semaphore_mem>>)
      %dma_wait3A = arith.constant 0 : i32
      %dma_wait3A_34 = tpu.memref_slice %arg14[%add3A_19, %dma_wait3A] : memref<10240x128xf32, #tpu.memory_space<vmem_shared>> -> memref<128x128xf32, #tpu.memory_space<vmem_shared>>
      %dma_wait3A_35 = arith.constant 0 : i32
      %dma_wait3A_36 = tpu.memref_slice %arg14[%add3A_19, %dma_wait3A_35] : memref<10240x128xf32, #tpu.memory_space<vmem_shared>> -> memref<128x128xf32, #tpu.memory_space<vmem_shared>>
      tpu.wait_dma2 semaphore(%run_scoped3A : memref<!tpu.dma_semaphore, #tpu.memory_space<semaphore_mem>>) src(%arg13 : memref<128x128xf32, #tpu.memory_space<vmem>>) dst(%dma_wait3A_36 : memref<128x128xf32, #tpu.memory_space<vmem_shared>>)
      tpu.yield
    }) : () -> ()
    %mul3A_20 = arith.constant 640 : i32
    %mul3A_21 = arith.muli %arg1, %mul3A_20 : i32
    %add3A_22 = arith.constant 512 : i32
    %add3A_23 = arith.addi %mul3A_21, %add3A_22 : i32
    "tpu.region"() ({
      %run_scoped3A = tpu.sem_alloc : memref<!tpu.dma_semaphore, #tpu.memory_space<semaphore_mem>>
      %dma_start3A = arith.constant 0 : i32
      %dma_start3A_31 = tpu.memref_slice %arg14[%add3A_23, %dma_start3A] : memref<10240x128xf32, #tpu.memory_space<vmem_shared>> -> memref<128x128xf32, #tpu.memory_space<vmem_shared>>
      %dma_start3A_32 = arith.constant 0 : i32
      %dma_start3A_33 = tpu.memref_slice %arg14[%add3A_23, %dma_start3A_32] : memref<10240x128xf32, #tpu.memory_space<vmem_shared>> -> memref<128x128xf32, #tpu.memory_space<vmem_shared>>
      tpu.enqueue_dma source(%arg13 : memref<128x128xf32, #tpu.memory_space<vmem>>) target(%dma_start3A_33 : memref<128x128xf32, #tpu.memory_space<vmem_shared>>) target_semaphore(%run_scoped3A : memref<!tpu.dma_semaphore, #tpu.memory_space<semaphore_mem>>)
      %dma_wait3A = arith.constant 0 : i32
      %dma_wait3A_34 = tpu.memref_slice %arg14[%add3A_23, %dma_wait3A] : memref<10240x128xf32, #tpu.memory_space<vmem_shared>> -> memref<128x128xf32, #tpu.memory_space<vmem_shared>>
      %dma_wait3A_35 = arith.constant 0 : i32
      %dma_wait3A_36 = tpu.memref_slice %arg14[%add3A_23, %dma_wait3A_35] : memref<10240x128xf32, #tpu.memory_space<vmem_shared>> -> memref<128x128xf32, #tpu.memory_space<vmem_shared>>
      tpu.wait_dma2 semaphore(%run_scoped3A : memref<!tpu.dma_semaphore, #tpu.memory_space<semaphore_mem>>) src(%arg13 : memref<128x128xf32, #tpu.memory_space<vmem>>) dst(%dma_wait3A_36 : memref<128x128xf32, #tpu.memory_space<vmem_shared>>)
      tpu.yield
    }) : () -> ()
    %barrier3A = arith.constant 0 : index
    tpu.barrier barrier_id(%barrier3A)
    %eq3A = arith.constant 0 : i32
    %eq3A_24 = arith.cmpi eq, %arg0, %eq3A : i32
    %convert_element_type3A = arith.extui %eq3A_24 : i1 to i32
    %cond3A = arith.constant 0 : i32
    %cond3A_25 = arith.cmpi ne, %convert_element_type3A, %cond3A : i32
    scf.if %cond3A_25 {
      %scan3A_31 = arith.constant 0 : i32
      %scan3A_32 = arith.constant 0 : i32
      %scan3A_33 = arith.constant 21 : i32
      %scan3A_34 = arith.addi %scan3A_32, %scan3A_33 : i32
      %scan3A_35 = arith.constant 1 : i32
      scf.for %scan3A_58 = %scan3A_32 to %scan3A_34 step %scan3A_35  : i32 {
        %mul3A_59 = arith.constant 168 : i32
        %mul3A_60 = arith.muli %arg1, %mul3A_59 : i32
        %mul3A_61 = arith.constant 8 : i32
        %mul3A_62 = arith.muli %scan3A_58, %mul3A_61 : i32
        %add3A_63 = arith.addi %mul3A_60, %mul3A_62 : i32
        "tpu.region"() ({
          %run_scoped3A = tpu.sem_alloc : memref<!tpu.dma_semaphore, #tpu.memory_space<semaphore_mem>>
          %dma_start3A = arith.constant 0 : i32
          %dma_start3A_70 = tpu.memref_slice %arg2[%add3A_63, %dma_start3A] : memref<2688x128xi32, #tpu.memory_space<hbm>> -> memref<8x128xi32, #tpu.memory_space<hbm>>
          %dma_start3A_71 = arith.constant 0 : i32
          %dma_start3A_72 = tpu.memref_slice %arg2[%add3A_63, %dma_start3A_71] : memref<2688x128xi32, #tpu.memory_space<hbm>> -> memref<8x128xi32, #tpu.memory_space<hbm>>
          tpu.enqueue_dma source(%dma_start3A_72 : memref<8x128xi32, #tpu.memory_space<hbm>>) target(%arg9 : memref<8x128xi32, #tpu.memory_space<vmem>>) target_semaphore(%run_scoped3A : memref<!tpu.dma_semaphore, #tpu.memory_space<semaphore_mem>>)
          %dma_wait3A = arith.constant 0 : i32
          %dma_wait3A_73 = tpu.memref_slice %arg2[%add3A_63, %dma_wait3A] : memref<2688x128xi32, #tpu.memory_space<hbm>> -> memref<8x128xi32, #tpu.memory_space<hbm>>
          %dma_wait3A_74 = arith.constant 0 : i32
          %dma_wait3A_75 = tpu.memref_slice %arg2[%add3A_63, %dma_wait3A_74] : memref<2688x128xi32, #tpu.memory_space<hbm>> -> memref<8x128xi32, #tpu.memory_space<hbm>>
          tpu.wait_dma2 semaphore(%run_scoped3A : memref<!tpu.dma_semaphore, #tpu.memory_space<semaphore_mem>>) src(%dma_wait3A_75 : memref<8x128xi32, #tpu.memory_space<hbm>>) dst(%arg9 : memref<8x128xi32, #tpu.memory_space<vmem>>)
          tpu.yield
        }) : () -> ()
        "tpu.region"() ({
          %run_scoped3A = tpu.sem_alloc : memref<!tpu.dma_semaphore, #tpu.memory_space<semaphore_mem>>
          %dma_start3A = arith.constant 0 : i32
          %dma_start3A_70 = tpu.memref_slice %arg3[%add3A_63, %dma_start3A] : memref<2688x128xi32, #tpu.memory_space<hbm>> -> memref<8x128xi32, #tpu.memory_space<hbm>>
          %dma_start3A_71 = arith.constant 0 : i32
          %dma_start3A_72 = tpu.memref_slice %arg3[%add3A_63, %dma_start3A_71] : memref<2688x128xi32, #tpu.memory_space<hbm>> -> memref<8x128xi32, #tpu.memory_space<hbm>>
          tpu.enqueue_dma source(%dma_start3A_72 : memref<8x128xi32, #tpu.memory_space<hbm>>) target(%arg10 : memref<8x128xi32, #tpu.memory_space<vmem>>) target_semaphore(%run_scoped3A : memref<!tpu.dma_semaphore, #tpu.memory_space<semaphore_mem>>)
          %dma_wait3A = arith.constant 0 : i32
          %dma_wait3A_73 = tpu.memref_slice %arg3[%add3A_63, %dma_wait3A] : memref<2688x128xi32, #tpu.memory_space<hbm>> -> memref<8x128xi32, #tpu.memory_space<hbm>>
          %dma_wait3A_74 = arith.constant 0 : i32
          %dma_wait3A_75 = tpu.memref_slice %arg3[%add3A_63, %dma_wait3A_74] : memref<2688x128xi32, #tpu.memory_space<hbm>> -> memref<8x128xi32, #tpu.memory_space<hbm>>
          tpu.wait_dma2 semaphore(%run_scoped3A : memref<!tpu.dma_semaphore, #tpu.memory_space<semaphore_mem>>) src(%dma_wait3A_75 : memref<8x128xi32, #tpu.memory_space<hbm>>) dst(%arg10 : memref<8x128xi32, #tpu.memory_space<vmem>>)
          tpu.yield
        }) : () -> ()
        "tpu.region"() ({
          %run_scoped3A = tpu.sem_alloc : memref<!tpu.dma_semaphore, #tpu.memory_space<semaphore_mem>>
          %dma_start3A = arith.constant 0 : i32
          %dma_start3A_70 = tpu.memref_slice %arg4[%add3A_63, %dma_start3A] : memref<2688x128xf32, #tpu.memory_space<hbm>> -> memref<8x128xf32, #tpu.memory_space<hbm>>
          %dma_start3A_71 = arith.constant 0 : i32
          %dma_start3A_72 = tpu.memref_slice %arg4[%add3A_63, %dma_start3A_71] : memref<2688x128xf32, #tpu.memory_space<hbm>> -> memref<8x128xf32, #tpu.memory_space<hbm>>
          tpu.enqueue_dma source(%dma_start3A_72 : memref<8x128xf32, #tpu.memory_space<hbm>>) target(%arg11 : memref<8x128xf32, #tpu.memory_space<vmem>>) target_semaphore(%run_scoped3A : memref<!tpu.dma_semaphore, #tpu.memory_space<semaphore_mem>>)
          %dma_wait3A = arith.constant 0 : i32
          %dma_wait3A_73 = tpu.memref_slice %arg4[%add3A_63, %dma_wait3A] : memref<2688x128xf32, #tpu.memory_space<hbm>> -> memref<8x128xf32, #tpu.memory_space<hbm>>
          %dma_wait3A_74 = arith.constant 0 : i32
          %dma_wait3A_75 = tpu.memref_slice %arg4[%add3A_63, %dma_wait3A_74] : memref<2688x128xf32, #tpu.memory_space<hbm>> -> memref<8x128xf32, #tpu.memory_space<hbm>>
          tpu.wait_dma2 semaphore(%run_scoped3A : memref<!tpu.dma_semaphore, #tpu.memory_space<semaphore_mem>>) src(%dma_wait3A_75 : memref<8x128xf32, #tpu.memory_space<hbm>>) dst(%arg11 : memref<8x128xf32, #tpu.memory_space<vmem>>)
          tpu.yield
        }) : () -> ()
        %scan3A_64 = arith.constant 0 : i32
        %scan3A_65 = arith.constant 0 : i32
        %scan3A_66 = arith.constant 8 : i32
        %scan3A_67 = arith.addi %scan3A_65, %scan3A_66 : i32
        %scan3A_68 = arith.constant 1 : i32
        scf.for %scan3A_70 = %scan3A_65 to %scan3A_67 step %scan3A_68  : i32 {
          %dma_start3A = arith.constant 0 : i32
          %dma_start3A_71 = tpu.memref_slice %arg9[%scan3A_70, %dma_start3A] : memref<8x128xi32, #tpu.memory_space<vmem>> -> memref<1x128xi32, #tpu.memory_space<vmem>>
          %dma_start3A_72 = tpu.memref_squeeze %dma_start3A_71 : memref<1x128xi32, #tpu.memory_space<vmem>> -> memref<128xi32, #tpu.memory_space<vmem>>
          %dma_start3A_73 = arith.constant 0 : i32
          %dma_start3A_74 = arith.constant 0 : i32
          %dma_start3A_75 = tpu.memref_slice %arg5[%dma_start3A_73, %dma_start3A_74] : memref<10240x128xf32, #tpu.memory_space<hbm>> -> memref<10240x128xf32, #tpu.memory_space<hbm>>
          tpu.enqueue_indirect_dma source(%dma_start3A_75 : memref<10240x128xf32, #tpu.memory_space<hbm>>) target(%arg12 : memref<128x128xf32, #tpu.memory_space<vmem>>) offsets(%dma_start3A_72 : memref<128xi32, #tpu.memory_space<vmem>>) semaphore(%arg15 : memref<!tpu.dma_semaphore, #tpu.memory_space<semaphore_mem>>)
          %dma_wait3A = arith.constant 0 : i32
          %dma_wait3A_76 = tpu.memref_slice %arg9[%scan3A_70, %dma_wait3A] : memref<8x128xi32, #tpu.memory_space<vmem>> -> memref<1x128xi32, #tpu.memory_space<vmem>>
          %dma_wait3A_77 = tpu.memref_squeeze %dma_wait3A_76 : memref<1x128xi32, #tpu.memory_space<vmem>> -> memref<128xi32, #tpu.memory_space<vmem>>
          %dma_wait3A_78 = arith.constant 0 : i32
          %dma_wait3A_79 = arith.constant 0 : i32
          %dma_wait3A_80 = tpu.memref_slice %arg5[%dma_wait3A_78, %dma_wait3A_79] : memref<10240x128xf32, #tpu.memory_space<hbm>> -> memref<10240x128xf32, #tpu.memory_space<hbm>>
          tpu.wait_indirect_dma semaphore(%arg15 : memref<!tpu.dma_semaphore, #tpu.memory_space<semaphore_mem>>) src(%dma_wait3A_80 : memref<10240x128xf32, #tpu.memory_space<hbm>>) dst(%arg12 : memref<128x128xf32, #tpu.memory_space<vmem>>)
          %scan3A_81 = arith.constant 0 : i32
          %scan3A_82 = arith.constant 0 : i32
          %scan3A_83 = arith.constant 128 : i32
          %scan3A_84 = arith.addi %scan3A_82, %scan3A_83 : i32
          %scan3A_85 = arith.constant 1 : i32
          scf.for %scan3A_87 = %scan3A_82 to %scan3A_84 step %scan3A_85  : i32 {
            %broadcast_in_dim3A_88 = vector.broadcast %scan3A_70 : i32 to vector<16xi32>
            %broadcast_in_dim3A_89 = vector.broadcast %scan3A_87 : i32 to vector<16xi32>
            %gather3A = tpu.vector_load_idx %arg11[%broadcast_in_dim3A_88, %broadcast_in_dim3A_89] : memref<8x128xf32, #tpu.memory_space<vmem>>[vector<16xi32>, vector<16xi32>], vector<16xf32>,
            %get3A = arith.index_cast %scan3A_87 : i32 to index
            %get3A_90 = arith.constant 0 : index
            %get3A_91 = tpu.vector_load %arg12[%get3A, %get3A_90] {strides = array<i32>} : memref<128x128xf32, #tpu.memory_space<vmem>>, vector<16xf32>,
            %mul3A_92 = arith.mulf %get3A_91, %gather3A : vector<16xf32>
            %swap3A = arith.index_cast %scan3A_87 : i32 to index
            %swap3A_93 = arith.constant 0 : index
            %swap3A_94 = tpu.vector_load %arg13[%swap3A, %swap3A_93] {strides = array<i32>} : memref<128x128xf32, #tpu.memory_space<vmem>>, vector<16xf32>,
            tpu.vector_store %arg13[%swap3A, %swap3A_93], %mul3A_92 {strides = array<i32>} : memref<128x128xf32, #tpu.memory_space<vmem>>, vector<16xf32>,
            %get3A_95 = arith.index_cast %scan3A_87 : i32 to index
            %get3A_96 = arith.constant 16 : index
            %get3A_97 = tpu.vector_load %arg12[%get3A_95, %get3A_96] {strides = array<i32>} : memref<128x128xf32, #tpu.memory_space<vmem>>, vector<16xf32>,
            %mul3A_98 = arith.mulf %get3A_97, %gather3A : vector<16xf32>
            %swap3A_99 = arith.index_cast %scan3A_87 : i32 to index
            %swap3A_100 = arith.constant 16 : index
            %swap3A_101 = tpu.vector_load %arg13[%swap3A_99, %swap3A_100] {strides = array<i32>} : memref<128x128xf32, #tpu.memory_space<vmem>>, vector<16xf32>,
            tpu.vector_store %arg13[%swap3A_99, %swap3A_100], %mul3A_98 {strides = array<i32>} : memref<128x128xf32, #tpu.memory_space<vmem>>, vector<16xf32>,
            %get3A_102 = arith.index_cast %scan3A_87 : i32 to index
            %get3A_103 = arith.constant 32 : index
            %get3A_104 = tpu.vector_load %arg12[%get3A_102, %get3A_103] {strides = array<i32>} : memref<128x128xf32, #tpu.memory_space<vmem>>, vector<16xf32>,
            %mul3A_105 = arith.mulf %get3A_104, %gather3A : vector<16xf32>
            %swap3A_106 = arith.index_cast %scan3A_87 : i32 to index
            %swap3A_107 = arith.constant 32 : index
            %swap3A_108 = tpu.vector_load %arg13[%swap3A_106, %swap3A_107] {strides = array<i32>} : memref<128x128xf32, #tpu.memory_space<vmem>>, vector<16xf32>,
            tpu.vector_store %arg13[%swap3A_106, %swap3A_107], %mul3A_105 {strides = array<i32>} : memref<128x128xf32, #tpu.memory_space<vmem>>, vector<16xf32>,
            %get3A_109 = arith.index_cast %scan3A_87 : i32 to index
            %get3A_110 = arith.constant 48 : index
            %get3A_111 = tpu.vector_load %arg12[%get3A_109, %get3A_110] {strides = array<i32>} : memref<128x128xf32, #tpu.memory_space<vmem>>, vector<16xf32>,
            %mul3A_112 = arith.mulf %get3A_111, %gather3A : vector<16xf32>
            %swap3A_113 = arith.index_cast %scan3A_87 : i32 to index
            %swap3A_114 = arith.constant 48 : index
            %swap3A_115 = tpu.vector_load %arg13[%swap3A_113, %swap3A_114] {strides = array<i32>} : memref<128x128xf32, #tpu.memory_space<vmem>>, vector<16xf32>,
            tpu.vector_store %arg13[%swap3A_113, %swap3A_114], %mul3A_112 {strides = array<i32>} : memref<128x128xf32, #tpu.memory_space<vmem>>, vector<16xf32>,
            %get3A_116 = arith.index_cast %scan3A_87 : i32 to index
            %get3A_117 = arith.constant 64 : index
            %get3A_118 = tpu.vector_load %arg12[%get3A_116, %get3A_117] {strides = array<i32>} : memref<128x128xf32, #tpu.memory_space<vmem>>, vector<16xf32>,
            %mul3A_119 = arith.mulf %get3A_118, %gather3A : vector<16xf32>
            %swap3A_120 = arith.index_cast %scan3A_87 : i32 to index
            %swap3A_121 = arith.constant 64 : index
            %swap3A_122 = tpu.vector_load %arg13[%swap3A_120, %swap3A_121] {strides = array<i32>} : memref<128x128xf32, #tpu.memory_space<vmem>>, vector<16xf32>,
            tpu.vector_store %arg13[%swap3A_120, %swap3A_121], %mul3A_119 {strides = array<i32>} : memref<128x128xf32, #tpu.memory_space<vmem>>, vector<16xf32>,
            %get3A_123 = arith.index_cast %scan3A_87 : i32 to index
            %get3A_124 = arith.constant 80 : index
            %get3A_125 = tpu.vector_load %arg12[%get3A_123, %get3A_124] {strides = array<i32>} : memref<128x128xf32, #tpu.memory_space<vmem>>, vector<16xf32>,
            %mul3A_126 = arith.mulf %get3A_125, %gather3A : vector<16xf32>
            %swap3A_127 = arith.index_cast %scan3A_87 : i32 to index
            %swap3A_128 = arith.constant 80 : index
            %swap3A_129 = tpu.vector_load %arg13[%swap3A_127, %swap3A_128] {strides = array<i32>} : memref<128x128xf32, #tpu.memory_space<vmem>>, vector<16xf32>,
            tpu.vector_store %arg13[%swap3A_127, %swap3A_128], %mul3A_126 {strides = array<i32>} : memref<128x128xf32, #tpu.memory_space<vmem>>, vector<16xf32>,
            %get3A_130 = arith.index_cast %scan3A_87 : i32 to index
            %get3A_131 = arith.constant 96 : index
            %get3A_132 = tpu.vector_load %arg12[%get3A_130, %get3A_131] {strides = array<i32>} : memref<128x128xf32, #tpu.memory_space<vmem>>, vector<16xf32>,
            %mul3A_133 = arith.mulf %get3A_132, %gather3A : vector<16xf32>
            %swap3A_134 = arith.index_cast %scan3A_87 : i32 to index
            %swap3A_135 = arith.constant 96 : index
            %swap3A_136 = tpu.vector_load %arg13[%swap3A_134, %swap3A_135] {strides = array<i32>} : memref<128x128xf32, #tpu.memory_space<vmem>>, vector<16xf32>,
            tpu.vector_store %arg13[%swap3A_134, %swap3A_135], %mul3A_133 {strides = array<i32>} : memref<128x128xf32, #tpu.memory_space<vmem>>, vector<16xf32>,
            %get3A_137 = arith.index_cast %scan3A_87 : i32 to index
            %get3A_138 = arith.constant 112 : index
            %get3A_139 = tpu.vector_load %arg12[%get3A_137, %get3A_138] {strides = array<i32>} : memref<128x128xf32, #tpu.memory_space<vmem>>, vector<16xf32>,
            %mul3A_140 = arith.mulf %get3A_139, %gather3A : vector<16xf32>
            %swap3A_141 = arith.index_cast %scan3A_87 : i32 to index
            %swap3A_142 = arith.constant 112 : index
            %swap3A_143 = tpu.vector_load %arg13[%swap3A_141, %swap3A_142] {strides = array<i32>} : memref<128x128xf32, #tpu.memory_space<vmem>>, vector<16xf32>,
            tpu.vector_store %arg13[%swap3A_141, %swap3A_142], %mul3A_140 {strides = array<i32>} : memref<128x128xf32, #tpu.memory_space<vmem>>, vector<16xf32>,
          }
          %scan3A_86 = arith.constant 128 : i32
          "tpu.region"() ({
            %run_scoped3A = tpu.sem_alloc : memref<!tpu.dma_semaphore, #tpu.memory_space<semaphore_mem>>
            %dma_start3A_87 = arith.constant 0 : i32
            %dma_start3A_88 = tpu.memref_slice %arg10[%scan3A_70, %dma_start3A_87] : memref<8x128xi32, #tpu.memory_space<vmem>> -> memref<1x128xi32, #tpu.memory_space<vmem>>
            %dma_start3A_89 = tpu.memref_squeeze %dma_start3A_88 : memref<1x128xi32, #tpu.memory_space<vmem>> -> memref<128xi32, #tpu.memory_space<vmem>>
            %dma_start3A_90 = arith.constant 0 : i32
            %dma_start3A_91 = arith.constant 0 : i32
            %dma_start3A_92 = tpu.memref_slice %arg14[%dma_start3A_90, %dma_start3A_91] : memref<10240x128xf32, #tpu.memory_space<vmem_shared>> -> memref<10240x128xf32, #tpu.memory_space<vmem_shared>>
            tpu.enqueue_indirect_dma source(%arg13 : memref<128x128xf32, #tpu.memory_space<vmem>>) target(%dma_start3A_92 : memref<10240x128xf32, #tpu.memory_space<vmem_shared>>) offsets(%dma_start3A_89 : memref<128xi32, #tpu.memory_space<vmem>>) semaphore(%run_scoped3A : memref<!tpu.dma_semaphore, #tpu.memory_space<semaphore_mem>>) {add = true}
            %dma_wait3A_93 = arith.constant 0 : i32
            %dma_wait3A_94 = tpu.memref_slice %arg10[%scan3A_70, %dma_wait3A_93] : memref<8x128xi32, #tpu.memory_space<vmem>> -> memref<1x128xi32, #tpu.memory_space<vmem>>
            %dma_wait3A_95 = tpu.memref_squeeze %dma_wait3A_94 : memref<1x128xi32, #tpu.memory_space<vmem>> -> memref<128xi32, #tpu.memory_space<vmem>>
            %dma_wait3A_96 = arith.constant 0 : i32
            %dma_wait3A_97 = arith.constant 0 : i32
            %dma_wait3A_98 = tpu.memref_slice %arg14[%dma_wait3A_96, %dma_wait3A_97] : memref<10240x128xf32, #tpu.memory_space<vmem_shared>> -> memref<10240x128xf32, #tpu.memory_space<vmem_shared>>
            tpu.wait_indirect_dma semaphore(%run_scoped3A : memref<!tpu.dma_semaphore, #tpu.memory_space<semaphore_mem>>) src(%arg13 : memref<128x128xf32, #tpu.memory_space<vmem>>) dst(%dma_wait3A_98 : memref<10240x128xf32, #tpu.memory_space<vmem_shared>>)
            tpu.yield
          }) : () -> ()
        }
        %scan3A_69 = arith.constant 8 : i32
      }
      %scan3A_36 = arith.constant 21 : i32
      %barrier3A_37 = arith.constant 0 : index
      tpu.barrier barrier_id(%barrier3A_37)
      %mul3A_38 = arith.constant 640 : i32
      %mul3A_39 = arith.muli %arg1, %mul3A_38 : i32
      %add3A_40 = arith.constant 0 : i32
      %add3A_41 = arith.addi %mul3A_39, %add3A_40 : i32
      "tpu.region"() ({
        %run_scoped3A = tpu.sem_alloc : memref<!tpu.dma_semaphore, #tpu.memory_space<semaphore_mem>>
        %dma_start3A = arith.constant 0 : i32
        %dma_start3A_58 = tpu.memref_slice %arg14[%add3A_41, %dma_start3A] : memref<10240x128xf32, #tpu.memory_space<vmem_shared>> -> memref<128x128xf32, #tpu.memory_space<vmem_shared>>
        %dma_start3A_59 = arith.constant 0 : i32
        %dma_start3A_60 = tpu.memref_slice %arg14[%add3A_41, %dma_start3A_59] : memref<10240x128xf32, #tpu.memory_space<vmem_shared>> -> memref<128x128xf32, #tpu.memory_space<vmem_shared>>
        tpu.enqueue_dma source(%dma_start3A_60 : memref<128x128xf32, #tpu.memory_space<vmem_shared>>) target(%arg12 : memref<128x128xf32, #tpu.memory_space<vmem>>) target_semaphore(%run_scoped3A : memref<!tpu.dma_semaphore, #tpu.memory_space<semaphore_mem>>)
        %dma_wait3A = arith.constant 0 : i32
        %dma_wait3A_61 = tpu.memref_slice %arg14[%add3A_41, %dma_wait3A] : memref<10240x128xf32, #tpu.memory_space<vmem_shared>> -> memref<128x128xf32, #tpu.memory_space<vmem_shared>>
        %dma_wait3A_62 = arith.constant 0 : i32
        %dma_wait3A_63 = tpu.memref_slice %arg14[%add3A_41, %dma_wait3A_62] : memref<10240x128xf32, #tpu.memory_space<vmem_shared>> -> memref<128x128xf32, #tpu.memory_space<vmem_shared>>
        tpu.wait_dma2 semaphore(%run_scoped3A : memref<!tpu.dma_semaphore, #tpu.memory_space<semaphore_mem>>) src(%dma_wait3A_63 : memref<128x128xf32, #tpu.memory_space<vmem_shared>>) dst(%arg12 : memref<128x128xf32, #tpu.memory_space<vmem>>)
        tpu.yield
      }) : () -> ()
      "tpu.region"() ({
        %run_scoped3A = tpu.sem_alloc : memref<!tpu.dma_semaphore, #tpu.memory_space<semaphore_mem>>
        %dma_start3A = arith.constant 0 : i32
        %dma_start3A_58 = tpu.memref_slice %arg7[%add3A_41, %dma_start3A] : memref<10240x128xf32, #tpu.memory_space<hbm>> -> memref<128x128xf32, #tpu.memory_space<hbm>>
        %dma_start3A_59 = arith.constant 0 : i32
        %dma_start3A_60 = tpu.memref_slice %arg7[%add3A_41, %dma_start3A_59] : memref<10240x128xf32, #tpu.memory_space<hbm>> -> memref<128x128xf32, #tpu.memory_space<hbm>>
        tpu.enqueue_dma source(%arg12 : memref<128x128xf32, #tpu.memory_space<vmem>>) target(%dma_start3A_60 : memref<128x128xf32, #tpu.memory_space<hbm>>) target_semaphore(%run_scoped3A : memref<!tpu.dma_semaphore, #tpu.memory_space<semaphore_mem>>)
        %dma_wait3A = arith.constant 0 : i32
        %dma_wait3A_61 = tpu.memref_slice %arg7[%add3A_41, %dma_wait3A] : memref<10240x128xf32, #tpu.memory_space<hbm>> -> memref<128x128xf32, #tpu.memory_space<hbm>>
        %dma_wait3A_62 = arith.constant 0 : i32
        %dma_wait3A_63 = tpu.memref_slice %arg7[%add3A_41, %dma_wait3A_62] : memref<10240x128xf32, #tpu.memory_space<hbm>> -> memref<128x128xf32, #tpu.memory_space<hbm>>
        tpu.wait_dma2 semaphore(%run_scoped3A : memref<!tpu.dma_semaphore, #tpu.memory_space<semaphore_mem>>) src(%arg12 : memref<128x128xf32, #tpu.memory_space<vmem>>) dst(%dma_wait3A_63 : memref<128x128xf32, #tpu.memory_space<hbm>>)
        tpu.yield
      }) : () -> ()
      %mul3A_42 = arith.constant 640 : i32
      %mul3A_43 = arith.muli %arg1, %mul3A_42 : i32
      %add3A_44 = arith.constant 128 : i32
      %add3A_45 = arith.addi %mul3A_43, %add3A_44 : i32
      "tpu.region"() ({
        %run_scoped3A = tpu.sem_alloc : memref<!tpu.dma_semaphore, #tpu.memory_space<semaphore_mem>>
        %dma_start3A = arith.constant 0 : i32
        %dma_start3A_58 = tpu.memref_slice %arg14[%add3A_45, %dma_start3A] : memref<10240x128xf32, #tpu.memory_space<vmem_shared>> -> memref<128x128xf32, #tpu.memory_space<vmem_shared>>
        %dma_start3A_59 = arith.constant 0 : i32
        %dma_start3A_60 = tpu.memref_slice %arg14[%add3A_45, %dma_start3A_59] : memref<10240x128xf32, #tpu.memory_space<vmem_shared>> -> memref<128x128xf32, #tpu.memory_space<vmem_shared>>
        tpu.enqueue_dma source(%dma_start3A_60 : memref<128x128xf32, #tpu.memory_space<vmem_shared>>) target(%arg12 : memref<128x128xf32, #tpu.memory_space<vmem>>) target_semaphore(%run_scoped3A : memref<!tpu.dma_semaphore, #tpu.memory_space<semaphore_mem>>)
        %dma_wait3A = arith.constant 0 : i32
        %dma_wait3A_61 = tpu.memref_slice %arg14[%add3A_45, %dma_wait3A] : memref<10240x128xf32, #tpu.memory_space<vmem_shared>> -> memref<128x128xf32, #tpu.memory_space<vmem_shared>>
        %dma_wait3A_62 = arith.constant 0 : i32
        %dma_wait3A_63 = tpu.memref_slice %arg14[%add3A_45, %dma_wait3A_62] : memref<10240x128xf32, #tpu.memory_space<vmem_shared>> -> memref<128x128xf32, #tpu.memory_space<vmem_shared>>
        tpu.wait_dma2 semaphore(%run_scoped3A : memref<!tpu.dma_semaphore, #tpu.memory_space<semaphore_mem>>) src(%dma_wait3A_63 : memref<128x128xf32, #tpu.memory_space<vmem_shared>>) dst(%arg12 : memref<128x128xf32, #tpu.memory_space<vmem>>)
        tpu.yield
      }) : () -> ()
      "tpu.region"() ({
        %run_scoped3A = tpu.sem_alloc : memref<!tpu.dma_semaphore, #tpu.memory_space<semaphore_mem>>
        %dma_start3A = arith.constant 0 : i32
        %dma_start3A_58 = tpu.memref_slice %arg7[%add3A_45, %dma_start3A] : memref<10240x128xf32, #tpu.memory_space<hbm>> -> memref<128x128xf32, #tpu.memory_space<hbm>>
        %dma_start3A_59 = arith.constant 0 : i32
        %dma_start3A_60 = tpu.memref_slice %arg7[%add3A_45, %dma_start3A_59] : memref<10240x128xf32, #tpu.memory_space<hbm>> -> memref<128x128xf32, #tpu.memory_space<hbm>>
        tpu.enqueue_dma source(%arg12 : memref<128x128xf32, #tpu.memory_space<vmem>>) target(%dma_start3A_60 : memref<128x128xf32, #tpu.memory_space<hbm>>) target_semaphore(%run_scoped3A : memref<!tpu.dma_semaphore, #tpu.memory_space<semaphore_mem>>)
        %dma_wait3A = arith.constant 0 : i32
        %dma_wait3A_61 = tpu.memref_slice %arg7[%add3A_45, %dma_wait3A] : memref<10240x128xf32, #tpu.memory_space<hbm>> -> memref<128x128xf32, #tpu.memory_space<hbm>>
        %dma_wait3A_62 = arith.constant 0 : i32
        %dma_wait3A_63 = tpu.memref_slice %arg7[%add3A_45, %dma_wait3A_62] : memref<10240x128xf32, #tpu.memory_space<hbm>> -> memref<128x128xf32, #tpu.memory_space<hbm>>
        tpu.wait_dma2 semaphore(%run_scoped3A : memref<!tpu.dma_semaphore, #tpu.memory_space<semaphore_mem>>) src(%arg12 : memref<128x128xf32, #tpu.memory_space<vmem>>) dst(%dma_wait3A_63 : memref<128x128xf32, #tpu.memory_space<hbm>>)
        tpu.yield
      }) : () -> ()
      %mul3A_46 = arith.constant 640 : i32
      %mul3A_47 = arith.muli %arg1, %mul3A_46 : i32
      %add3A_48 = arith.constant 256 : i32
      %add3A_49 = arith.addi %mul3A_47, %add3A_48 : i32
      "tpu.region"() ({
        %run_scoped3A = tpu.sem_alloc : memref<!tpu.dma_semaphore, #tpu.memory_space<semaphore_mem>>
        %dma_start3A = arith.constant 0 : i32
        %dma_start3A_58 = tpu.memref_slice %arg14[%add3A_49, %dma_start3A] : memref<10240x128xf32, #tpu.memory_space<vmem_shared>> -> memref<128x128xf32, #tpu.memory_space<vmem_shared>>
        %dma_start3A_59 = arith.constant 0 : i32
        %dma_start3A_60 = tpu.memref_slice %arg14[%add3A_49, %dma_start3A_59] : memref<10240x128xf32, #tpu.memory_space<vmem_shared>> -> memref<128x128xf32, #tpu.memory_space<vmem_shared>>
        tpu.enqueue_dma source(%dma_start3A_60 : memref<128x128xf32, #tpu.memory_space<vmem_shared>>) target(%arg12 : memref<128x128xf32, #tpu.memory_space<vmem>>) target_semaphore(%run_scoped3A : memref<!tpu.dma_semaphore, #tpu.memory_space<semaphore_mem>>)
        %dma_wait3A = arith.constant 0 : i32
        %dma_wait3A_61 = tpu.memref_slice %arg14[%add3A_49, %dma_wait3A] : memref<10240x128xf32, #tpu.memory_space<vmem_shared>> -> memref<128x128xf32, #tpu.memory_space<vmem_shared>>
        %dma_wait3A_62 = arith.constant 0 : i32
        %dma_wait3A_63 = tpu.memref_slice %arg14[%add3A_49, %dma_wait3A_62] : memref<10240x128xf32, #tpu.memory_space<vmem_shared>> -> memref<128x128xf32, #tpu.memory_space<vmem_shared>>
        tpu.wait_dma2 semaphore(%run_scoped3A : memref<!tpu.dma_semaphore, #tpu.memory_space<semaphore_mem>>) src(%dma_wait3A_63 : memref<128x128xf32, #tpu.memory_space<vmem_shared>>) dst(%arg12 : memref<128x128xf32, #tpu.memory_space<vmem>>)
        tpu.yield
      }) : () -> ()
      "tpu.region"() ({
        %run_scoped3A = tpu.sem_alloc : memref<!tpu.dma_semaphore, #tpu.memory_space<semaphore_mem>>
        %dma_start3A = arith.constant 0 : i32
        %dma_start3A_58 = tpu.memref_slice %arg7[%add3A_49, %dma_start3A] : memref<10240x128xf32, #tpu.memory_space<hbm>> -> memref<128x128xf32, #tpu.memory_space<hbm>>
        %dma_start3A_59 = arith.constant 0 : i32
        %dma_start3A_60 = tpu.memref_slice %arg7[%add3A_49, %dma_start3A_59] : memref<10240x128xf32, #tpu.memory_space<hbm>> -> memref<128x128xf32, #tpu.memory_space<hbm>>
        tpu.enqueue_dma source(%arg12 : memref<128x128xf32, #tpu.memory_space<vmem>>) target(%dma_start3A_60 : memref<128x128xf32, #tpu.memory_space<hbm>>) target_semaphore(%run_scoped3A : memref<!tpu.dma_semaphore, #tpu.memory_space<semaphore_mem>>)
        %dma_wait3A = arith.constant 0 : i32
        %dma_wait3A_61 = tpu.memref_slice %arg7[%add3A_49, %dma_wait3A] : memref<10240x128xf32, #tpu.memory_space<hbm>> -> memref<128x128xf32, #tpu.memory_space<hbm>>
        %dma_wait3A_62 = arith.constant 0 : i32
        %dma_wait3A_63 = tpu.memref_slice %arg7[%add3A_49, %dma_wait3A_62] : memref<10240x128xf32, #tpu.memory_space<hbm>> -> memref<128x128xf32, #tpu.memory_space<hbm>>
        tpu.wait_dma2 semaphore(%run_scoped3A : memref<!tpu.dma_semaphore, #tpu.memory_space<semaphore_mem>>) src(%arg12 : memref<128x128xf32, #tpu.memory_space<vmem>>) dst(%dma_wait3A_63 : memref<128x128xf32, #tpu.memory_space<hbm>>)
        tpu.yield
      }) : () -> ()
      %mul3A_50 = arith.constant 640 : i32
      %mul3A_51 = arith.muli %arg1, %mul3A_50 : i32
      %add3A_52 = arith.constant 384 : i32
      %add3A_53 = arith.addi %mul3A_51, %add3A_52 : i32
      "tpu.region"() ({
        %run_scoped3A = tpu.sem_alloc : memref<!tpu.dma_semaphore, #tpu.memory_space<semaphore_mem>>
        %dma_start3A = arith.constant 0 : i32
        %dma_start3A_58 = tpu.memref_slice %arg14[%add3A_53, %dma_start3A] : memref<10240x128xf32, #tpu.memory_space<vmem_shared>> -> memref<128x128xf32, #tpu.memory_space<vmem_shared>>
        %dma_start3A_59 = arith.constant 0 : i32
        %dma_start3A_60 = tpu.memref_slice %arg14[%add3A_53, %dma_start3A_59] : memref<10240x128xf32, #tpu.memory_space<vmem_shared>> -> memref<128x128xf32, #tpu.memory_space<vmem_shared>>
        tpu.enqueue_dma source(%dma_start3A_60 : memref<128x128xf32, #tpu.memory_space<vmem_shared>>) target(%arg12 : memref<128x128xf32, #tpu.memory_space<vmem>>) target_semaphore(%run_scoped3A : memref<!tpu.dma_semaphore, #tpu.memory_space<semaphore_mem>>)
        %dma_wait3A = arith.constant 0 : i32
        %dma_wait3A_61 = tpu.memref_slice %arg14[%add3A_53, %dma_wait3A] : memref<10240x128xf32, #tpu.memory_space<vmem_shared>> -> memref<128x128xf32, #tpu.memory_space<vmem_shared>>
        %dma_wait3A_62 = arith.constant 0 : i32
        %dma_wait3A_63 = tpu.memref_slice %arg14[%add3A_53, %dma_wait3A_62] : memref<10240x128xf32, #tpu.memory_space<vmem_shared>> -> memref<128x128xf32, #tpu.memory_space<vmem_shared>>
        tpu.wait_dma2 semaphore(%run_scoped3A : memref<!tpu.dma_semaphore, #tpu.memory_space<semaphore_mem>>) src(%dma_wait3A_63 : memref<128x128xf32, #tpu.memory_space<vmem_shared>>) dst(%arg12 : memref<128x128xf32, #tpu.memory_space<vmem>>)
        tpu.yield
      }) : () -> ()
      "tpu.region"() ({
        %run_scoped3A = tpu.sem_alloc : memref<!tpu.dma_semaphore, #tpu.memory_space<semaphore_mem>>
        %dma_start3A = arith.constant 0 : i32
        %dma_start3A_58 = tpu.memref_slice %arg7[%add3A_53, %dma_start3A] : memref<10240x128xf32, #tpu.memory_space<hbm>> -> memref<128x128xf32, #tpu.memory_space<hbm>>
        %dma_start3A_59 = arith.constant 0 : i32
        %dma_start3A_60 = tpu.memref_slice %arg7[%add3A_53, %dma_start3A_59] : memref<10240x128xf32, #tpu.memory_space<hbm>> -> memref<128x128xf32, #tpu.memory_space<hbm>>
        tpu.enqueue_dma source(%arg12 : memref<128x128xf32, #tpu.memory_space<vmem>>) target(%dma_start3A_60 : memref<128x128xf32, #tpu.memory_space<hbm>>) target_semaphore(%run_scoped3A : memref<!tpu.dma_semaphore, #tpu.memory_space<semaphore_mem>>)
        %dma_wait3A = arith.constant 0 : i32
        %dma_wait3A_61 = tpu.memref_slice %arg7[%add3A_53, %dma_wait3A] : memref<10240x128xf32, #tpu.memory_space<hbm>> -> memref<128x128xf32, #tpu.memory_space<hbm>>
        %dma_wait3A_62 = arith.constant 0 : i32
        %dma_wait3A_63 = tpu.memref_slice %arg7[%add3A_53, %dma_wait3A_62] : memref<10240x128xf32, #tpu.memory_space<hbm>> -> memref<128x128xf32, #tpu.memory_space<hbm>>
        tpu.wait_dma2 semaphore(%run_scoped3A : memref<!tpu.dma_semaphore, #tpu.memory_space<semaphore_mem>>) src(%arg12 : memref<128x128xf32, #tpu.memory_space<vmem>>) dst(%dma_wait3A_63 : memref<128x128xf32, #tpu.memory_space<hbm>>)
        tpu.yield
      }) : () -> ()
      %mul3A_54 = arith.constant 640 : i32
      %mul3A_55 = arith.muli %arg1, %mul3A_54 : i32
      %add3A_56 = arith.constant 512 : i32
      %add3A_57 = arith.addi %mul3A_55, %add3A_56 : i32
      "tpu.region"() ({
        %run_scoped3A = tpu.sem_alloc : memref<!tpu.dma_semaphore, #tpu.memory_space<semaphore_mem>>
        %dma_start3A = arith.constant 0 : i32
        %dma_start3A_58 = tpu.memref_slice %arg14[%add3A_57, %dma_start3A] : memref<10240x128xf32, #tpu.memory_space<vmem_shared>> -> memref<128x128xf32, #tpu.memory_space<vmem_shared>>
        %dma_start3A_59 = arith.constant 0 : i32
        %dma_start3A_60 = tpu.memref_slice %arg14[%add3A_57, %dma_start3A_59] : memref<10240x128xf32, #tpu.memory_space<vmem_shared>> -> memref<128x128xf32, #tpu.memory_space<vmem_shared>>
        tpu.enqueue_dma source(%dma_start3A_60 : memref<128x128xf32, #tpu.memory_space<vmem_shared>>) target(%arg12 : memref<128x128xf32, #tpu.memory_space<vmem>>) target_semaphore(%run_scoped3A : memref<!tpu.dma_semaphore, #tpu.memory_space<semaphore_mem>>)
        %dma_wait3A = arith.constant 0 : i32
        %dma_wait3A_61 = tpu.memref_slice %arg14[%add3A_57, %dma_wait3A] : memref<10240x128xf32, #tpu.memory_space<vmem_shared>> -> memref<128x128xf32, #tpu.memory_space<vmem_shared>>
        %dma_wait3A_62 = arith.constant 0 : i32
        %dma_wait3A_63 = tpu.memref_slice %arg14[%add3A_57, %dma_wait3A_62] : memref<10240x128xf32, #tpu.memory_space<vmem_shared>> -> memref<128x128xf32, #tpu.memory_space<vmem_shared>>
        tpu.wait_dma2 semaphore(%run_scoped3A : memref<!tpu.dma_semaphore, #tpu.memory_space<semaphore_mem>>) src(%dma_wait3A_63 : memref<128x128xf32, #tpu.memory_space<vmem_shared>>) dst(%arg12 : memref<128x128xf32, #tpu.memory_space<vmem>>)
        tpu.yield
      }) : () -> ()
      "tpu.region"() ({
        %run_scoped3A = tpu.sem_alloc : memref<!tpu.dma_semaphore, #tpu.memory_space<semaphore_mem>>
        %dma_start3A = arith.constant 0 : i32
        %dma_start3A_58 = tpu.memref_slice %arg7[%add3A_57, %dma_start3A] : memref<10240x128xf32, #tpu.memory_space<hbm>> -> memref<128x128xf32, #tpu.memory_space<hbm>>
        %dma_start3A_59 = arith.constant 0 : i32
        %dma_start3A_60 = tpu.memref_slice %arg7[%add3A_57, %dma_start3A_59] : memref<10240x128xf32, #tpu.memory_space<hbm>> -> memref<128x128xf32, #tpu.memory_space<hbm>>
        tpu.enqueue_dma source(%arg12 : memref<128x128xf32, #tpu.memory_space<vmem>>) target(%dma_start3A_60 : memref<128x128xf32, #tpu.memory_space<hbm>>) target_semaphore(%run_scoped3A : memref<!tpu.dma_semaphore, #tpu.memory_space<semaphore_mem>>)
        %dma_wait3A = arith.constant 0 : i32
        %dma_wait3A_61 = tpu.memref_slice %arg7[%add3A_57, %dma_wait3A] : memref<10240x128xf32, #tpu.memory_space<hbm>> -> memref<128x128xf32, #tpu.memory_space<hbm>>
        %dma_wait3A_62 = arith.constant 0 : i32
        %dma_wait3A_63 = tpu.memref_slice %arg7[%add3A_57, %dma_wait3A_62] : memref<10240x128xf32, #tpu.memory_space<hbm>> -> memref<128x128xf32, #tpu.memory_space<hbm>>
        tpu.wait_dma2 semaphore(%run_scoped3A : memref<!tpu.dma_semaphore, #tpu.memory_space<semaphore_mem>>) src(%arg12 : memref<128x128xf32, #tpu.memory_space<vmem>>) dst(%dma_wait3A_63 : memref<128x128xf32, #tpu.memory_space<hbm>>)
        tpu.yield
      }) : () -> ()
    } else {
    }
    %eq3A_26 = arith.constant 1 : i32
    %eq3A_27 = arith.cmpi eq, %arg0, %eq3A_26 : i32
    %convert_element_type3A_28 = arith.extui %eq3A_27 : i1 to i32
    %cond3A_29 = arith.constant 0 : i32
    %cond3A_30 = arith.cmpi ne, %convert_element_type3A_28, %cond3A_29 : i32
    scf.if %cond3A_30 {
      %scan3A_31 = arith.constant 0 : i32
      %scan3A_32 = arith.constant 0 : i32
      %scan3A_33 = arith.constant 21 : i32
      %scan3A_34 = arith.addi %scan3A_32, %scan3A_33 : i32
      %scan3A_35 = arith.constant 1 : i32
      scf.for %scan3A_58 = %scan3A_32 to %scan3A_34 step %scan3A_35  : i32 {
        %mul3A_59 = arith.constant 168 : i32
        %mul3A_60 = arith.muli %arg1, %mul3A_59 : i32
        %mul3A_61 = arith.constant 8 : i32
        %mul3A_62 = arith.muli %scan3A_58, %mul3A_61 : i32
        %add3A_63 = arith.addi %mul3A_60, %mul3A_62 : i32
        "tpu.region"() ({
          %run_scoped3A = tpu.sem_alloc : memref<!tpu.dma_semaphore, #tpu.memory_space<semaphore_mem>>
          %dma_start3A = arith.constant 0 : i32
          %dma_start3A_70 = tpu.memref_slice %arg2[%add3A_63, %dma_start3A] : memref<2688x128xi32, #tpu.memory_space<hbm>> -> memref<8x128xi32, #tpu.memory_space<hbm>>
          %dma_start3A_71 = arith.constant 0 : i32
          %dma_start3A_72 = tpu.memref_slice %arg2[%add3A_63, %dma_start3A_71] : memref<2688x128xi32, #tpu.memory_space<hbm>> -> memref<8x128xi32, #tpu.memory_space<hbm>>
          tpu.enqueue_dma source(%dma_start3A_72 : memref<8x128xi32, #tpu.memory_space<hbm>>) target(%arg9 : memref<8x128xi32, #tpu.memory_space<vmem>>) target_semaphore(%run_scoped3A : memref<!tpu.dma_semaphore, #tpu.memory_space<semaphore_mem>>)
          %dma_wait3A = arith.constant 0 : i32
          %dma_wait3A_73 = tpu.memref_slice %arg2[%add3A_63, %dma_wait3A] : memref<2688x128xi32, #tpu.memory_space<hbm>> -> memref<8x128xi32, #tpu.memory_space<hbm>>
          %dma_wait3A_74 = arith.constant 0 : i32
          %dma_wait3A_75 = tpu.memref_slice %arg2[%add3A_63, %dma_wait3A_74] : memref<2688x128xi32, #tpu.memory_space<hbm>> -> memref<8x128xi32, #tpu.memory_space<hbm>>
          tpu.wait_dma2 semaphore(%run_scoped3A : memref<!tpu.dma_semaphore, #tpu.memory_space<semaphore_mem>>) src(%dma_wait3A_75 : memref<8x128xi32, #tpu.memory_space<hbm>>) dst(%arg9 : memref<8x128xi32, #tpu.memory_space<vmem>>)
          tpu.yield
        }) : () -> ()
        "tpu.region"() ({
          %run_scoped3A = tpu.sem_alloc : memref<!tpu.dma_semaphore, #tpu.memory_space<semaphore_mem>>
          %dma_start3A = arith.constant 0 : i32
          %dma_start3A_70 = tpu.memref_slice %arg3[%add3A_63, %dma_start3A] : memref<2688x128xi32, #tpu.memory_space<hbm>> -> memref<8x128xi32, #tpu.memory_space<hbm>>
          %dma_start3A_71 = arith.constant 0 : i32
          %dma_start3A_72 = tpu.memref_slice %arg3[%add3A_63, %dma_start3A_71] : memref<2688x128xi32, #tpu.memory_space<hbm>> -> memref<8x128xi32, #tpu.memory_space<hbm>>
          tpu.enqueue_dma source(%dma_start3A_72 : memref<8x128xi32, #tpu.memory_space<hbm>>) target(%arg10 : memref<8x128xi32, #tpu.memory_space<vmem>>) target_semaphore(%run_scoped3A : memref<!tpu.dma_semaphore, #tpu.memory_space<semaphore_mem>>)
          %dma_wait3A = arith.constant 0 : i32
          %dma_wait3A_73 = tpu.memref_slice %arg3[%add3A_63, %dma_wait3A] : memref<2688x128xi32, #tpu.memory_space<hbm>> -> memref<8x128xi32, #tpu.memory_space<hbm>>
          %dma_wait3A_74 = arith.constant 0 : i32
          %dma_wait3A_75 = tpu.memref_slice %arg3[%add3A_63, %dma_wait3A_74] : memref<2688x128xi32, #tpu.memory_space<hbm>> -> memref<8x128xi32, #tpu.memory_space<hbm>>
          tpu.wait_dma2 semaphore(%run_scoped3A : memref<!tpu.dma_semaphore, #tpu.memory_space<semaphore_mem>>) src(%dma_wait3A_75 : memref<8x128xi32, #tpu.memory_space<hbm>>) dst(%arg10 : memref<8x128xi32, #tpu.memory_space<vmem>>)
          tpu.yield
        }) : () -> ()
        "tpu.region"() ({
          %run_scoped3A = tpu.sem_alloc : memref<!tpu.dma_semaphore, #tpu.memory_space<semaphore_mem>>
          %dma_start3A = arith.constant 0 : i32
          %dma_start3A_70 = tpu.memref_slice %arg4[%add3A_63, %dma_start3A] : memref<2688x128xf32, #tpu.memory_space<hbm>> -> memref<8x128xf32, #tpu.memory_space<hbm>>
          %dma_start3A_71 = arith.constant 0 : i32
          %dma_start3A_72 = tpu.memref_slice %arg4[%add3A_63, %dma_start3A_71] : memref<2688x128xf32, #tpu.memory_space<hbm>> -> memref<8x128xf32, #tpu.memory_space<hbm>>
          tpu.enqueue_dma source(%dma_start3A_72 : memref<8x128xf32, #tpu.memory_space<hbm>>) target(%arg11 : memref<8x128xf32, #tpu.memory_space<vmem>>) target_semaphore(%run_scoped3A : memref<!tpu.dma_semaphore, #tpu.memory_space<semaphore_mem>>)
          %dma_wait3A = arith.constant 0 : i32
          %dma_wait3A_73 = tpu.memref_slice %arg4[%add3A_63, %dma_wait3A] : memref<2688x128xf32, #tpu.memory_space<hbm>> -> memref<8x128xf32, #tpu.memory_space<hbm>>
          %dma_wait3A_74 = arith.constant 0 : i32
          %dma_wait3A_75 = tpu.memref_slice %arg4[%add3A_63, %dma_wait3A_74] : memref<2688x128xf32, #tpu.memory_space<hbm>> -> memref<8x128xf32, #tpu.memory_space<hbm>>
          tpu.wait_dma2 semaphore(%run_scoped3A : memref<!tpu.dma_semaphore, #tpu.memory_space<semaphore_mem>>) src(%dma_wait3A_75 : memref<8x128xf32, #tpu.memory_space<hbm>>) dst(%arg11 : memref<8x128xf32, #tpu.memory_space<vmem>>)
          tpu.yield
        }) : () -> ()
        %scan3A_64 = arith.constant 0 : i32
        %scan3A_65 = arith.constant 0 : i32
        %scan3A_66 = arith.constant 8 : i32
        %scan3A_67 = arith.addi %scan3A_65, %scan3A_66 : i32
        %scan3A_68 = arith.constant 1 : i32
        scf.for %scan3A_70 = %scan3A_65 to %scan3A_67 step %scan3A_68  : i32 {
          %dma_start3A = arith.constant 0 : i32
          %dma_start3A_71 = tpu.memref_slice %arg9[%scan3A_70, %dma_start3A] : memref<8x128xi32, #tpu.memory_space<vmem>> -> memref<1x128xi32, #tpu.memory_space<vmem>>
          %dma_start3A_72 = tpu.memref_squeeze %dma_start3A_71 : memref<1x128xi32, #tpu.memory_space<vmem>> -> memref<128xi32, #tpu.memory_space<vmem>>
          %dma_start3A_73 = arith.constant 0 : i32
          %dma_start3A_74 = arith.constant 0 : i32
          %dma_start3A_75 = tpu.memref_slice %arg6[%dma_start3A_73, %dma_start3A_74] : memref<10240x128xf32, #tpu.memory_space<hbm>> -> memref<10240x128xf32, #tpu.memory_space<hbm>>
          tpu.enqueue_indirect_dma source(%dma_start3A_75 : memref<10240x128xf32, #tpu.memory_space<hbm>>) target(%arg12 : memref<128x128xf32, #tpu.memory_space<vmem>>) offsets(%dma_start3A_72 : memref<128xi32, #tpu.memory_space<vmem>>) semaphore(%arg15 : memref<!tpu.dma_semaphore, #tpu.memory_space<semaphore_mem>>)
          %dma_wait3A = arith.constant 0 : i32
          %dma_wait3A_76 = tpu.memref_slice %arg9[%scan3A_70, %dma_wait3A] : memref<8x128xi32, #tpu.memory_space<vmem>> -> memref<1x128xi32, #tpu.memory_space<vmem>>
          %dma_wait3A_77 = tpu.memref_squeeze %dma_wait3A_76 : memref<1x128xi32, #tpu.memory_space<vmem>> -> memref<128xi32, #tpu.memory_space<vmem>>
          %dma_wait3A_78 = arith.constant 0 : i32
          %dma_wait3A_79 = arith.constant 0 : i32
          %dma_wait3A_80 = tpu.memref_slice %arg6[%dma_wait3A_78, %dma_wait3A_79] : memref<10240x128xf32, #tpu.memory_space<hbm>> -> memref<10240x128xf32, #tpu.memory_space<hbm>>
          tpu.wait_indirect_dma semaphore(%arg15 : memref<!tpu.dma_semaphore, #tpu.memory_space<semaphore_mem>>) src(%dma_wait3A_80 : memref<10240x128xf32, #tpu.memory_space<hbm>>) dst(%arg12 : memref<128x128xf32, #tpu.memory_space<vmem>>)
          %scan3A_81 = arith.constant 0 : i32
          %scan3A_82 = arith.constant 0 : i32
          %scan3A_83 = arith.constant 128 : i32
          %scan3A_84 = arith.addi %scan3A_82, %scan3A_83 : i32
          %scan3A_85 = arith.constant 1 : i32
          scf.for %scan3A_87 = %scan3A_82 to %scan3A_84 step %scan3A_85  : i32 {
            %broadcast_in_dim3A_88 = vector.broadcast %scan3A_70 : i32 to vector<16xi32>
            %broadcast_in_dim3A_89 = vector.broadcast %scan3A_87 : i32 to vector<16xi32>
            %gather3A = tpu.vector_load_idx %arg11[%broadcast_in_dim3A_88, %broadcast_in_dim3A_89] : memref<8x128xf32, #tpu.memory_space<vmem>>[vector<16xi32>, vector<16xi32>], vector<16xf32>,
            %get3A = arith.index_cast %scan3A_87 : i32 to index
            %get3A_90 = arith.constant 0 : index
            %get3A_91 = tpu.vector_load %arg12[%get3A, %get3A_90] {strides = array<i32>} : memref<128x128xf32, #tpu.memory_space<vmem>>, vector<16xf32>,
            %mul3A_92 = arith.mulf %get3A_91, %gather3A : vector<16xf32>
            %swap3A = arith.index_cast %scan3A_87 : i32 to index
            %swap3A_93 = arith.constant 0 : index
            %swap3A_94 = tpu.vector_load %arg13[%swap3A, %swap3A_93] {strides = array<i32>} : memref<128x128xf32, #tpu.memory_space<vmem>>, vector<16xf32>,
            tpu.vector_store %arg13[%swap3A, %swap3A_93], %mul3A_92 {strides = array<i32>} : memref<128x128xf32, #tpu.memory_space<vmem>>, vector<16xf32>,
            %get3A_95 = arith.index_cast %scan3A_87 : i32 to index
            %get3A_96 = arith.constant 16 : index
            %get3A_97 = tpu.vector_load %arg12[%get3A_95, %get3A_96] {strides = array<i32>} : memref<128x128xf32, #tpu.memory_space<vmem>>, vector<16xf32>,
            %mul3A_98 = arith.mulf %get3A_97, %gather3A : vector<16xf32>
            %swap3A_99 = arith.index_cast %scan3A_87 : i32 to index
            %swap3A_100 = arith.constant 16 : index
            %swap3A_101 = tpu.vector_load %arg13[%swap3A_99, %swap3A_100] {strides = array<i32>} : memref<128x128xf32, #tpu.memory_space<vmem>>, vector<16xf32>,
            tpu.vector_store %arg13[%swap3A_99, %swap3A_100], %mul3A_98 {strides = array<i32>} : memref<128x128xf32, #tpu.memory_space<vmem>>, vector<16xf32>,
            %get3A_102 = arith.index_cast %scan3A_87 : i32 to index
            %get3A_103 = arith.constant 32 : index
            %get3A_104 = tpu.vector_load %arg12[%get3A_102, %get3A_103] {strides = array<i32>} : memref<128x128xf32, #tpu.memory_space<vmem>>, vector<16xf32>,
            %mul3A_105 = arith.mulf %get3A_104, %gather3A : vector<16xf32>
            %swap3A_106 = arith.index_cast %scan3A_87 : i32 to index
            %swap3A_107 = arith.constant 32 : index
            %swap3A_108 = tpu.vector_load %arg13[%swap3A_106, %swap3A_107] {strides = array<i32>} : memref<128x128xf32, #tpu.memory_space<vmem>>, vector<16xf32>,
            tpu.vector_store %arg13[%swap3A_106, %swap3A_107], %mul3A_105 {strides = array<i32>} : memref<128x128xf32, #tpu.memory_space<vmem>>, vector<16xf32>,
            %get3A_109 = arith.index_cast %scan3A_87 : i32 to index
            %get3A_110 = arith.constant 48 : index
            %get3A_111 = tpu.vector_load %arg12[%get3A_109, %get3A_110] {strides = array<i32>} : memref<128x128xf32, #tpu.memory_space<vmem>>, vector<16xf32>,
            %mul3A_112 = arith.mulf %get3A_111, %gather3A : vector<16xf32>
            %swap3A_113 = arith.index_cast %scan3A_87 : i32 to index
            %swap3A_114 = arith.constant 48 : index
            %swap3A_115 = tpu.vector_load %arg13[%swap3A_113, %swap3A_114] {strides = array<i32>} : memref<128x128xf32, #tpu.memory_space<vmem>>, vector<16xf32>,
            tpu.vector_store %arg13[%swap3A_113, %swap3A_114], %mul3A_112 {strides = array<i32>} : memref<128x128xf32, #tpu.memory_space<vmem>>, vector<16xf32>,
            %get3A_116 = arith.index_cast %scan3A_87 : i32 to index
            %get3A_117 = arith.constant 64 : index
            %get3A_118 = tpu.vector_load %arg12[%get3A_116, %get3A_117] {strides = array<i32>} : memref<128x128xf32, #tpu.memory_space<vmem>>, vector<16xf32>,
            %mul3A_119 = arith.mulf %get3A_118, %gather3A : vector<16xf32>
            %swap3A_120 = arith.index_cast %scan3A_87 : i32 to index
            %swap3A_121 = arith.constant 64 : index
            %swap3A_122 = tpu.vector_load %arg13[%swap3A_120, %swap3A_121] {strides = array<i32>} : memref<128x128xf32, #tpu.memory_space<vmem>>, vector<16xf32>,
            tpu.vector_store %arg13[%swap3A_120, %swap3A_121], %mul3A_119 {strides = array<i32>} : memref<128x128xf32, #tpu.memory_space<vmem>>, vector<16xf32>,
            %get3A_123 = arith.index_cast %scan3A_87 : i32 to index
            %get3A_124 = arith.constant 80 : index
            %get3A_125 = tpu.vector_load %arg12[%get3A_123, %get3A_124] {strides = array<i32>} : memref<128x128xf32, #tpu.memory_space<vmem>>, vector<16xf32>,
            %mul3A_126 = arith.mulf %get3A_125, %gather3A : vector<16xf32>
            %swap3A_127 = arith.index_cast %scan3A_87 : i32 to index
            %swap3A_128 = arith.constant 80 : index
            %swap3A_129 = tpu.vector_load %arg13[%swap3A_127, %swap3A_128] {strides = array<i32>} : memref<128x128xf32, #tpu.memory_space<vmem>>, vector<16xf32>,
            tpu.vector_store %arg13[%swap3A_127, %swap3A_128], %mul3A_126 {strides = array<i32>} : memref<128x128xf32, #tpu.memory_space<vmem>>, vector<16xf32>,
            %get3A_130 = arith.index_cast %scan3A_87 : i32 to index
            %get3A_131 = arith.constant 96 : index
            %get3A_132 = tpu.vector_load %arg12[%get3A_130, %get3A_131] {strides = array<i32>} : memref<128x128xf32, #tpu.memory_space<vmem>>, vector<16xf32>,
            %mul3A_133 = arith.mulf %get3A_132, %gather3A : vector<16xf32>
            %swap3A_134 = arith.index_cast %scan3A_87 : i32 to index
            %swap3A_135 = arith.constant 96 : index
            %swap3A_136 = tpu.vector_load %arg13[%swap3A_134, %swap3A_135] {strides = array<i32>} : memref<128x128xf32, #tpu.memory_space<vmem>>, vector<16xf32>,
            tpu.vector_store %arg13[%swap3A_134, %swap3A_135], %mul3A_133 {strides = array<i32>} : memref<128x128xf32, #tpu.memory_space<vmem>>, vector<16xf32>,
            %get3A_137 = arith.index_cast %scan3A_87 : i32 to index
            %get3A_138 = arith.constant 112 : index
            %get3A_139 = tpu.vector_load %arg12[%get3A_137, %get3A_138] {strides = array<i32>} : memref<128x128xf32, #tpu.memory_space<vmem>>, vector<16xf32>,
            %mul3A_140 = arith.mulf %get3A_139, %gather3A : vector<16xf32>
            %swap3A_141 = arith.index_cast %scan3A_87 : i32 to index
            %swap3A_142 = arith.constant 112 : index
            %swap3A_143 = tpu.vector_load %arg13[%swap3A_141, %swap3A_142] {strides = array<i32>} : memref<128x128xf32, #tpu.memory_space<vmem>>, vector<16xf32>,
            tpu.vector_store %arg13[%swap3A_141, %swap3A_142], %mul3A_140 {strides = array<i32>} : memref<128x128xf32, #tpu.memory_space<vmem>>, vector<16xf32>,
          }
          %scan3A_86 = arith.constant 128 : i32
          "tpu.region"() ({
            %run_scoped3A = tpu.sem_alloc : memref<!tpu.dma_semaphore, #tpu.memory_space<semaphore_mem>>
            %dma_start3A_87 = arith.constant 0 : i32
            %dma_start3A_88 = tpu.memref_slice %arg10[%scan3A_70, %dma_start3A_87] : memref<8x128xi32, #tpu.memory_space<vmem>> -> memref<1x128xi32, #tpu.memory_space<vmem>>
            %dma_start3A_89 = tpu.memref_squeeze %dma_start3A_88 : memref<1x128xi32, #tpu.memory_space<vmem>> -> memref<128xi32, #tpu.memory_space<vmem>>
            %dma_start3A_90 = arith.constant 0 : i32
            %dma_start3A_91 = arith.constant 0 : i32
            %dma_start3A_92 = tpu.memref_slice %arg14[%dma_start3A_90, %dma_start3A_91] : memref<10240x128xf32, #tpu.memory_space<vmem_shared>> -> memref<10240x128xf32, #tpu.memory_space<vmem_shared>>
            tpu.enqueue_indirect_dma source(%arg13 : memref<128x128xf32, #tpu.memory_space<vmem>>) target(%dma_start3A_92 : memref<10240x128xf32, #tpu.memory_space<vmem_shared>>) offsets(%dma_start3A_89 : memref<128xi32, #tpu.memory_space<vmem>>) semaphore(%run_scoped3A : memref<!tpu.dma_semaphore, #tpu.memory_space<semaphore_mem>>) {add = true}
            %dma_wait3A_93 = arith.constant 0 : i32
            %dma_wait3A_94 = tpu.memref_slice %arg10[%scan3A_70, %dma_wait3A_93] : memref<8x128xi32, #tpu.memory_space<vmem>> -> memref<1x128xi32, #tpu.memory_space<vmem>>
            %dma_wait3A_95 = tpu.memref_squeeze %dma_wait3A_94 : memref<1x128xi32, #tpu.memory_space<vmem>> -> memref<128xi32, #tpu.memory_space<vmem>>
            %dma_wait3A_96 = arith.constant 0 : i32
            %dma_wait3A_97 = arith.constant 0 : i32
            %dma_wait3A_98 = tpu.memref_slice %arg14[%dma_wait3A_96, %dma_wait3A_97] : memref<10240x128xf32, #tpu.memory_space<vmem_shared>> -> memref<10240x128xf32, #tpu.memory_space<vmem_shared>>
            tpu.wait_indirect_dma semaphore(%run_scoped3A : memref<!tpu.dma_semaphore, #tpu.memory_space<semaphore_mem>>) src(%arg13 : memref<128x128xf32, #tpu.memory_space<vmem>>) dst(%dma_wait3A_98 : memref<10240x128xf32, #tpu.memory_space<vmem_shared>>)
            tpu.yield
          }) : () -> ()
        }
        %scan3A_69 = arith.constant 8 : i32
      }
      %scan3A_36 = arith.constant 21 : i32
      %barrier3A_37 = arith.constant 0 : index
      tpu.barrier barrier_id(%barrier3A_37)
      %mul3A_38 = arith.constant 640 : i32
      %mul3A_39 = arith.muli %arg1, %mul3A_38 : i32
      %add3A_40 = arith.constant 0 : i32
      %add3A_41 = arith.addi %mul3A_39, %add3A_40 : i32
      "tpu.region"() ({
        %run_scoped3A = tpu.sem_alloc : memref<!tpu.dma_semaphore, #tpu.memory_space<semaphore_mem>>
        %dma_start3A = arith.constant 0 : i32
        %dma_start3A_58 = tpu.memref_slice %arg14[%add3A_41, %dma_start3A] : memref<10240x128xf32, #tpu.memory_space<vmem_shared>> -> memref<128x128xf32, #tpu.memory_space<vmem_shared>>
        %dma_start3A_59 = arith.constant 0 : i32
        %dma_start3A_60 = tpu.memref_slice %arg14[%add3A_41, %dma_start3A_59] : memref<10240x128xf32, #tpu.memory_space<vmem_shared>> -> memref<128x128xf32, #tpu.memory_space<vmem_shared>>
        tpu.enqueue_dma source(%dma_start3A_60 : memref<128x128xf32, #tpu.memory_space<vmem_shared>>) target(%arg12 : memref<128x128xf32, #tpu.memory_space<vmem>>) target_semaphore(%run_scoped3A : memref<!tpu.dma_semaphore, #tpu.memory_space<semaphore_mem>>)
        %dma_wait3A = arith.constant 0 : i32
        %dma_wait3A_61 = tpu.memref_slice %arg14[%add3A_41, %dma_wait3A] : memref<10240x128xf32, #tpu.memory_space<vmem_shared>> -> memref<128x128xf32, #tpu.memory_space<vmem_shared>>
        %dma_wait3A_62 = arith.constant 0 : i32
        %dma_wait3A_63 = tpu.memref_slice %arg14[%add3A_41, %dma_wait3A_62] : memref<10240x128xf32, #tpu.memory_space<vmem_shared>> -> memref<128x128xf32, #tpu.memory_space<vmem_shared>>
        tpu.wait_dma2 semaphore(%run_scoped3A : memref<!tpu.dma_semaphore, #tpu.memory_space<semaphore_mem>>) src(%dma_wait3A_63 : memref<128x128xf32, #tpu.memory_space<vmem_shared>>) dst(%arg12 : memref<128x128xf32, #tpu.memory_space<vmem>>)
        tpu.yield
      }) : () -> ()
      "tpu.region"() ({
        %run_scoped3A = tpu.sem_alloc : memref<!tpu.dma_semaphore, #tpu.memory_space<semaphore_mem>>
        %dma_start3A = arith.constant 0 : i32
        %dma_start3A_58 = tpu.memref_slice %arg8[%add3A_41, %dma_start3A] : memref<10240x128xf32, #tpu.memory_space<hbm>> -> memref<128x128xf32, #tpu.memory_space<hbm>>
        %dma_start3A_59 = arith.constant 0 : i32
        %dma_start3A_60 = tpu.memref_slice %arg8[%add3A_41, %dma_start3A_59] : memref<10240x128xf32, #tpu.memory_space<hbm>> -> memref<128x128xf32, #tpu.memory_space<hbm>>
        tpu.enqueue_dma source(%arg12 : memref<128x128xf32, #tpu.memory_space<vmem>>) target(%dma_start3A_60 : memref<128x128xf32, #tpu.memory_space<hbm>>) target_semaphore(%run_scoped3A : memref<!tpu.dma_semaphore, #tpu.memory_space<semaphore_mem>>)
        %dma_wait3A = arith.constant 0 : i32
        %dma_wait3A_61 = tpu.memref_slice %arg8[%add3A_41, %dma_wait3A] : memref<10240x128xf32, #tpu.memory_space<hbm>> -> memref<128x128xf32, #tpu.memory_space<hbm>>
        %dma_wait3A_62 = arith.constant 0 : i32
        %dma_wait3A_63 = tpu.memref_slice %arg8[%add3A_41, %dma_wait3A_62] : memref<10240x128xf32, #tpu.memory_space<hbm>> -> memref<128x128xf32, #tpu.memory_space<hbm>>
        tpu.wait_dma2 semaphore(%run_scoped3A : memref<!tpu.dma_semaphore, #tpu.memory_space<semaphore_mem>>) src(%arg12 : memref<128x128xf32, #tpu.memory_space<vmem>>) dst(%dma_wait3A_63 : memref<128x128xf32, #tpu.memory_space<hbm>>)
        tpu.yield
      }) : () -> ()
      %mul3A_42 = arith.constant 640 : i32
      %mul3A_43 = arith.muli %arg1, %mul3A_42 : i32
      %add3A_44 = arith.constant 128 : i32
      %add3A_45 = arith.addi %mul3A_43, %add3A_44 : i32
      "tpu.region"() ({
        %run_scoped3A = tpu.sem_alloc : memref<!tpu.dma_semaphore, #tpu.memory_space<semaphore_mem>>
        %dma_start3A = arith.constant 0 : i32
        %dma_start3A_58 = tpu.memref_slice %arg14[%add3A_45, %dma_start3A] : memref<10240x128xf32, #tpu.memory_space<vmem_shared>> -> memref<128x128xf32, #tpu.memory_space<vmem_shared>>
        %dma_start3A_59 = arith.constant 0 : i32
        %dma_start3A_60 = tpu.memref_slice %arg14[%add3A_45, %dma_start3A_59] : memref<10240x128xf32, #tpu.memory_space<vmem_shared>> -> memref<128x128xf32, #tpu.memory_space<vmem_shared>>
        tpu.enqueue_dma source(%dma_start3A_60 : memref<128x128xf32, #tpu.memory_space<vmem_shared>>) target(%arg12 : memref<128x128xf32, #tpu.memory_space<vmem>>) target_semaphore(%run_scoped3A : memref<!tpu.dma_semaphore, #tpu.memory_space<semaphore_mem>>)
        %dma_wait3A = arith.constant 0 : i32
        %dma_wait3A_61 = tpu.memref_slice %arg14[%add3A_45, %dma_wait3A] : memref<10240x128xf32, #tpu.memory_space<vmem_shared>> -> memref<128x128xf32, #tpu.memory_space<vmem_shared>>
        %dma_wait3A_62 = arith.constant 0 : i32
        %dma_wait3A_63 = tpu.memref_slice %arg14[%add3A_45, %dma_wait3A_62] : memref<10240x128xf32, #tpu.memory_space<vmem_shared>> -> memref<128x128xf32, #tpu.memory_space<vmem_shared>>
        tpu.wait_dma2 semaphore(%run_scoped3A : memref<!tpu.dma_semaphore, #tpu.memory_space<semaphore_mem>>) src(%dma_wait3A_63 : memref<128x128xf32, #tpu.memory_space<vmem_shared>>) dst(%arg12 : memref<128x128xf32, #tpu.memory_space<vmem>>)
        tpu.yield
      }) : () -> ()
      "tpu.region"() ({
        %run_scoped3A = tpu.sem_alloc : memref<!tpu.dma_semaphore, #tpu.memory_space<semaphore_mem>>
        %dma_start3A = arith.constant 0 : i32
        %dma_start3A_58 = tpu.memref_slice %arg8[%add3A_45, %dma_start3A] : memref<10240x128xf32, #tpu.memory_space<hbm>> -> memref<128x128xf32, #tpu.memory_space<hbm>>
        %dma_start3A_59 = arith.constant 0 : i32
        %dma_start3A_60 = tpu.memref_slice %arg8[%add3A_45, %dma_start3A_59] : memref<10240x128xf32, #tpu.memory_space<hbm>> -> memref<128x128xf32, #tpu.memory_space<hbm>>
        tpu.enqueue_dma source(%arg12 : memref<128x128xf32, #tpu.memory_space<vmem>>) target(%dma_start3A_60 : memref<128x128xf32, #tpu.memory_space<hbm>>) target_semaphore(%run_scoped3A : memref<!tpu.dma_semaphore, #tpu.memory_space<semaphore_mem>>)
        %dma_wait3A = arith.constant 0 : i32
        %dma_wait3A_61 = tpu.memref_slice %arg8[%add3A_45, %dma_wait3A] : memref<10240x128xf32, #tpu.memory_space<hbm>> -> memref<128x128xf32, #tpu.memory_space<hbm>>
        %dma_wait3A_62 = arith.constant 0 : i32
        %dma_wait3A_63 = tpu.memref_slice %arg8[%add3A_45, %dma_wait3A_62] : memref<10240x128xf32, #tpu.memory_space<hbm>> -> memref<128x128xf32, #tpu.memory_space<hbm>>
        tpu.wait_dma2 semaphore(%run_scoped3A : memref<!tpu.dma_semaphore, #tpu.memory_space<semaphore_mem>>) src(%arg12 : memref<128x128xf32, #tpu.memory_space<vmem>>) dst(%dma_wait3A_63 : memref<128x128xf32, #tpu.memory_space<hbm>>)
        tpu.yield
      }) : () -> ()
      %mul3A_46 = arith.constant 640 : i32
      %mul3A_47 = arith.muli %arg1, %mul3A_46 : i32
      %add3A_48 = arith.constant 256 : i32
      %add3A_49 = arith.addi %mul3A_47, %add3A_48 : i32
      "tpu.region"() ({
        %run_scoped3A = tpu.sem_alloc : memref<!tpu.dma_semaphore, #tpu.memory_space<semaphore_mem>>
        %dma_start3A = arith.constant 0 : i32
        %dma_start3A_58 = tpu.memref_slice %arg14[%add3A_49, %dma_start3A] : memref<10240x128xf32, #tpu.memory_space<vmem_shared>> -> memref<128x128xf32, #tpu.memory_space<vmem_shared>>
        %dma_start3A_59 = arith.constant 0 : i32
        %dma_start3A_60 = tpu.memref_slice %arg14[%add3A_49, %dma_start3A_59] : memref<10240x128xf32, #tpu.memory_space<vmem_shared>> -> memref<128x128xf32, #tpu.memory_space<vmem_shared>>
        tpu.enqueue_dma source(%dma_start3A_60 : memref<128x128xf32, #tpu.memory_space<vmem_shared>>) target(%arg12 : memref<128x128xf32, #tpu.memory_space<vmem>>) target_semaphore(%run_scoped3A : memref<!tpu.dma_semaphore, #tpu.memory_space<semaphore_mem>>)
        %dma_wait3A = arith.constant 0 : i32
        %dma_wait3A_61 = tpu.memref_slice %arg14[%add3A_49, %dma_wait3A] : memref<10240x128xf32, #tpu.memory_space<vmem_shared>> -> memref<128x128xf32, #tpu.memory_space<vmem_shared>>
        %dma_wait3A_62 = arith.constant 0 : i32
        %dma_wait3A_63 = tpu.memref_slice %arg14[%add3A_49, %dma_wait3A_62] : memref<10240x128xf32, #tpu.memory_space<vmem_shared>> -> memref<128x128xf32, #tpu.memory_space<vmem_shared>>
        tpu.wait_dma2 semaphore(%run_scoped3A : memref<!tpu.dma_semaphore, #tpu.memory_space<semaphore_mem>>) src(%dma_wait3A_63 : memref<128x128xf32, #tpu.memory_space<vmem_shared>>) dst(%arg12 : memref<128x128xf32, #tpu.memory_space<vmem>>)
        tpu.yield
      }) : () -> ()
      "tpu.region"() ({
        %run_scoped3A = tpu.sem_alloc : memref<!tpu.dma_semaphore, #tpu.memory_space<semaphore_mem>>
        %dma_start3A = arith.constant 0 : i32
        %dma_start3A_58 = tpu.memref_slice %arg8[%add3A_49, %dma_start3A] : memref<10240x128xf32, #tpu.memory_space<hbm>> -> memref<128x128xf32, #tpu.memory_space<hbm>>
        %dma_start3A_59 = arith.constant 0 : i32
        %dma_start3A_60 = tpu.memref_slice %arg8[%add3A_49, %dma_start3A_59] : memref<10240x128xf32, #tpu.memory_space<hbm>> -> memref<128x128xf32, #tpu.memory_space<hbm>>
        tpu.enqueue_dma source(%arg12 : memref<128x128xf32, #tpu.memory_space<vmem>>) target(%dma_start3A_60 : memref<128x128xf32, #tpu.memory_space<hbm>>) target_semaphore(%run_scoped3A : memref<!tpu.dma_semaphore, #tpu.memory_space<semaphore_mem>>)
        %dma_wait3A = arith.constant 0 : i32
        %dma_wait3A_61 = tpu.memref_slice %arg8[%add3A_49, %dma_wait3A] : memref<10240x128xf32, #tpu.memory_space<hbm>> -> memref<128x128xf32, #tpu.memory_space<hbm>>
        %dma_wait3A_62 = arith.constant 0 : i32
        %dma_wait3A_63 = tpu.memref_slice %arg8[%add3A_49, %dma_wait3A_62] : memref<10240x128xf32, #tpu.memory_space<hbm>> -> memref<128x128xf32, #tpu.memory_space<hbm>>
        tpu.wait_dma2 semaphore(%run_scoped3A : memref<!tpu.dma_semaphore, #tpu.memory_space<semaphore_mem>>) src(%arg12 : memref<128x128xf32, #tpu.memory_space<vmem>>) dst(%dma_wait3A_63 : memref<128x128xf32, #tpu.memory_space<hbm>>)
        tpu.yield
      }) : () -> ()
      %mul3A_50 = arith.constant 640 : i32
      %mul3A_51 = arith.muli %arg1, %mul3A_50 : i32
      %add3A_52 = arith.constant 384 : i32
      %add3A_53 = arith.addi %mul3A_51, %add3A_52 : i32
      "tpu.region"() ({
        %run_scoped3A = tpu.sem_alloc : memref<!tpu.dma_semaphore, #tpu.memory_space<semaphore_mem>>
        %dma_start3A = arith.constant 0 : i32
        %dma_start3A_58 = tpu.memref_slice %arg14[%add3A_53, %dma_start3A] : memref<10240x128xf32, #tpu.memory_space<vmem_shared>> -> memref<128x128xf32, #tpu.memory_space<vmem_shared>>
        %dma_start3A_59 = arith.constant 0 : i32
        %dma_start3A_60 = tpu.memref_slice %arg14[%add3A_53, %dma_start3A_59] : memref<10240x128xf32, #tpu.memory_space<vmem_shared>> -> memref<128x128xf32, #tpu.memory_space<vmem_shared>>
        tpu.enqueue_dma source(%dma_start3A_60 : memref<128x128xf32, #tpu.memory_space<vmem_shared>>) target(%arg12 : memref<128x128xf32, #tpu.memory_space<vmem>>) target_semaphore(%run_scoped3A : memref<!tpu.dma_semaphore, #tpu.memory_space<semaphore_mem>>)
        %dma_wait3A = arith.constant 0 : i32
        %dma_wait3A_61 = tpu.memref_slice %arg14[%add3A_53, %dma_wait3A] : memref<10240x128xf32, #tpu.memory_space<vmem_shared>> -> memref<128x128xf32, #tpu.memory_space<vmem_shared>>
        %dma_wait3A_62 = arith.constant 0 : i32
        %dma_wait3A_63 = tpu.memref_slice %arg14[%add3A_53, %dma_wait3A_62] : memref<10240x128xf32, #tpu.memory_space<vmem_shared>> -> memref<128x128xf32, #tpu.memory_space<vmem_shared>>
        tpu.wait_dma2 semaphore(%run_scoped3A : memref<!tpu.dma_semaphore, #tpu.memory_space<semaphore_mem>>) src(%dma_wait3A_63 : memref<128x128xf32, #tpu.memory_space<vmem_shared>>) dst(%arg12 : memref<128x128xf32, #tpu.memory_space<vmem>>)
        tpu.yield
      }) : () -> ()
      "tpu.region"() ({
        %run_scoped3A = tpu.sem_alloc : memref<!tpu.dma_semaphore, #tpu.memory_space<semaphore_mem>>
        %dma_start3A = arith.constant 0 : i32
        %dma_start3A_58 = tpu.memref_slice %arg8[%add3A_53, %dma_start3A] : memref<10240x128xf32, #tpu.memory_space<hbm>> -> memref<128x128xf32, #tpu.memory_space<hbm>>
        %dma_start3A_59 = arith.constant 0 : i32
        %dma_start3A_60 = tpu.memref_slice %arg8[%add3A_53, %dma_start3A_59] : memref<10240x128xf32, #tpu.memory_space<hbm>> -> memref<128x128xf32, #tpu.memory_space<hbm>>
        tpu.enqueue_dma source(%arg12 : memref<128x128xf32, #tpu.memory_space<vmem>>) target(%dma_start3A_60 : memref<128x128xf32, #tpu.memory_space<hbm>>) target_semaphore(%run_scoped3A : memref<!tpu.dma_semaphore, #tpu.memory_space<semaphore_mem>>)
        %dma_wait3A = arith.constant 0 : i32
        %dma_wait3A_61 = tpu.memref_slice %arg8[%add3A_53, %dma_wait3A] : memref<10240x128xf32, #tpu.memory_space<hbm>> -> memref<128x128xf32, #tpu.memory_space<hbm>>
        %dma_wait3A_62 = arith.constant 0 : i32
        %dma_wait3A_63 = tpu.memref_slice %arg8[%add3A_53, %dma_wait3A_62] : memref<10240x128xf32, #tpu.memory_space<hbm>> -> memref<128x128xf32, #tpu.memory_space<hbm>>
        tpu.wait_dma2 semaphore(%run_scoped3A : memref<!tpu.dma_semaphore, #tpu.memory_space<semaphore_mem>>) src(%arg12 : memref<128x128xf32, #tpu.memory_space<vmem>>) dst(%dma_wait3A_63 : memref<128x128xf32, #tpu.memory_space<hbm>>)
        tpu.yield
      }) : () -> ()
      %mul3A_54 = arith.constant 640 : i32
      %mul3A_55 = arith.muli %arg1, %mul3A_54 : i32
      %add3A_56 = arith.constant 512 : i32
      %add3A_57 = arith.addi %mul3A_55, %add3A_56 : i32
      "tpu.region"() ({
        %run_scoped3A = tpu.sem_alloc : memref<!tpu.dma_semaphore, #tpu.memory_space<semaphore_mem>>
        %dma_start3A = arith.constant 0 : i32
        %dma_start3A_58 = tpu.memref_slice %arg14[%add3A_57, %dma_start3A] : memref<10240x128xf32, #tpu.memory_space<vmem_shared>> -> memref<128x128xf32, #tpu.memory_space<vmem_shared>>
        %dma_start3A_59 = arith.constant 0 : i32
        %dma_start3A_60 = tpu.memref_slice %arg14[%add3A_57, %dma_start3A_59] : memref<10240x128xf32, #tpu.memory_space<vmem_shared>> -> memref<128x128xf32, #tpu.memory_space<vmem_shared>>
        tpu.enqueue_dma source(%dma_start3A_60 : memref<128x128xf32, #tpu.memory_space<vmem_shared>>) target(%arg12 : memref<128x128xf32, #tpu.memory_space<vmem>>) target_semaphore(%run_scoped3A : memref<!tpu.dma_semaphore, #tpu.memory_space<semaphore_mem>>)
        %dma_wait3A = arith.constant 0 : i32
        %dma_wait3A_61 = tpu.memref_slice %arg14[%add3A_57, %dma_wait3A] : memref<10240x128xf32, #tpu.memory_space<vmem_shared>> -> memref<128x128xf32, #tpu.memory_space<vmem_shared>>
        %dma_wait3A_62 = arith.constant 0 : i32
        %dma_wait3A_63 = tpu.memref_slice %arg14[%add3A_57, %dma_wait3A_62] : memref<10240x128xf32, #tpu.memory_space<vmem_shared>> -> memref<128x128xf32, #tpu.memory_space<vmem_shared>>
        tpu.wait_dma2 semaphore(%run_scoped3A : memref<!tpu.dma_semaphore, #tpu.memory_space<semaphore_mem>>) src(%dma_wait3A_63 : memref<128x128xf32, #tpu.memory_space<vmem_shared>>) dst(%arg12 : memref<128x128xf32, #tpu.memory_space<vmem>>)
        tpu.yield
      }) : () -> ()
      "tpu.region"() ({
        %run_scoped3A = tpu.sem_alloc : memref<!tpu.dma_semaphore, #tpu.memory_space<semaphore_mem>>
        %dma_start3A = arith.constant 0 : i32
        %dma_start3A_58 = tpu.memref_slice %arg8[%add3A_57, %dma_start3A] : memref<10240x128xf32, #tpu.memory_space<hbm>> -> memref<128x128xf32, #tpu.memory_space<hbm>>
        %dma_start3A_59 = arith.constant 0 : i32
        %dma_start3A_60 = tpu.memref_slice %arg8[%add3A_57, %dma_start3A_59] : memref<10240x128xf32, #tpu.memory_space<hbm>> -> memref<128x128xf32, #tpu.memory_space<hbm>>
        tpu.enqueue_dma source(%arg12 : memref<128x128xf32, #tpu.memory_space<vmem>>) target(%dma_start3A_60 : memref<128x128xf32, #tpu.memory_space<hbm>>) target_semaphore(%run_scoped3A : memref<!tpu.dma_semaphore, #tpu.memory_space<semaphore_mem>>)
        %dma_wait3A = arith.constant 0 : i32
        %dma_wait3A_61 = tpu.memref_slice %arg8[%add3A_57, %dma_wait3A] : memref<10240x128xf32, #tpu.memory_space<hbm>> -> memref<128x128xf32, #tpu.memory_space<hbm>>
        %dma_wait3A_62 = arith.constant 0 : i32
        %dma_wait3A_63 = tpu.memref_slice %arg8[%add3A_57, %dma_wait3A_62] : memref<10240x128xf32, #tpu.memory_space<hbm>> -> memref<128x128xf32, #tpu.memory_space<hbm>>
        tpu.wait_dma2 semaphore(%run_scoped3A : memref<!tpu.dma_semaphore, #tpu.memory_space<semaphore_mem>>) src(%arg12 : memref<128x128xf32, #tpu.memory_space<vmem>>) dst(%dma_wait3A_63 : memref<128x128xf32, #tpu.memory_space<hbm>>)
        tpu.yield
      }) : () -> ()
    } else {
    }
    return
  }
}

#map = affine_map<(d0, d1) -> (0)>
module attributes {stable_mosaic.version = 14 : i64} {
  func.func @_deg_kernel(%arg0: i32, %arg1: i32, %arg2: memref<344064xi32, #tpu.memory_space<hbm>>, %arg3: memref<344064xf32, #tpu.memory_space<hbm>>, %arg4: memref<327680xf32, #tpu.memory_space<hbm>>, %arg5: memref<10752xi32, #tpu.memory_space<vmem>>, %arg6: memref<10752xf32, #tpu.memory_space<vmem>>, %arg7: memref<10240xf32, #tpu.memory_space<vmem>>) attributes {dimension_semantics = [#tpu.dimension_semantics<core_parallel>, #tpu.dimension_semantics<subcore_parallel>], iteration_bounds = array<i64: 2, 16>, scalar_prefetch = 0 : i64, scratch_operands = 3 : i64, tpu.core_type = #tpu.core_type<sc_vector_subcore>, window_params = [{transform_indices = #map}, {transform_indices = #map}, {transform_indices = #map}]} {
    %mul3A = arith.constant 2 : i32
    %mul3A_0 = arith.muli %arg1, %mul3A : i32
    %add3A = arith.addi %mul3A_0, %arg0 : i32
    %mul3A_1 = arith.constant 10752 : i32
    %mul3A_2 = arith.muli %add3A, %mul3A_1 : i32
    "tpu.region"() ({
      %run_scoped3A = tpu.sem_alloc : memref<!tpu.dma_semaphore, #tpu.memory_space<semaphore_mem>>
      %dma_start3A = tpu.memref_slice %arg2[%mul3A_2] : memref<344064xi32, #tpu.memory_space<hbm>> -> memref<10752xi32, #tpu.memory_space<hbm>>
      %dma_start3A_17 = tpu.memref_slice %arg2[%mul3A_2] : memref<344064xi32, #tpu.memory_space<hbm>> -> memref<10752xi32, #tpu.memory_space<hbm>>
      tpu.enqueue_dma source(%dma_start3A_17 : memref<10752xi32, #tpu.memory_space<hbm>>) target(%arg5 : memref<10752xi32, #tpu.memory_space<vmem>>) target_semaphore(%run_scoped3A : memref<!tpu.dma_semaphore, #tpu.memory_space<semaphore_mem>>)
      %dma_wait3A = tpu.memref_slice %arg2[%mul3A_2] : memref<344064xi32, #tpu.memory_space<hbm>> -> memref<10752xi32, #tpu.memory_space<hbm>>
      %dma_wait3A_18 = tpu.memref_slice %arg2[%mul3A_2] : memref<344064xi32, #tpu.memory_space<hbm>> -> memref<10752xi32, #tpu.memory_space<hbm>>
      tpu.wait_dma2 semaphore(%run_scoped3A : memref<!tpu.dma_semaphore, #tpu.memory_space<semaphore_mem>>) src(%dma_wait3A_18 : memref<10752xi32, #tpu.memory_space<hbm>>) dst(%arg5 : memref<10752xi32, #tpu.memory_space<vmem>>)
      tpu.yield
    }) : () -> ()
    "tpu.region"() ({
      %run_scoped3A = tpu.sem_alloc : memref<!tpu.dma_semaphore, #tpu.memory_space<semaphore_mem>>
      %dma_start3A = tpu.memref_slice %arg3[%mul3A_2] : memref<344064xf32, #tpu.memory_space<hbm>> -> memref<10752xf32, #tpu.memory_space<hbm>>
      %dma_start3A_17 = tpu.memref_slice %arg3[%mul3A_2] : memref<344064xf32, #tpu.memory_space<hbm>> -> memref<10752xf32, #tpu.memory_space<hbm>>
      tpu.enqueue_dma source(%dma_start3A_17 : memref<10752xf32, #tpu.memory_space<hbm>>) target(%arg6 : memref<10752xf32, #tpu.memory_space<vmem>>) target_semaphore(%run_scoped3A : memref<!tpu.dma_semaphore, #tpu.memory_space<semaphore_mem>>)
      %dma_wait3A = tpu.memref_slice %arg3[%mul3A_2] : memref<344064xf32, #tpu.memory_space<hbm>> -> memref<10752xf32, #tpu.memory_space<hbm>>
      %dma_wait3A_18 = tpu.memref_slice %arg3[%mul3A_2] : memref<344064xf32, #tpu.memory_space<hbm>> -> memref<10752xf32, #tpu.memory_space<hbm>>
      tpu.wait_dma2 semaphore(%run_scoped3A : memref<!tpu.dma_semaphore, #tpu.memory_space<semaphore_mem>>) src(%dma_wait3A_18 : memref<10752xf32, #tpu.memory_space<hbm>>) dst(%arg6 : memref<10752xf32, #tpu.memory_space<vmem>>)
      tpu.yield
    }) : () -> ()
    %broadcast_in_dim3A = arith.constant 0.000000e+00 : f32
    %broadcast_in_dim3A_3 = vector.broadcast %broadcast_in_dim3A : f32 to vector<16xf32>
    %scan3A = arith.constant 0 : i32
    %scan3A_4 = arith.constant 0 : i32
    %scan3A_5 = arith.constant 640 : i32
    %scan3A_6 = arith.addi %scan3A_4, %scan3A_5 : i32
    %scan3A_7 = arith.constant 1 : i32
    scf.for %scan3A_17 = %scan3A_4 to %scan3A_6 step %scan3A_7  : i32 {
      %mul3A_18 = arith.constant 16 : i32
      %mul3A_19 = arith.muli %scan3A_17, %mul3A_18 : i32
      %swap3A = arith.index_cast %mul3A_19 : i32 to index
      %swap3A_20 = tpu.vector_load %arg7[%swap3A] {strides = array<i32>} : memref<10240xf32, #tpu.memory_space<vmem>>, vector<16xf32>,
      tpu.vector_store %arg7[%swap3A], %broadcast_in_dim3A_3 {strides = array<i32>} : memref<10240xf32, #tpu.memory_space<vmem>>, vector<16xf32>,
    }
    %scan3A_8 = arith.constant 640 : i32
    %scan3A_9 = arith.constant 0 : i32
    %scan3A_10 = arith.constant 0 : i32
    %scan3A_11 = arith.constant 672 : i32
    %scan3A_12 = arith.addi %scan3A_10, %scan3A_11 : i32
    %scan3A_13 = arith.constant 1 : i32
    scf.for %scan3A_17 = %scan3A_10 to %scan3A_12 step %scan3A_13  : i32 {
      %mul3A_18 = arith.constant 16 : i32
      %mul3A_19 = arith.muli %scan3A_17, %mul3A_18 : i32
      %get3A = arith.index_cast %mul3A_19 : i32 to index
      %get3A_20 = tpu.vector_load %arg5[%get3A] {strides = array<i32>} : memref<10752xi32, #tpu.memory_space<vmem>>, vector<16xi32>,
      %mul3A_21 = arith.constant 16 : i32
      %mul3A_22 = arith.muli %scan3A_17, %mul3A_21 : i32
      %get3A_23 = arith.index_cast %mul3A_22 : i32 to index
      %get3A_24 = tpu.vector_load %arg6[%get3A_23] {strides = array<i32>} : memref<10752xf32, #tpu.memory_space<vmem>>, vector<16xf32>,
      tpu.vector_store_idx %arg7[%get3A_20], %get3A_24 {add = true} : memref<10240xf32, #tpu.memory_space<vmem>>[vector<16xi32>], vector<16xf32>,
    }
    %scan3A_14 = arith.constant 672 : i32
    %mul3A_15 = arith.constant 10240 : i32
    %mul3A_16 = arith.muli %add3A, %mul3A_15 : i32
    "tpu.region"() ({
      %run_scoped3A = tpu.sem_alloc : memref<!tpu.dma_semaphore, #tpu.memory_space<semaphore_mem>>
      %dma_start3A = tpu.memref_slice %arg4[%mul3A_16] : memref<327680xf32, #tpu.memory_space<hbm>> -> memref<10240xf32, #tpu.memory_space<hbm>>
      %dma_start3A_17 = tpu.memref_slice %arg4[%mul3A_16] : memref<327680xf32, #tpu.memory_space<hbm>> -> memref<10240xf32, #tpu.memory_space<hbm>>
      tpu.enqueue_dma source(%arg7 : memref<10240xf32, #tpu.memory_space<vmem>>) target(%dma_start3A_17 : memref<10240xf32, #tpu.memory_space<hbm>>) target_semaphore(%run_scoped3A : memref<!tpu.dma_semaphore, #tpu.memory_space<semaphore_mem>>)
      %dma_wait3A = tpu.memref_slice %arg4[%mul3A_16] : memref<327680xf32, #tpu.memory_space<hbm>> -> memref<10240xf32, #tpu.memory_space<hbm>>
      %dma_wait3A_18 = tpu.memref_slice %arg4[%mul3A_16] : memref<327680xf32, #tpu.memory_space<hbm>> -> memref<10240xf32, #tpu.memory_space<hbm>>
      tpu.wait_dma2 semaphore(%run_scoped3A : memref<!tpu.dma_semaphore, #tpu.memory_space<semaphore_mem>>) src(%arg7 : memref<10240xf32, #tpu.memory_space<vmem>>) dst(%dma_wait3A_18 : memref<10240xf32, #tpu.memory_space<hbm>>)
      tpu.yield
    }) : () -> ()
    return
  }
}

#map = affine_map<(d0, d1) -> (0, 0)>
module attributes {stable_mosaic.version = 14 : i64} {
  func.func @_agg_kernel(%arg0: i32, %arg1: i32, %arg2: memref<2688x128xi32, #tpu.memory_space<hbm>>, %arg3: memref<2688x128xi32, #tpu.memory_space<hbm>>, %arg4: memref<2688x128xf32, #tpu.memory_space<hbm>>, %arg5: memref<10240x128xf32, #tpu.memory_space<hbm>>, %arg6: memref<10240x128xf32, #tpu.memory_space<hbm>>, %arg7: memref<10240x128xf32, #tpu.memory_space<hbm>>, %arg8: memref<10240x128xf32, #tpu.memory_space<hbm>>, %arg9: memref<8x128xi32, #tpu.memory_space<vmem>>, %arg10: memref<8x128xi32, #tpu.memory_space<vmem>>, %arg11: memref<8x128xf32, #tpu.memory_space<vmem>>, %arg12: memref<128x128xf32, #tpu.memory_space<vmem>>, %arg13: memref<128x128xf32, #tpu.memory_space<vmem>>, %arg14: memref<10240x128xf32, #tpu.memory_space<vmem_shared>>, %arg15: memref<!tpu.dma_semaphore, #tpu.memory_space<semaphore_mem>>) attributes {dimension_semantics = [#tpu.dimension_semantics<core_parallel>, #tpu.dimension_semantics<subcore_parallel>], iteration_bounds = array<i64: 2, 16>, scalar_prefetch = 0 : i64, scratch_operands = 7 : i64, tpu.core_type = #tpu.core_type<sc_vector_subcore>, window_params = [{transform_indices = #map}, {transform_indices = #map}, {transform_indices = #map}, {transform_indices = #map}, {transform_indices = #map}, {transform_indices = #map}, {transform_indices = #map}]} {
    %broadcast_in_dim3A = arith.constant 0.000000e+00 : f32
    %broadcast_in_dim3A_0 = vector.broadcast %broadcast_in_dim3A : f32 to vector<16xf32>
    %scan3A = arith.constant 0 : i32
    %scan3A_1 = arith.constant 0 : i32
    %scan3A_2 = arith.constant 128 : i32
    %scan3A_3 = arith.addi %scan3A_1, %scan3A_2 : i32
    %scan3A_4 = arith.constant 1 : i32
    scf.for %scan3A_31 = %scan3A_1 to %scan3A_3 step %scan3A_4  : i32 {
      %swap3A = arith.index_cast %scan3A_31 : i32 to index
      %swap3A_32 = arith.constant 0 : index
      %swap3A_33 = tpu.vector_load %arg13[%swap3A, %swap3A_32] {strides = array<i32>} : memref<128x128xf32, #tpu.memory_space<vmem>>, vector<16xf32>,
      tpu.vector_store %arg13[%swap3A, %swap3A_32], %broadcast_in_dim3A_0 {strides = array<i32>} : memref<128x128xf32, #tpu.memory_space<vmem>>, vector<16xf32>,
      %swap3A_34 = arith.index_cast %scan3A_31 : i32 to index
      %swap3A_35 = arith.constant 16 : index
      %swap3A_36 = tpu.vector_load %arg13[%swap3A_34, %swap3A_35] {strides = array<i32>} : memref<128x128xf32, #tpu.memory_space<vmem>>, vector<16xf32>,
      tpu.vector_store %arg13[%swap3A_34, %swap3A_35], %broadcast_in_dim3A_0 {strides = array<i32>} : memref<128x128xf32, #tpu.memory_space<vmem>>, vector<16xf32>,
      %swap3A_37 = arith.index_cast %scan3A_31 : i32 to index
      %swap3A_38 = arith.constant 32 : index
      %swap3A_39 = tpu.vector_load %arg13[%swap3A_37, %swap3A_38] {strides = array<i32>} : memref<128x128xf32, #tpu.memory_space<vmem>>, vector<16xf32>,
      tpu.vector_store %arg13[%swap3A_37, %swap3A_38], %broadcast_in_dim3A_0 {strides = array<i32>} : memref<128x128xf32, #tpu.memory_space<vmem>>, vector<16xf32>,
      %swap3A_40 = arith.index_cast %scan3A_31 : i32 to index
      %swap3A_41 = arith.constant 48 : index
      %swap3A_42 = tpu.vector_load %arg13[%swap3A_40, %swap3A_41] {strides = array<i32>} : memref<128x128xf32, #tpu.memory_space<vmem>>, vector<16xf32>,
      tpu.vector_store %arg13[%swap3A_40, %swap3A_41], %broadcast_in_dim3A_0 {strides = array<i32>} : memref<128x128xf32, #tpu.memory_space<vmem>>, vector<16xf32>,
      %swap3A_43 = arith.index_cast %scan3A_31 : i32 to index
      %swap3A_44 = arith.constant 64 : index
      %swap3A_45 = tpu.vector_load %arg13[%swap3A_43, %swap3A_44] {strides = array<i32>} : memref<128x128xf32, #tpu.memory_space<vmem>>, vector<16xf32>,
      tpu.vector_store %arg13[%swap3A_43, %swap3A_44], %broadcast_in_dim3A_0 {strides = array<i32>} : memref<128x128xf32, #tpu.memory_space<vmem>>, vector<16xf32>,
      %swap3A_46 = arith.index_cast %scan3A_31 : i32 to index
      %swap3A_47 = arith.constant 80 : index
      %swap3A_48 = tpu.vector_load %arg13[%swap3A_46, %swap3A_47] {strides = array<i32>} : memref<128x128xf32, #tpu.memory_space<vmem>>, vector<16xf32>,
      tpu.vector_store %arg13[%swap3A_46, %swap3A_47], %broadcast_in_dim3A_0 {strides = array<i32>} : memref<128x128xf32, #tpu.memory_space<vmem>>, vector<16xf32>,
      %swap3A_49 = arith.index_cast %scan3A_31 : i32 to index
      %swap3A_50 = arith.constant 96 : index
      %swap3A_51 = tpu.vector_load %arg13[%swap3A_49, %swap3A_50] {strides = array<i32>} : memref<128x128xf32, #tpu.memory_space<vmem>>, vector<16xf32>,
      tpu.vector_store %arg13[%swap3A_49, %swap3A_50], %broadcast_in_dim3A_0 {strides = array<i32>} : memref<128x128xf32, #tpu.memory_space<vmem>>, vector<16xf32>,
      %swap3A_52 = arith.index_cast %scan3A_31 : i32 to index
      %swap3A_53 = arith.constant 112 : index
      %swap3A_54 = tpu.vector_load %arg13[%swap3A_52, %swap3A_53] {strides = array<i32>} : memref<128x128xf32, #tpu.memory_space<vmem>>, vector<16xf32>,
      tpu.vector_store %arg13[%swap3A_52, %swap3A_53], %broadcast_in_dim3A_0 {strides = array<i32>} : memref<128x128xf32, #tpu.memory_space<vmem>>, vector<16xf32>,
    }
    %scan3A_5 = arith.constant 128 : i32
    %mul3A = arith.constant 640 : i32
    %mul3A_6 = arith.muli %arg1, %mul3A : i32
    %add3A = arith.constant 0 : i32
    %add3A_7 = arith.addi %mul3A_6, %add3A : i32
    "tpu.region"() ({
      %run_scoped3A = tpu.sem_alloc : memref<!tpu.dma_semaphore, #tpu.memory_space<semaphore_mem>>
      %dma_start3A = arith.constant 0 : i32
      %dma_start3A_31 = tpu.memref_slice %arg14[%add3A_7, %dma_start3A] : memref<10240x128xf32, #tpu.memory_space<vmem_shared>> -> memref<128x128xf32, #tpu.memory_space<vmem_shared>>
      %dma_start3A_32 = arith.constant 0 : i32
      %dma_start3A_33 = tpu.memref_slice %arg14[%add3A_7, %dma_start3A_32] : memref<10240x128xf32, #tpu.memory_space<vmem_shared>> -> memref<128x128xf32, #tpu.memory_space<vmem_shared>>
      tpu.enqueue_dma source(%arg13 : memref<128x128xf32, #tpu.memory_space<vmem>>) target(%dma_start3A_33 : memref<128x128xf32, #tpu.memory_space<vmem_shared>>) target_semaphore(%run_scoped3A : memref<!tpu.dma_semaphore, #tpu.memory_space<semaphore_mem>>)
      %dma_wait3A = arith.constant 0 : i32
      %dma_wait3A_34 = tpu.memref_slice %arg14[%add3A_7, %dma_wait3A] : memref<10240x128xf32, #tpu.memory_space<vmem_shared>> -> memref<128x128xf32, #tpu.memory_space<vmem_shared>>
      %dma_wait3A_35 = arith.constant 0 : i32
      %dma_wait3A_36 = tpu.memref_slice %arg14[%add3A_7, %dma_wait3A_35] : memref<10240x128xf32, #tpu.memory_space<vmem_shared>> -> memref<128x128xf32, #tpu.memory_space<vmem_shared>>
      tpu.wait_dma2 semaphore(%run_scoped3A : memref<!tpu.dma_semaphore, #tpu.memory_space<semaphore_mem>>) src(%arg13 : memref<128x128xf32, #tpu.memory_space<vmem>>) dst(%dma_wait3A_36 : memref<128x128xf32, #tpu.memory_space<vmem_shared>>)
      tpu.yield
    }) : () -> ()
    %mul3A_8 = arith.constant 640 : i32
    %mul3A_9 = arith.muli %arg1, %mul3A_8 : i32
    %add3A_10 = arith.constant 128 : i32
    %add3A_11 = arith.addi %mul3A_9, %add3A_10 : i32
    "tpu.region"() ({
      %run_scoped3A = tpu.sem_alloc : memref<!tpu.dma_semaphore, #tpu.memory_space<semaphore_mem>>
      %dma_start3A = arith.constant 0 : i32
      %dma_start3A_31 = tpu.memref_slice %arg14[%add3A_11, %dma_start3A] : memref<10240x128xf32, #tpu.memory_space<vmem_shared>> -> memref<128x128xf32, #tpu.memory_space<vmem_shared>>
      %dma_start3A_32 = arith.constant 0 : i32
      %dma_start3A_33 = tpu.memref_slice %arg14[%add3A_11, %dma_start3A_32] : memref<10240x128xf32, #tpu.memory_space<vmem_shared>> -> memref<128x128xf32, #tpu.memory_space<vmem_shared>>
      tpu.enqueue_dma source(%arg13 : memref<128x128xf32, #tpu.memory_space<vmem>>) target(%dma_start3A_33 : memref<128x128xf32, #tpu.memory_space<vmem_shared>>) target_semaphore(%run_scoped3A : memref<!tpu.dma_semaphore, #tpu.memory_space<semaphore_mem>>)
      %dma_wait3A = arith.constant 0 : i32
      %dma_wait3A_34 = tpu.memref_slice %arg14[%add3A_11, %dma_wait3A] : memref<10240x128xf32, #tpu.memory_space<vmem_shared>> -> memref<128x128xf32, #tpu.memory_space<vmem_shared>>
      %dma_wait3A_35 = arith.constant 0 : i32
      %dma_wait3A_36 = tpu.memref_slice %arg14[%add3A_11, %dma_wait3A_35] : memref<10240x128xf32, #tpu.memory_space<vmem_shared>> -> memref<128x128xf32, #tpu.memory_space<vmem_shared>>
      tpu.wait_dma2 semaphore(%run_scoped3A : memref<!tpu.dma_semaphore, #tpu.memory_space<semaphore_mem>>) src(%arg13 : memref<128x128xf32, #tpu.memory_space<vmem>>) dst(%dma_wait3A_36 : memref<128x128xf32, #tpu.memory_space<vmem_shared>>)
      tpu.yield
    }) : () -> ()
    %mul3A_12 = arith.constant 640 : i32
    %mul3A_13 = arith.muli %arg1, %mul3A_12 : i32
    %add3A_14 = arith.constant 256 : i32
    %add3A_15 = arith.addi %mul3A_13, %add3A_14 : i32
    "tpu.region"() ({
      %run_scoped3A = tpu.sem_alloc : memref<!tpu.dma_semaphore, #tpu.memory_space<semaphore_mem>>
      %dma_start3A = arith.constant 0 : i32
      %dma_start3A_31 = tpu.memref_slice %arg14[%add3A_15, %dma_start3A] : memref<10240x128xf32, #tpu.memory_space<vmem_shared>> -> memref<128x128xf32, #tpu.memory_space<vmem_shared>>
      %dma_start3A_32 = arith.constant 0 : i32
      %dma_start3A_33 = tpu.memref_slice %arg14[%add3A_15, %dma_start3A_32] : memref<10240x128xf32, #tpu.memory_space<vmem_shared>> -> memref<128x128xf32, #tpu.memory_space<vmem_shared>>
      tpu.enqueue_dma source(%arg13 : memref<128x128xf32, #tpu.memory_space<vmem>>) target(%dma_start3A_33 : memref<128x128xf32, #tpu.memory_space<vmem_shared>>) target_semaphore(%run_scoped3A : memref<!tpu.dma_semaphore, #tpu.memory_space<semaphore_mem>>)
      %dma_wait3A = arith.constant 0 : i32
      %dma_wait3A_34 = tpu.memref_slice %arg14[%add3A_15, %dma_wait3A] : memref<10240x128xf32, #tpu.memory_space<vmem_shared>> -> memref<128x128xf32, #tpu.memory_space<vmem_shared>>
      %dma_wait3A_35 = arith.constant 0 : i32
      %dma_wait3A_36 = tpu.memref_slice %arg14[%add3A_15, %dma_wait3A_35] : memref<10240x128xf32, #tpu.memory_space<vmem_shared>> -> memref<128x128xf32, #tpu.memory_space<vmem_shared>>
      tpu.wait_dma2 semaphore(%run_scoped3A : memref<!tpu.dma_semaphore, #tpu.memory_space<semaphore_mem>>) src(%arg13 : memref<128x128xf32, #tpu.memory_space<vmem>>) dst(%dma_wait3A_36 : memref<128x128xf32, #tpu.memory_space<vmem_shared>>)
      tpu.yield
    }) : () -> ()
    %mul3A_16 = arith.constant 640 : i32
    %mul3A_17 = arith.muli %arg1, %mul3A_16 : i32
    %add3A_18 = arith.constant 384 : i32
    %add3A_19 = arith.addi %mul3A_17, %add3A_18 : i32
    "tpu.region"() ({
      %run_scoped3A = tpu.sem_alloc : memref<!tpu.dma_semaphore, #tpu.memory_space<semaphore_mem>>
      %dma_start3A = arith.constant 0 : i32
      %dma_start3A_31 = tpu.memref_slice %arg14[%add3A_19, %dma_start3A] : memref<10240x128xf32, #tpu.memory_space<vmem_shared>> -> memref<128x128xf32, #tpu.memory_space<vmem_shared>>
      %dma_start3A_32 = arith.constant 0 : i32
      %dma_start3A_33 = tpu.memref_slice %arg14[%add3A_19, %dma_start3A_32] : memref<10240x128xf32, #tpu.memory_space<vmem_shared>> -> memref<128x128xf32, #tpu.memory_space<vmem_shared>>
      tpu.enqueue_dma source(%arg13 : memref<128x128xf32, #tpu.memory_space<vmem>>) target(%dma_start3A_33 : memref<128x128xf32, #tpu.memory_space<vmem_shared>>) target_semaphore(%run_scoped3A : memref<!tpu.dma_semaphore, #tpu.memory_space<semaphore_mem>>)
      %dma_wait3A = arith.constant 0 : i32
      %dma_wait3A_34 = tpu.memref_slice %arg14[%add3A_19, %dma_wait3A] : memref<10240x128xf32, #tpu.memory_space<vmem_shared>> -> memref<128x128xf32, #tpu.memory_space<vmem_shared>>
      %dma_wait3A_35 = arith.constant 0 : i32
      %dma_wait3A_36 = tpu.memref_slice %arg14[%add3A_19, %dma_wait3A_35] : memref<10240x128xf32, #tpu.memory_space<vmem_shared>> -> memref<128x128xf32, #tpu.memory_space<vmem_shared>>
      tpu.wait_dma2 semaphore(%run_scoped3A : memref<!tpu.dma_semaphore, #tpu.memory_space<semaphore_mem>>) src(%arg13 : memref<128x128xf32, #tpu.memory_space<vmem>>) dst(%dma_wait3A_36 : memref<128x128xf32, #tpu.memory_space<vmem_shared>>)
      tpu.yield
    }) : () -> ()
    %mul3A_20 = arith.constant 640 : i32
    %mul3A_21 = arith.muli %arg1, %mul3A_20 : i32
    %add3A_22 = arith.constant 512 : i32
    %add3A_23 = arith.addi %mul3A_21, %add3A_22 : i32
    "tpu.region"() ({
      %run_scoped3A = tpu.sem_alloc : memref<!tpu.dma_semaphore, #tpu.memory_space<semaphore_mem>>
      %dma_start3A = arith.constant 0 : i32
      %dma_start3A_31 = tpu.memref_slice %arg14[%add3A_23, %dma_start3A] : memref<10240x128xf32, #tpu.memory_space<vmem_shared>> -> memref<128x128xf32, #tpu.memory_space<vmem_shared>>
      %dma_start3A_32 = arith.constant 0 : i32
      %dma_start3A_33 = tpu.memref_slice %arg14[%add3A_23, %dma_start3A_32] : memref<10240x128xf32, #tpu.memory_space<vmem_shared>> -> memref<128x128xf32, #tpu.memory_space<vmem_shared>>
      tpu.enqueue_dma source(%arg13 : memref<128x128xf32, #tpu.memory_space<vmem>>) target(%dma_start3A_33 : memref<128x128xf32, #tpu.memory_space<vmem_shared>>) target_semaphore(%run_scoped3A : memref<!tpu.dma_semaphore, #tpu.memory_space<semaphore_mem>>)
      %dma_wait3A = arith.constant 0 : i32
      %dma_wait3A_34 = tpu.memref_slice %arg14[%add3A_23, %dma_wait3A] : memref<10240x128xf32, #tpu.memory_space<vmem_shared>> -> memref<128x128xf32, #tpu.memory_space<vmem_shared>>
      %dma_wait3A_35 = arith.constant 0 : i32
      %dma_wait3A_36 = tpu.memref_slice %arg14[%add3A_23, %dma_wait3A_35] : memref<10240x128xf32, #tpu.memory_space<vmem_shared>> -> memref<128x128xf32, #tpu.memory_space<vmem_shared>>
      tpu.wait_dma2 semaphore(%run_scoped3A : memref<!tpu.dma_semaphore, #tpu.memory_space<semaphore_mem>>) src(%arg13 : memref<128x128xf32, #tpu.memory_space<vmem>>) dst(%dma_wait3A_36 : memref<128x128xf32, #tpu.memory_space<vmem_shared>>)
      tpu.yield
    }) : () -> ()
    %barrier3A = arith.constant 0 : index
    tpu.barrier barrier_id(%barrier3A)
    %eq3A = arith.constant 0 : i32
    %eq3A_24 = arith.cmpi eq, %arg0, %eq3A : i32
    %convert_element_type3A = arith.extui %eq3A_24 : i1 to i32
    %cond3A = arith.constant 0 : i32
    %cond3A_25 = arith.cmpi ne, %convert_element_type3A, %cond3A : i32
    scf.if %cond3A_25 {
      %scan3A_31 = arith.constant 0 : i32
      %scan3A_32 = arith.constant 0 : i32
      %scan3A_33 = arith.constant 21 : i32
      %scan3A_34 = arith.addi %scan3A_32, %scan3A_33 : i32
      %scan3A_35 = arith.constant 1 : i32
      scf.for %scan3A_58 = %scan3A_32 to %scan3A_34 step %scan3A_35  : i32 {
        %mul3A_59 = arith.constant 168 : i32
        %mul3A_60 = arith.muli %arg1, %mul3A_59 : i32
        %mul3A_61 = arith.constant 8 : i32
        %mul3A_62 = arith.muli %scan3A_58, %mul3A_61 : i32
        %add3A_63 = arith.addi %mul3A_60, %mul3A_62 : i32
        "tpu.region"() ({
          %run_scoped3A = tpu.sem_alloc : memref<!tpu.dma_semaphore, #tpu.memory_space<semaphore_mem>>
          %dma_start3A = arith.constant 0 : i32
          %dma_start3A_70 = tpu.memref_slice %arg2[%add3A_63, %dma_start3A] : memref<2688x128xi32, #tpu.memory_space<hbm>> -> memref<8x128xi32, #tpu.memory_space<hbm>>
          %dma_start3A_71 = arith.constant 0 : i32
          %dma_start3A_72 = tpu.memref_slice %arg2[%add3A_63, %dma_start3A_71] : memref<2688x128xi32, #tpu.memory_space<hbm>> -> memref<8x128xi32, #tpu.memory_space<hbm>>
          tpu.enqueue_dma source(%dma_start3A_72 : memref<8x128xi32, #tpu.memory_space<hbm>>) target(%arg9 : memref<8x128xi32, #tpu.memory_space<vmem>>) target_semaphore(%run_scoped3A : memref<!tpu.dma_semaphore, #tpu.memory_space<semaphore_mem>>)
          %dma_wait3A = arith.constant 0 : i32
          %dma_wait3A_73 = tpu.memref_slice %arg2[%add3A_63, %dma_wait3A] : memref<2688x128xi32, #tpu.memory_space<hbm>> -> memref<8x128xi32, #tpu.memory_space<hbm>>
          %dma_wait3A_74 = arith.constant 0 : i32
          %dma_wait3A_75 = tpu.memref_slice %arg2[%add3A_63, %dma_wait3A_74] : memref<2688x128xi32, #tpu.memory_space<hbm>> -> memref<8x128xi32, #tpu.memory_space<hbm>>
          tpu.wait_dma2 semaphore(%run_scoped3A : memref<!tpu.dma_semaphore, #tpu.memory_space<semaphore_mem>>) src(%dma_wait3A_75 : memref<8x128xi32, #tpu.memory_space<hbm>>) dst(%arg9 : memref<8x128xi32, #tpu.memory_space<vmem>>)
          tpu.yield
        }) : () -> ()
        "tpu.region"() ({
          %run_scoped3A = tpu.sem_alloc : memref<!tpu.dma_semaphore, #tpu.memory_space<semaphore_mem>>
          %dma_start3A = arith.constant 0 : i32
          %dma_start3A_70 = tpu.memref_slice %arg3[%add3A_63, %dma_start3A] : memref<2688x128xi32, #tpu.memory_space<hbm>> -> memref<8x128xi32, #tpu.memory_space<hbm>>
          %dma_start3A_71 = arith.constant 0 : i32
          %dma_start3A_72 = tpu.memref_slice %arg3[%add3A_63, %dma_start3A_71] : memref<2688x128xi32, #tpu.memory_space<hbm>> -> memref<8x128xi32, #tpu.memory_space<hbm>>
          tpu.enqueue_dma source(%dma_start3A_72 : memref<8x128xi32, #tpu.memory_space<hbm>>) target(%arg10 : memref<8x128xi32, #tpu.memory_space<vmem>>) target_semaphore(%run_scoped3A : memref<!tpu.dma_semaphore, #tpu.memory_space<semaphore_mem>>)
          %dma_wait3A = arith.constant 0 : i32
          %dma_wait3A_73 = tpu.memref_slice %arg3[%add3A_63, %dma_wait3A] : memref<2688x128xi32, #tpu.memory_space<hbm>> -> memref<8x128xi32, #tpu.memory_space<hbm>>
          %dma_wait3A_74 = arith.constant 0 : i32
          %dma_wait3A_75 = tpu.memref_slice %arg3[%add3A_63, %dma_wait3A_74] : memref<2688x128xi32, #tpu.memory_space<hbm>> -> memref<8x128xi32, #tpu.memory_space<hbm>>
          tpu.wait_dma2 semaphore(%run_scoped3A : memref<!tpu.dma_semaphore, #tpu.memory_space<semaphore_mem>>) src(%dma_wait3A_75 : memref<8x128xi32, #tpu.memory_space<hbm>>) dst(%arg10 : memref<8x128xi32, #tpu.memory_space<vmem>>)
          tpu.yield
        }) : () -> ()
        "tpu.region"() ({
          %run_scoped3A = tpu.sem_alloc : memref<!tpu.dma_semaphore, #tpu.memory_space<semaphore_mem>>
          %dma_start3A = arith.constant 0 : i32
          %dma_start3A_70 = tpu.memref_slice %arg4[%add3A_63, %dma_start3A] : memref<2688x128xf32, #tpu.memory_space<hbm>> -> memref<8x128xf32, #tpu.memory_space<hbm>>
          %dma_start3A_71 = arith.constant 0 : i32
          %dma_start3A_72 = tpu.memref_slice %arg4[%add3A_63, %dma_start3A_71] : memref<2688x128xf32, #tpu.memory_space<hbm>> -> memref<8x128xf32, #tpu.memory_space<hbm>>
          tpu.enqueue_dma source(%dma_start3A_72 : memref<8x128xf32, #tpu.memory_space<hbm>>) target(%arg11 : memref<8x128xf32, #tpu.memory_space<vmem>>) target_semaphore(%run_scoped3A : memref<!tpu.dma_semaphore, #tpu.memory_space<semaphore_mem>>)
          %dma_wait3A = arith.constant 0 : i32
          %dma_wait3A_73 = tpu.memref_slice %arg4[%add3A_63, %dma_wait3A] : memref<2688x128xf32, #tpu.memory_space<hbm>> -> memref<8x128xf32, #tpu.memory_space<hbm>>
          %dma_wait3A_74 = arith.constant 0 : i32
          %dma_wait3A_75 = tpu.memref_slice %arg4[%add3A_63, %dma_wait3A_74] : memref<2688x128xf32, #tpu.memory_space<hbm>> -> memref<8x128xf32, #tpu.memory_space<hbm>>
          tpu.wait_dma2 semaphore(%run_scoped3A : memref<!tpu.dma_semaphore, #tpu.memory_space<semaphore_mem>>) src(%dma_wait3A_75 : memref<8x128xf32, #tpu.memory_space<hbm>>) dst(%arg11 : memref<8x128xf32, #tpu.memory_space<vmem>>)
          tpu.yield
        }) : () -> ()
        %scan3A_64 = arith.constant 0 : i32
        %scan3A_65 = arith.constant 0 : i32
        %scan3A_66 = arith.constant 8 : i32
        %scan3A_67 = arith.addi %scan3A_65, %scan3A_66 : i32
        %scan3A_68 = arith.constant 1 : i32
        scf.for %scan3A_70 = %scan3A_65 to %scan3A_67 step %scan3A_68  : i32 {
          %dma_start3A = arith.constant 0 : i32
          %dma_start3A_71 = tpu.memref_slice %arg9[%scan3A_70, %dma_start3A] : memref<8x128xi32, #tpu.memory_space<vmem>> -> memref<1x128xi32, #tpu.memory_space<vmem>>
          %dma_start3A_72 = tpu.memref_squeeze %dma_start3A_71 : memref<1x128xi32, #tpu.memory_space<vmem>> -> memref<128xi32, #tpu.memory_space<vmem>>
          %dma_start3A_73 = arith.constant 0 : i32
          %dma_start3A_74 = arith.constant 0 : i32
          %dma_start3A_75 = tpu.memref_slice %arg5[%dma_start3A_73, %dma_start3A_74] : memref<10240x128xf32, #tpu.memory_space<hbm>> -> memref<10240x128xf32, #tpu.memory_space<hbm>>
          tpu.enqueue_indirect_dma source(%dma_start3A_75 : memref<10240x128xf32, #tpu.memory_space<hbm>>) target(%arg12 : memref<128x128xf32, #tpu.memory_space<vmem>>) offsets(%dma_start3A_72 : memref<128xi32, #tpu.memory_space<vmem>>) semaphore(%arg15 : memref<!tpu.dma_semaphore, #tpu.memory_space<semaphore_mem>>)
          %dma_wait3A = arith.constant 0 : i32
          %dma_wait3A_76 = tpu.memref_slice %arg9[%scan3A_70, %dma_wait3A] : memref<8x128xi32, #tpu.memory_space<vmem>> -> memref<1x128xi32, #tpu.memory_space<vmem>>
          %dma_wait3A_77 = tpu.memref_squeeze %dma_wait3A_76 : memref<1x128xi32, #tpu.memory_space<vmem>> -> memref<128xi32, #tpu.memory_space<vmem>>
          %dma_wait3A_78 = arith.constant 0 : i32
          %dma_wait3A_79 = arith.constant 0 : i32
          %dma_wait3A_80 = tpu.memref_slice %arg5[%dma_wait3A_78, %dma_wait3A_79] : memref<10240x128xf32, #tpu.memory_space<hbm>> -> memref<10240x128xf32, #tpu.memory_space<hbm>>
          tpu.wait_indirect_dma semaphore(%arg15 : memref<!tpu.dma_semaphore, #tpu.memory_space<semaphore_mem>>) src(%dma_wait3A_80 : memref<10240x128xf32, #tpu.memory_space<hbm>>) dst(%arg12 : memref<128x128xf32, #tpu.memory_space<vmem>>)
          %scan3A_81 = arith.constant 0 : i32
          %scan3A_82 = arith.constant 0 : i32
          %scan3A_83 = arith.constant 128 : i32
          %scan3A_84 = arith.addi %scan3A_82, %scan3A_83 : i32
          %scan3A_85 = arith.constant 1 : i32
          scf.for %scan3A_87 = %scan3A_82 to %scan3A_84 step %scan3A_85  : i32 {
            %broadcast_in_dim3A_88 = vector.broadcast %scan3A_70 : i32 to vector<16xi32>
            %broadcast_in_dim3A_89 = vector.broadcast %scan3A_87 : i32 to vector<16xi32>
            %gather3A = tpu.vector_load_idx %arg11[%broadcast_in_dim3A_88, %broadcast_in_dim3A_89] : memref<8x128xf32, #tpu.memory_space<vmem>>[vector<16xi32>, vector<16xi32>], vector<16xf32>,
            %get3A = arith.index_cast %scan3A_87 : i32 to index
            %get3A_90 = arith.constant 0 : index
            %get3A_91 = tpu.vector_load %arg12[%get3A, %get3A_90] {strides = array<i32>} : memref<128x128xf32, #tpu.memory_space<vmem>>, vector<16xf32>,
            %mul3A_92 = arith.mulf %get3A_91, %gather3A : vector<16xf32>
            %swap3A = arith.index_cast %scan3A_87 : i32 to index
            %swap3A_93 = arith.constant 0 : index
            %swap3A_94 = tpu.vector_load %arg13[%swap3A, %swap3A_93] {strides = array<i32>} : memref<128x128xf32, #tpu.memory_space<vmem>>, vector<16xf32>,
            tpu.vector_store %arg13[%swap3A, %swap3A_93], %mul3A_92 {strides = array<i32>} : memref<128x128xf32, #tpu.memory_space<vmem>>, vector<16xf32>,
            %get3A_95 = arith.index_cast %scan3A_87 : i32 to index
            %get3A_96 = arith.constant 16 : index
            %get3A_97 = tpu.vector_load %arg12[%get3A_95, %get3A_96] {strides = array<i32>} : memref<128x128xf32, #tpu.memory_space<vmem>>, vector<16xf32>,
            %mul3A_98 = arith.mulf %get3A_97, %gather3A : vector<16xf32>
            %swap3A_99 = arith.index_cast %scan3A_87 : i32 to index
            %swap3A_100 = arith.constant 16 : index
            %swap3A_101 = tpu.vector_load %arg13[%swap3A_99, %swap3A_100] {strides = array<i32>} : memref<128x128xf32, #tpu.memory_space<vmem>>, vector<16xf32>,
            tpu.vector_store %arg13[%swap3A_99, %swap3A_100], %mul3A_98 {strides = array<i32>} : memref<128x128xf32, #tpu.memory_space<vmem>>, vector<16xf32>,
            %get3A_102 = arith.index_cast %scan3A_87 : i32 to index
            %get3A_103 = arith.constant 32 : index
            %get3A_104 = tpu.vector_load %arg12[%get3A_102, %get3A_103] {strides = array<i32>} : memref<128x128xf32, #tpu.memory_space<vmem>>, vector<16xf32>,
            %mul3A_105 = arith.mulf %get3A_104, %gather3A : vector<16xf32>
            %swap3A_106 = arith.index_cast %scan3A_87 : i32 to index
            %swap3A_107 = arith.constant 32 : index
            %swap3A_108 = tpu.vector_load %arg13[%swap3A_106, %swap3A_107] {strides = array<i32>} : memref<128x128xf32, #tpu.memory_space<vmem>>, vector<16xf32>,
            tpu.vector_store %arg13[%swap3A_106, %swap3A_107], %mul3A_105 {strides = array<i32>} : memref<128x128xf32, #tpu.memory_space<vmem>>, vector<16xf32>,
            %get3A_109 = arith.index_cast %scan3A_87 : i32 to index
            %get3A_110 = arith.constant 48 : index
            %get3A_111 = tpu.vector_load %arg12[%get3A_109, %get3A_110] {strides = array<i32>} : memref<128x128xf32, #tpu.memory_space<vmem>>, vector<16xf32>,
            %mul3A_112 = arith.mulf %get3A_111, %gather3A : vector<16xf32>
            %swap3A_113 = arith.index_cast %scan3A_87 : i32 to index
            %swap3A_114 = arith.constant 48 : index
            %swap3A_115 = tpu.vector_load %arg13[%swap3A_113, %swap3A_114] {strides = array<i32>} : memref<128x128xf32, #tpu.memory_space<vmem>>, vector<16xf32>,
            tpu.vector_store %arg13[%swap3A_113, %swap3A_114], %mul3A_112 {strides = array<i32>} : memref<128x128xf32, #tpu.memory_space<vmem>>, vector<16xf32>,
            %get3A_116 = arith.index_cast %scan3A_87 : i32 to index
            %get3A_117 = arith.constant 64 : index
            %get3A_118 = tpu.vector_load %arg12[%get3A_116, %get3A_117] {strides = array<i32>} : memref<128x128xf32, #tpu.memory_space<vmem>>, vector<16xf32>,
            %mul3A_119 = arith.mulf %get3A_118, %gather3A : vector<16xf32>
            %swap3A_120 = arith.index_cast %scan3A_87 : i32 to index
            %swap3A_121 = arith.constant 64 : index
            %swap3A_122 = tpu.vector_load %arg13[%swap3A_120, %swap3A_121] {strides = array<i32>} : memref<128x128xf32, #tpu.memory_space<vmem>>, vector<16xf32>,
            tpu.vector_store %arg13[%swap3A_120, %swap3A_121], %mul3A_119 {strides = array<i32>} : memref<128x128xf32, #tpu.memory_space<vmem>>, vector<16xf32>,
            %get3A_123 = arith.index_cast %scan3A_87 : i32 to index
            %get3A_124 = arith.constant 80 : index
            %get3A_125 = tpu.vector_load %arg12[%get3A_123, %get3A_124] {strides = array<i32>} : memref<128x128xf32, #tpu.memory_space<vmem>>, vector<16xf32>,
            %mul3A_126 = arith.mulf %get3A_125, %gather3A : vector<16xf32>
            %swap3A_127 = arith.index_cast %scan3A_87 : i32 to index
            %swap3A_128 = arith.constant 80 : index
            %swap3A_129 = tpu.vector_load %arg13[%swap3A_127, %swap3A_128] {strides = array<i32>} : memref<128x128xf32, #tpu.memory_space<vmem>>, vector<16xf32>,
            tpu.vector_store %arg13[%swap3A_127, %swap3A_128], %mul3A_126 {strides = array<i32>} : memref<128x128xf32, #tpu.memory_space<vmem>>, vector<16xf32>,
            %get3A_130 = arith.index_cast %scan3A_87 : i32 to index
            %get3A_131 = arith.constant 96 : index
            %get3A_132 = tpu.vector_load %arg12[%get3A_130, %get3A_131] {strides = array<i32>} : memref<128x128xf32, #tpu.memory_space<vmem>>, vector<16xf32>,
            %mul3A_133 = arith.mulf %get3A_132, %gather3A : vector<16xf32>
            %swap3A_134 = arith.index_cast %scan3A_87 : i32 to index
            %swap3A_135 = arith.constant 96 : index
            %swap3A_136 = tpu.vector_load %arg13[%swap3A_134, %swap3A_135] {strides = array<i32>} : memref<128x128xf32, #tpu.memory_space<vmem>>, vector<16xf32>,
            tpu.vector_store %arg13[%swap3A_134, %swap3A_135], %mul3A_133 {strides = array<i32>} : memref<128x128xf32, #tpu.memory_space<vmem>>, vector<16xf32>,
            %get3A_137 = arith.index_cast %scan3A_87 : i32 to index
            %get3A_138 = arith.constant 112 : index
            %get3A_139 = tpu.vector_load %arg12[%get3A_137, %get3A_138] {strides = array<i32>} : memref<128x128xf32, #tpu.memory_space<vmem>>, vector<16xf32>,
            %mul3A_140 = arith.mulf %get3A_139, %gather3A : vector<16xf32>
            %swap3A_141 = arith.index_cast %scan3A_87 : i32 to index
            %swap3A_142 = arith.constant 112 : index
            %swap3A_143 = tpu.vector_load %arg13[%swap3A_141, %swap3A_142] {strides = array<i32>} : memref<128x128xf32, #tpu.memory_space<vmem>>, vector<16xf32>,
            tpu.vector_store %arg13[%swap3A_141, %swap3A_142], %mul3A_140 {strides = array<i32>} : memref<128x128xf32, #tpu.memory_space<vmem>>, vector<16xf32>,
          }
          %scan3A_86 = arith.constant 128 : i32
          "tpu.region"() ({
            %run_scoped3A = tpu.sem_alloc : memref<!tpu.dma_semaphore, #tpu.memory_space<semaphore_mem>>
            %dma_start3A_87 = arith.constant 0 : i32
            %dma_start3A_88 = tpu.memref_slice %arg10[%scan3A_70, %dma_start3A_87] : memref<8x128xi32, #tpu.memory_space<vmem>> -> memref<1x128xi32, #tpu.memory_space<vmem>>
            %dma_start3A_89 = tpu.memref_squeeze %dma_start3A_88 : memref<1x128xi32, #tpu.memory_space<vmem>> -> memref<128xi32, #tpu.memory_space<vmem>>
            %dma_start3A_90 = arith.constant 0 : i32
            %dma_start3A_91 = arith.constant 0 : i32
            %dma_start3A_92 = tpu.memref_slice %arg14[%dma_start3A_90, %dma_start3A_91] : memref<10240x128xf32, #tpu.memory_space<vmem_shared>> -> memref<10240x128xf32, #tpu.memory_space<vmem_shared>>
            tpu.enqueue_indirect_dma source(%arg13 : memref<128x128xf32, #tpu.memory_space<vmem>>) target(%dma_start3A_92 : memref<10240x128xf32, #tpu.memory_space<vmem_shared>>) offsets(%dma_start3A_89 : memref<128xi32, #tpu.memory_space<vmem>>) semaphore(%run_scoped3A : memref<!tpu.dma_semaphore, #tpu.memory_space<semaphore_mem>>) {add = true}
            %dma_wait3A_93 = arith.constant 0 : i32
            %dma_wait3A_94 = tpu.memref_slice %arg10[%scan3A_70, %dma_wait3A_93] : memref<8x128xi32, #tpu.memory_space<vmem>> -> memref<1x128xi32, #tpu.memory_space<vmem>>
            %dma_wait3A_95 = tpu.memref_squeeze %dma_wait3A_94 : memref<1x128xi32, #tpu.memory_space<vmem>> -> memref<128xi32, #tpu.memory_space<vmem>>
            %dma_wait3A_96 = arith.constant 0 : i32
            %dma_wait3A_97 = arith.constant 0 : i32
            %dma_wait3A_98 = tpu.memref_slice %arg14[%dma_wait3A_96, %dma_wait3A_97] : memref<10240x128xf32, #tpu.memory_space<vmem_shared>> -> memref<10240x128xf32, #tpu.memory_space<vmem_shared>>
            tpu.wait_indirect_dma semaphore(%run_scoped3A : memref<!tpu.dma_semaphore, #tpu.memory_space<semaphore_mem>>) src(%arg13 : memref<128x128xf32, #tpu.memory_space<vmem>>) dst(%dma_wait3A_98 : memref<10240x128xf32, #tpu.memory_space<vmem_shared>>)
            tpu.yield
          }) : () -> ()
        }
        %scan3A_69 = arith.constant 8 : i32
      }
      %scan3A_36 = arith.constant 21 : i32
      %barrier3A_37 = arith.constant 0 : index
      tpu.barrier barrier_id(%barrier3A_37)
      %mul3A_38 = arith.constant 640 : i32
      %mul3A_39 = arith.muli %arg1, %mul3A_38 : i32
      %add3A_40 = arith.constant 0 : i32
      %add3A_41 = arith.addi %mul3A_39, %add3A_40 : i32
      "tpu.region"() ({
        %run_scoped3A = tpu.sem_alloc : memref<!tpu.dma_semaphore, #tpu.memory_space<semaphore_mem>>
        %dma_start3A = arith.constant 0 : i32
        %dma_start3A_58 = tpu.memref_slice %arg14[%add3A_41, %dma_start3A] : memref<10240x128xf32, #tpu.memory_space<vmem_shared>> -> memref<128x128xf32, #tpu.memory_space<vmem_shared>>
        %dma_start3A_59 = arith.constant 0 : i32
        %dma_start3A_60 = tpu.memref_slice %arg14[%add3A_41, %dma_start3A_59] : memref<10240x128xf32, #tpu.memory_space<vmem_shared>> -> memref<128x128xf32, #tpu.memory_space<vmem_shared>>
        tpu.enqueue_dma source(%dma_start3A_60 : memref<128x128xf32, #tpu.memory_space<vmem_shared>>) target(%arg12 : memref<128x128xf32, #tpu.memory_space<vmem>>) target_semaphore(%run_scoped3A : memref<!tpu.dma_semaphore, #tpu.memory_space<semaphore_mem>>)
        %dma_wait3A = arith.constant 0 : i32
        %dma_wait3A_61 = tpu.memref_slice %arg14[%add3A_41, %dma_wait3A] : memref<10240x128xf32, #tpu.memory_space<vmem_shared>> -> memref<128x128xf32, #tpu.memory_space<vmem_shared>>
        %dma_wait3A_62 = arith.constant 0 : i32
        %dma_wait3A_63 = tpu.memref_slice %arg14[%add3A_41, %dma_wait3A_62] : memref<10240x128xf32, #tpu.memory_space<vmem_shared>> -> memref<128x128xf32, #tpu.memory_space<vmem_shared>>
        tpu.wait_dma2 semaphore(%run_scoped3A : memref<!tpu.dma_semaphore, #tpu.memory_space<semaphore_mem>>) src(%dma_wait3A_63 : memref<128x128xf32, #tpu.memory_space<vmem_shared>>) dst(%arg12 : memref<128x128xf32, #tpu.memory_space<vmem>>)
        tpu.yield
      }) : () -> ()
      "tpu.region"() ({
        %run_scoped3A = tpu.sem_alloc : memref<!tpu.dma_semaphore, #tpu.memory_space<semaphore_mem>>
        %dma_start3A = arith.constant 0 : i32
        %dma_start3A_58 = tpu.memref_slice %arg7[%add3A_41, %dma_start3A] : memref<10240x128xf32, #tpu.memory_space<hbm>> -> memref<128x128xf32, #tpu.memory_space<hbm>>
        %dma_start3A_59 = arith.constant 0 : i32
        %dma_start3A_60 = tpu.memref_slice %arg7[%add3A_41, %dma_start3A_59] : memref<10240x128xf32, #tpu.memory_space<hbm>> -> memref<128x128xf32, #tpu.memory_space<hbm>>
        tpu.enqueue_dma source(%arg12 : memref<128x128xf32, #tpu.memory_space<vmem>>) target(%dma_start3A_60 : memref<128x128xf32, #tpu.memory_space<hbm>>) target_semaphore(%run_scoped3A : memref<!tpu.dma_semaphore, #tpu.memory_space<semaphore_mem>>)
        %dma_wait3A = arith.constant 0 : i32
        %dma_wait3A_61 = tpu.memref_slice %arg7[%add3A_41, %dma_wait3A] : memref<10240x128xf32, #tpu.memory_space<hbm>> -> memref<128x128xf32, #tpu.memory_space<hbm>>
        %dma_wait3A_62 = arith.constant 0 : i32
        %dma_wait3A_63 = tpu.memref_slice %arg7[%add3A_41, %dma_wait3A_62] : memref<10240x128xf32, #tpu.memory_space<hbm>> -> memref<128x128xf32, #tpu.memory_space<hbm>>
        tpu.wait_dma2 semaphore(%run_scoped3A : memref<!tpu.dma_semaphore, #tpu.memory_space<semaphore_mem>>) src(%arg12 : memref<128x128xf32, #tpu.memory_space<vmem>>) dst(%dma_wait3A_63 : memref<128x128xf32, #tpu.memory_space<hbm>>)
        tpu.yield
      }) : () -> ()
      %mul3A_42 = arith.constant 640 : i32
      %mul3A_43 = arith.muli %arg1, %mul3A_42 : i32
      %add3A_44 = arith.constant 128 : i32
      %add3A_45 = arith.addi %mul3A_43, %add3A_44 : i32
      "tpu.region"() ({
        %run_scoped3A = tpu.sem_alloc : memref<!tpu.dma_semaphore, #tpu.memory_space<semaphore_mem>>
        %dma_start3A = arith.constant 0 : i32
        %dma_start3A_58 = tpu.memref_slice %arg14[%add3A_45, %dma_start3A] : memref<10240x128xf32, #tpu.memory_space<vmem_shared>> -> memref<128x128xf32, #tpu.memory_space<vmem_shared>>
        %dma_start3A_59 = arith.constant 0 : i32
        %dma_start3A_60 = tpu.memref_slice %arg14[%add3A_45, %dma_start3A_59] : memref<10240x128xf32, #tpu.memory_space<vmem_shared>> -> memref<128x128xf32, #tpu.memory_space<vmem_shared>>
        tpu.enqueue_dma source(%dma_start3A_60 : memref<128x128xf32, #tpu.memory_space<vmem_shared>>) target(%arg12 : memref<128x128xf32, #tpu.memory_space<vmem>>) target_semaphore(%run_scoped3A : memref<!tpu.dma_semaphore, #tpu.memory_space<semaphore_mem>>)
        %dma_wait3A = arith.constant 0 : i32
        %dma_wait3A_61 = tpu.memref_slice %arg14[%add3A_45, %dma_wait3A] : memref<10240x128xf32, #tpu.memory_space<vmem_shared>> -> memref<128x128xf32, #tpu.memory_space<vmem_shared>>
        %dma_wait3A_62 = arith.constant 0 : i32
        %dma_wait3A_63 = tpu.memref_slice %arg14[%add3A_45, %dma_wait3A_62] : memref<10240x128xf32, #tpu.memory_space<vmem_shared>> -> memref<128x128xf32, #tpu.memory_space<vmem_shared>>
        tpu.wait_dma2 semaphore(%run_scoped3A : memref<!tpu.dma_semaphore, #tpu.memory_space<semaphore_mem>>) src(%dma_wait3A_63 : memref<128x128xf32, #tpu.memory_space<vmem_shared>>) dst(%arg12 : memref<128x128xf32, #tpu.memory_space<vmem>>)
        tpu.yield
      }) : () -> ()
      "tpu.region"() ({
        %run_scoped3A = tpu.sem_alloc : memref<!tpu.dma_semaphore, #tpu.memory_space<semaphore_mem>>
        %dma_start3A = arith.constant 0 : i32
        %dma_start3A_58 = tpu.memref_slice %arg7[%add3A_45, %dma_start3A] : memref<10240x128xf32, #tpu.memory_space<hbm>> -> memref<128x128xf32, #tpu.memory_space<hbm>>
        %dma_start3A_59 = arith.constant 0 : i32
        %dma_start3A_60 = tpu.memref_slice %arg7[%add3A_45, %dma_start3A_59] : memref<10240x128xf32, #tpu.memory_space<hbm>> -> memref<128x128xf32, #tpu.memory_space<hbm>>
        tpu.enqueue_dma source(%arg12 : memref<128x128xf32, #tpu.memory_space<vmem>>) target(%dma_start3A_60 : memref<128x128xf32, #tpu.memory_space<hbm>>) target_semaphore(%run_scoped3A : memref<!tpu.dma_semaphore, #tpu.memory_space<semaphore_mem>>)
        %dma_wait3A = arith.constant 0 : i32
        %dma_wait3A_61 = tpu.memref_slice %arg7[%add3A_45, %dma_wait3A] : memref<10240x128xf32, #tpu.memory_space<hbm>> -> memref<128x128xf32, #tpu.memory_space<hbm>>
        %dma_wait3A_62 = arith.constant 0 : i32
        %dma_wait3A_63 = tpu.memref_slice %arg7[%add3A_45, %dma_wait3A_62] : memref<10240x128xf32, #tpu.memory_space<hbm>> -> memref<128x128xf32, #tpu.memory_space<hbm>>
        tpu.wait_dma2 semaphore(%run_scoped3A : memref<!tpu.dma_semaphore, #tpu.memory_space<semaphore_mem>>) src(%arg12 : memref<128x128xf32, #tpu.memory_space<vmem>>) dst(%dma_wait3A_63 : memref<128x128xf32, #tpu.memory_space<hbm>>)
        tpu.yield
      }) : () -> ()
      %mul3A_46 = arith.constant 640 : i32
      %mul3A_47 = arith.muli %arg1, %mul3A_46 : i32
      %add3A_48 = arith.constant 256 : i32
      %add3A_49 = arith.addi %mul3A_47, %add3A_48 : i32
      "tpu.region"() ({
        %run_scoped3A = tpu.sem_alloc : memref<!tpu.dma_semaphore, #tpu.memory_space<semaphore_mem>>
        %dma_start3A = arith.constant 0 : i32
        %dma_start3A_58 = tpu.memref_slice %arg14[%add3A_49, %dma_start3A] : memref<10240x128xf32, #tpu.memory_space<vmem_shared>> -> memref<128x128xf32, #tpu.memory_space<vmem_shared>>
        %dma_start3A_59 = arith.constant 0 : i32
        %dma_start3A_60 = tpu.memref_slice %arg14[%add3A_49, %dma_start3A_59] : memref<10240x128xf32, #tpu.memory_space<vmem_shared>> -> memref<128x128xf32, #tpu.memory_space<vmem_shared>>
        tpu.enqueue_dma source(%dma_start3A_60 : memref<128x128xf32, #tpu.memory_space<vmem_shared>>) target(%arg12 : memref<128x128xf32, #tpu.memory_space<vmem>>) target_semaphore(%run_scoped3A : memref<!tpu.dma_semaphore, #tpu.memory_space<semaphore_mem>>)
        %dma_wait3A = arith.constant 0 : i32
        %dma_wait3A_61 = tpu.memref_slice %arg14[%add3A_49, %dma_wait3A] : memref<10240x128xf32, #tpu.memory_space<vmem_shared>> -> memref<128x128xf32, #tpu.memory_space<vmem_shared>>
        %dma_wait3A_62 = arith.constant 0 : i32
        %dma_wait3A_63 = tpu.memref_slice %arg14[%add3A_49, %dma_wait3A_62] : memref<10240x128xf32, #tpu.memory_space<vmem_shared>> -> memref<128x128xf32, #tpu.memory_space<vmem_shared>>
        tpu.wait_dma2 semaphore(%run_scoped3A : memref<!tpu.dma_semaphore, #tpu.memory_space<semaphore_mem>>) src(%dma_wait3A_63 : memref<128x128xf32, #tpu.memory_space<vmem_shared>>) dst(%arg12 : memref<128x128xf32, #tpu.memory_space<vmem>>)
        tpu.yield
      }) : () -> ()
      "tpu.region"() ({
        %run_scoped3A = tpu.sem_alloc : memref<!tpu.dma_semaphore, #tpu.memory_space<semaphore_mem>>
        %dma_start3A = arith.constant 0 : i32
        %dma_start3A_58 = tpu.memref_slice %arg7[%add3A_49, %dma_start3A] : memref<10240x128xf32, #tpu.memory_space<hbm>> -> memref<128x128xf32, #tpu.memory_space<hbm>>
        %dma_start3A_59 = arith.constant 0 : i32
        %dma_start3A_60 = tpu.memref_slice %arg7[%add3A_49, %dma_start3A_59] : memref<10240x128xf32, #tpu.memory_space<hbm>> -> memref<128x128xf32, #tpu.memory_space<hbm>>
        tpu.enqueue_dma source(%arg12 : memref<128x128xf32, #tpu.memory_space<vmem>>) target(%dma_start3A_60 : memref<128x128xf32, #tpu.memory_space<hbm>>) target_semaphore(%run_scoped3A : memref<!tpu.dma_semaphore, #tpu.memory_space<semaphore_mem>>)
        %dma_wait3A = arith.constant 0 : i32
        %dma_wait3A_61 = tpu.memref_slice %arg7[%add3A_49, %dma_wait3A] : memref<10240x128xf32, #tpu.memory_space<hbm>> -> memref<128x128xf32, #tpu.memory_space<hbm>>
        %dma_wait3A_62 = arith.constant 0 : i32
        %dma_wait3A_63 = tpu.memref_slice %arg7[%add3A_49, %dma_wait3A_62] : memref<10240x128xf32, #tpu.memory_space<hbm>> -> memref<128x128xf32, #tpu.memory_space<hbm>>
        tpu.wait_dma2 semaphore(%run_scoped3A : memref<!tpu.dma_semaphore, #tpu.memory_space<semaphore_mem>>) src(%arg12 : memref<128x128xf32, #tpu.memory_space<vmem>>) dst(%dma_wait3A_63 : memref<128x128xf32, #tpu.memory_space<hbm>>)
        tpu.yield
      }) : () -> ()
      %mul3A_50 = arith.constant 640 : i32
      %mul3A_51 = arith.muli %arg1, %mul3A_50 : i32
      %add3A_52 = arith.constant 384 : i32
      %add3A_53 = arith.addi %mul3A_51, %add3A_52 : i32
      "tpu.region"() ({
        %run_scoped3A = tpu.sem_alloc : memref<!tpu.dma_semaphore, #tpu.memory_space<semaphore_mem>>
        %dma_start3A = arith.constant 0 : i32
        %dma_start3A_58 = tpu.memref_slice %arg14[%add3A_53, %dma_start3A] : memref<10240x128xf32, #tpu.memory_space<vmem_shared>> -> memref<128x128xf32, #tpu.memory_space<vmem_shared>>
        %dma_start3A_59 = arith.constant 0 : i32
        %dma_start3A_60 = tpu.memref_slice %arg14[%add3A_53, %dma_start3A_59] : memref<10240x128xf32, #tpu.memory_space<vmem_shared>> -> memref<128x128xf32, #tpu.memory_space<vmem_shared>>
        tpu.enqueue_dma source(%dma_start3A_60 : memref<128x128xf32, #tpu.memory_space<vmem_shared>>) target(%arg12 : memref<128x128xf32, #tpu.memory_space<vmem>>) target_semaphore(%run_scoped3A : memref<!tpu.dma_semaphore, #tpu.memory_space<semaphore_mem>>)
        %dma_wait3A = arith.constant 0 : i32
        %dma_wait3A_61 = tpu.memref_slice %arg14[%add3A_53, %dma_wait3A] : memref<10240x128xf32, #tpu.memory_space<vmem_shared>> -> memref<128x128xf32, #tpu.memory_space<vmem_shared>>
        %dma_wait3A_62 = arith.constant 0 : i32
        %dma_wait3A_63 = tpu.memref_slice %arg14[%add3A_53, %dma_wait3A_62] : memref<10240x128xf32, #tpu.memory_space<vmem_shared>> -> memref<128x128xf32, #tpu.memory_space<vmem_shared>>
        tpu.wait_dma2 semaphore(%run_scoped3A : memref<!tpu.dma_semaphore, #tpu.memory_space<semaphore_mem>>) src(%dma_wait3A_63 : memref<128x128xf32, #tpu.memory_space<vmem_shared>>) dst(%arg12 : memref<128x128xf32, #tpu.memory_space<vmem>>)
        tpu.yield
      }) : () -> ()
      "tpu.region"() ({
        %run_scoped3A = tpu.sem_alloc : memref<!tpu.dma_semaphore, #tpu.memory_space<semaphore_mem>>
        %dma_start3A = arith.constant 0 : i32
        %dma_start3A_58 = tpu.memref_slice %arg7[%add3A_53, %dma_start3A] : memref<10240x128xf32, #tpu.memory_space<hbm>> -> memref<128x128xf32, #tpu.memory_space<hbm>>
        %dma_start3A_59 = arith.constant 0 : i32
        %dma_start3A_60 = tpu.memref_slice %arg7[%add3A_53, %dma_start3A_59] : memref<10240x128xf32, #tpu.memory_space<hbm>> -> memref<128x128xf32, #tpu.memory_space<hbm>>
        tpu.enqueue_dma source(%arg12 : memref<128x128xf32, #tpu.memory_space<vmem>>) target(%dma_start3A_60 : memref<128x128xf32, #tpu.memory_space<hbm>>) target_semaphore(%run_scoped3A : memref<!tpu.dma_semaphore, #tpu.memory_space<semaphore_mem>>)
        %dma_wait3A = arith.constant 0 : i32
        %dma_wait3A_61 = tpu.memref_slice %arg7[%add3A_53, %dma_wait3A] : memref<10240x128xf32, #tpu.memory_space<hbm>> -> memref<128x128xf32, #tpu.memory_space<hbm>>
        %dma_wait3A_62 = arith.constant 0 : i32
        %dma_wait3A_63 = tpu.memref_slice %arg7[%add3A_53, %dma_wait3A_62] : memref<10240x128xf32, #tpu.memory_space<hbm>> -> memref<128x128xf32, #tpu.memory_space<hbm>>
        tpu.wait_dma2 semaphore(%run_scoped3A : memref<!tpu.dma_semaphore, #tpu.memory_space<semaphore_mem>>) src(%arg12 : memref<128x128xf32, #tpu.memory_space<vmem>>) dst(%dma_wait3A_63 : memref<128x128xf32, #tpu.memory_space<hbm>>)
        tpu.yield
      }) : () -> ()
      %mul3A_54 = arith.constant 640 : i32
      %mul3A_55 = arith.muli %arg1, %mul3A_54 : i32
      %add3A_56 = arith.constant 512 : i32
      %add3A_57 = arith.addi %mul3A_55, %add3A_56 : i32
      "tpu.region"() ({
        %run_scoped3A = tpu.sem_alloc : memref<!tpu.dma_semaphore, #tpu.memory_space<semaphore_mem>>
        %dma_start3A = arith.constant 0 : i32
        %dma_start3A_58 = tpu.memref_slice %arg14[%add3A_57, %dma_start3A] : memref<10240x128xf32, #tpu.memory_space<vmem_shared>> -> memref<128x128xf32, #tpu.memory_space<vmem_shared>>
        %dma_start3A_59 = arith.constant 0 : i32
        %dma_start3A_60 = tpu.memref_slice %arg14[%add3A_57, %dma_start3A_59] : memref<10240x128xf32, #tpu.memory_space<vmem_shared>> -> memref<128x128xf32, #tpu.memory_space<vmem_shared>>
        tpu.enqueue_dma source(%dma_start3A_60 : memref<128x128xf32, #tpu.memory_space<vmem_shared>>) target(%arg12 : memref<128x128xf32, #tpu.memory_space<vmem>>) target_semaphore(%run_scoped3A : memref<!tpu.dma_semaphore, #tpu.memory_space<semaphore_mem>>)
        %dma_wait3A = arith.constant 0 : i32
        %dma_wait3A_61 = tpu.memref_slice %arg14[%add3A_57, %dma_wait3A] : memref<10240x128xf32, #tpu.memory_space<vmem_shared>> -> memref<128x128xf32, #tpu.memory_space<vmem_shared>>
        %dma_wait3A_62 = arith.constant 0 : i32
        %dma_wait3A_63 = tpu.memref_slice %arg14[%add3A_57, %dma_wait3A_62] : memref<10240x128xf32, #tpu.memory_space<vmem_shared>> -> memref<128x128xf32, #tpu.memory_space<vmem_shared>>
        tpu.wait_dma2 semaphore(%run_scoped3A : memref<!tpu.dma_semaphore, #tpu.memory_space<semaphore_mem>>) src(%dma_wait3A_63 : memref<128x128xf32, #tpu.memory_space<vmem_shared>>) dst(%arg12 : memref<128x128xf32, #tpu.memory_space<vmem>>)
        tpu.yield
      }) : () -> ()
      "tpu.region"() ({
        %run_scoped3A = tpu.sem_alloc : memref<!tpu.dma_semaphore, #tpu.memory_space<semaphore_mem>>
        %dma_start3A = arith.constant 0 : i32
        %dma_start3A_58 = tpu.memref_slice %arg7[%add3A_57, %dma_start3A] : memref<10240x128xf32, #tpu.memory_space<hbm>> -> memref<128x128xf32, #tpu.memory_space<hbm>>
        %dma_start3A_59 = arith.constant 0 : i32
        %dma_start3A_60 = tpu.memref_slice %arg7[%add3A_57, %dma_start3A_59] : memref<10240x128xf32, #tpu.memory_space<hbm>> -> memref<128x128xf32, #tpu.memory_space<hbm>>
        tpu.enqueue_dma source(%arg12 : memref<128x128xf32, #tpu.memory_space<vmem>>) target(%dma_start3A_60 : memref<128x128xf32, #tpu.memory_space<hbm>>) target_semaphore(%run_scoped3A : memref<!tpu.dma_semaphore, #tpu.memory_space<semaphore_mem>>)
        %dma_wait3A = arith.constant 0 : i32
        %dma_wait3A_61 = tpu.memref_slice %arg7[%add3A_57, %dma_wait3A] : memref<10240x128xf32, #tpu.memory_space<hbm>> -> memref<128x128xf32, #tpu.memory_space<hbm>>
        %dma_wait3A_62 = arith.constant 0 : i32
        %dma_wait3A_63 = tpu.memref_slice %arg7[%add3A_57, %dma_wait3A_62] : memref<10240x128xf32, #tpu.memory_space<hbm>> -> memref<128x128xf32, #tpu.memory_space<hbm>>
        tpu.wait_dma2 semaphore(%run_scoped3A : memref<!tpu.dma_semaphore, #tpu.memory_space<semaphore_mem>>) src(%arg12 : memref<128x128xf32, #tpu.memory_space<vmem>>) dst(%dma_wait3A_63 : memref<128x128xf32, #tpu.memory_space<hbm>>)
        tpu.yield
      }) : () -> ()
    } else {
    }
    %eq3A_26 = arith.constant 1 : i32
    %eq3A_27 = arith.cmpi eq, %arg0, %eq3A_26 : i32
    %convert_element_type3A_28 = arith.extui %eq3A_27 : i1 to i32
    %cond3A_29 = arith.constant 0 : i32
    %cond3A_30 = arith.cmpi ne, %convert_element_type3A_28, %cond3A_29 : i32
    scf.if %cond3A_30 {
      %scan3A_31 = arith.constant 0 : i32
      %scan3A_32 = arith.constant 0 : i32
      %scan3A_33 = arith.constant 21 : i32
      %scan3A_34 = arith.addi %scan3A_32, %scan3A_33 : i32
      %scan3A_35 = arith.constant 1 : i32
      scf.for %scan3A_58 = %scan3A_32 to %scan3A_34 step %scan3A_35  : i32 {
        %mul3A_59 = arith.constant 168 : i32
        %mul3A_60 = arith.muli %arg1, %mul3A_59 : i32
        %mul3A_61 = arith.constant 8 : i32
        %mul3A_62 = arith.muli %scan3A_58, %mul3A_61 : i32
        %add3A_63 = arith.addi %mul3A_60, %mul3A_62 : i32
        "tpu.region"() ({
          %run_scoped3A = tpu.sem_alloc : memref<!tpu.dma_semaphore, #tpu.memory_space<semaphore_mem>>
          %dma_start3A = arith.constant 0 : i32
          %dma_start3A_70 = tpu.memref_slice %arg2[%add3A_63, %dma_start3A] : memref<2688x128xi32, #tpu.memory_space<hbm>> -> memref<8x128xi32, #tpu.memory_space<hbm>>
          %dma_start3A_71 = arith.constant 0 : i32
          %dma_start3A_72 = tpu.memref_slice %arg2[%add3A_63, %dma_start3A_71] : memref<2688x128xi32, #tpu.memory_space<hbm>> -> memref<8x128xi32, #tpu.memory_space<hbm>>
          tpu.enqueue_dma source(%dma_start3A_72 : memref<8x128xi32, #tpu.memory_space<hbm>>) target(%arg9 : memref<8x128xi32, #tpu.memory_space<vmem>>) target_semaphore(%run_scoped3A : memref<!tpu.dma_semaphore, #tpu.memory_space<semaphore_mem>>)
          %dma_wait3A = arith.constant 0 : i32
          %dma_wait3A_73 = tpu.memref_slice %arg2[%add3A_63, %dma_wait3A] : memref<2688x128xi32, #tpu.memory_space<hbm>> -> memref<8x128xi32, #tpu.memory_space<hbm>>
          %dma_wait3A_74 = arith.constant 0 : i32
          %dma_wait3A_75 = tpu.memref_slice %arg2[%add3A_63, %dma_wait3A_74] : memref<2688x128xi32, #tpu.memory_space<hbm>> -> memref<8x128xi32, #tpu.memory_space<hbm>>
          tpu.wait_dma2 semaphore(%run_scoped3A : memref<!tpu.dma_semaphore, #tpu.memory_space<semaphore_mem>>) src(%dma_wait3A_75 : memref<8x128xi32, #tpu.memory_space<hbm>>) dst(%arg9 : memref<8x128xi32, #tpu.memory_space<vmem>>)
          tpu.yield
        }) : () -> ()
        "tpu.region"() ({
          %run_scoped3A = tpu.sem_alloc : memref<!tpu.dma_semaphore, #tpu.memory_space<semaphore_mem>>
          %dma_start3A = arith.constant 0 : i32
          %dma_start3A_70 = tpu.memref_slice %arg3[%add3A_63, %dma_start3A] : memref<2688x128xi32, #tpu.memory_space<hbm>> -> memref<8x128xi32, #tpu.memory_space<hbm>>
          %dma_start3A_71 = arith.constant 0 : i32
          %dma_start3A_72 = tpu.memref_slice %arg3[%add3A_63, %dma_start3A_71] : memref<2688x128xi32, #tpu.memory_space<hbm>> -> memref<8x128xi32, #tpu.memory_space<hbm>>
          tpu.enqueue_dma source(%dma_start3A_72 : memref<8x128xi32, #tpu.memory_space<hbm>>) target(%arg10 : memref<8x128xi32, #tpu.memory_space<vmem>>) target_semaphore(%run_scoped3A : memref<!tpu.dma_semaphore, #tpu.memory_space<semaphore_mem>>)
          %dma_wait3A = arith.constant 0 : i32
          %dma_wait3A_73 = tpu.memref_slice %arg3[%add3A_63, %dma_wait3A] : memref<2688x128xi32, #tpu.memory_space<hbm>> -> memref<8x128xi32, #tpu.memory_space<hbm>>
          %dma_wait3A_74 = arith.constant 0 : i32
          %dma_wait3A_75 = tpu.memref_slice %arg3[%add3A_63, %dma_wait3A_74] : memref<2688x128xi32, #tpu.memory_space<hbm>> -> memref<8x128xi32, #tpu.memory_space<hbm>>
          tpu.wait_dma2 semaphore(%run_scoped3A : memref<!tpu.dma_semaphore, #tpu.memory_space<semaphore_mem>>) src(%dma_wait3A_75 : memref<8x128xi32, #tpu.memory_space<hbm>>) dst(%arg10 : memref<8x128xi32, #tpu.memory_space<vmem>>)
          tpu.yield
        }) : () -> ()
        "tpu.region"() ({
          %run_scoped3A = tpu.sem_alloc : memref<!tpu.dma_semaphore, #tpu.memory_space<semaphore_mem>>
          %dma_start3A = arith.constant 0 : i32
          %dma_start3A_70 = tpu.memref_slice %arg4[%add3A_63, %dma_start3A] : memref<2688x128xf32, #tpu.memory_space<hbm>> -> memref<8x128xf32, #tpu.memory_space<hbm>>
          %dma_start3A_71 = arith.constant 0 : i32
          %dma_start3A_72 = tpu.memref_slice %arg4[%add3A_63, %dma_start3A_71] : memref<2688x128xf32, #tpu.memory_space<hbm>> -> memref<8x128xf32, #tpu.memory_space<hbm>>
          tpu.enqueue_dma source(%dma_start3A_72 : memref<8x128xf32, #tpu.memory_space<hbm>>) target(%arg11 : memref<8x128xf32, #tpu.memory_space<vmem>>) target_semaphore(%run_scoped3A : memref<!tpu.dma_semaphore, #tpu.memory_space<semaphore_mem>>)
          %dma_wait3A = arith.constant 0 : i32
          %dma_wait3A_73 = tpu.memref_slice %arg4[%add3A_63, %dma_wait3A] : memref<2688x128xf32, #tpu.memory_space<hbm>> -> memref<8x128xf32, #tpu.memory_space<hbm>>
          %dma_wait3A_74 = arith.constant 0 : i32
          %dma_wait3A_75 = tpu.memref_slice %arg4[%add3A_63, %dma_wait3A_74] : memref<2688x128xf32, #tpu.memory_space<hbm>> -> memref<8x128xf32, #tpu.memory_space<hbm>>
          tpu.wait_dma2 semaphore(%run_scoped3A : memref<!tpu.dma_semaphore, #tpu.memory_space<semaphore_mem>>) src(%dma_wait3A_75 : memref<8x128xf32, #tpu.memory_space<hbm>>) dst(%arg11 : memref<8x128xf32, #tpu.memory_space<vmem>>)
          tpu.yield
        }) : () -> ()
        %scan3A_64 = arith.constant 0 : i32
        %scan3A_65 = arith.constant 0 : i32
        %scan3A_66 = arith.constant 8 : i32
        %scan3A_67 = arith.addi %scan3A_65, %scan3A_66 : i32
        %scan3A_68 = arith.constant 1 : i32
        scf.for %scan3A_70 = %scan3A_65 to %scan3A_67 step %scan3A_68  : i32 {
          %dma_start3A = arith.constant 0 : i32
          %dma_start3A_71 = tpu.memref_slice %arg9[%scan3A_70, %dma_start3A] : memref<8x128xi32, #tpu.memory_space<vmem>> -> memref<1x128xi32, #tpu.memory_space<vmem>>
          %dma_start3A_72 = tpu.memref_squeeze %dma_start3A_71 : memref<1x128xi32, #tpu.memory_space<vmem>> -> memref<128xi32, #tpu.memory_space<vmem>>
          %dma_start3A_73 = arith.constant 0 : i32
          %dma_start3A_74 = arith.constant 0 : i32
          %dma_start3A_75 = tpu.memref_slice %arg6[%dma_start3A_73, %dma_start3A_74] : memref<10240x128xf32, #tpu.memory_space<hbm>> -> memref<10240x128xf32, #tpu.memory_space<hbm>>
          tpu.enqueue_indirect_dma source(%dma_start3A_75 : memref<10240x128xf32, #tpu.memory_space<hbm>>) target(%arg12 : memref<128x128xf32, #tpu.memory_space<vmem>>) offsets(%dma_start3A_72 : memref<128xi32, #tpu.memory_space<vmem>>) semaphore(%arg15 : memref<!tpu.dma_semaphore, #tpu.memory_space<semaphore_mem>>)
          %dma_wait3A = arith.constant 0 : i32
          %dma_wait3A_76 = tpu.memref_slice %arg9[%scan3A_70, %dma_wait3A] : memref<8x128xi32, #tpu.memory_space<vmem>> -> memref<1x128xi32, #tpu.memory_space<vmem>>
          %dma_wait3A_77 = tpu.memref_squeeze %dma_wait3A_76 : memref<1x128xi32, #tpu.memory_space<vmem>> -> memref<128xi32, #tpu.memory_space<vmem>>
          %dma_wait3A_78 = arith.constant 0 : i32
          %dma_wait3A_79 = arith.constant 0 : i32
          %dma_wait3A_80 = tpu.memref_slice %arg6[%dma_wait3A_78, %dma_wait3A_79] : memref<10240x128xf32, #tpu.memory_space<hbm>> -> memref<10240x128xf32, #tpu.memory_space<hbm>>
          tpu.wait_indirect_dma semaphore(%arg15 : memref<!tpu.dma_semaphore, #tpu.memory_space<semaphore_mem>>) src(%dma_wait3A_80 : memref<10240x128xf32, #tpu.memory_space<hbm>>) dst(%arg12 : memref<128x128xf32, #tpu.memory_space<vmem>>)
          %scan3A_81 = arith.constant 0 : i32
          %scan3A_82 = arith.constant 0 : i32
          %scan3A_83 = arith.constant 128 : i32
          %scan3A_84 = arith.addi %scan3A_82, %scan3A_83 : i32
          %scan3A_85 = arith.constant 1 : i32
          scf.for %scan3A_87 = %scan3A_82 to %scan3A_84 step %scan3A_85  : i32 {
            %broadcast_in_dim3A_88 = vector.broadcast %scan3A_70 : i32 to vector<16xi32>
            %broadcast_in_dim3A_89 = vector.broadcast %scan3A_87 : i32 to vector<16xi32>
            %gather3A = tpu.vector_load_idx %arg11[%broadcast_in_dim3A_88, %broadcast_in_dim3A_89] : memref<8x128xf32, #tpu.memory_space<vmem>>[vector<16xi32>, vector<16xi32>], vector<16xf32>,
            %get3A = arith.index_cast %scan3A_87 : i32 to index
            %get3A_90 = arith.constant 0 : index
            %get3A_91 = tpu.vector_load %arg12[%get3A, %get3A_90] {strides = array<i32>} : memref<128x128xf32, #tpu.memory_space<vmem>>, vector<16xf32>,
            %mul3A_92 = arith.mulf %get3A_91, %gather3A : vector<16xf32>
            %swap3A = arith.index_cast %scan3A_87 : i32 to index
            %swap3A_93 = arith.constant 0 : index
            %swap3A_94 = tpu.vector_load %arg13[%swap3A, %swap3A_93] {strides = array<i32>} : memref<128x128xf32, #tpu.memory_space<vmem>>, vector<16xf32>,
            tpu.vector_store %arg13[%swap3A, %swap3A_93], %mul3A_92 {strides = array<i32>} : memref<128x128xf32, #tpu.memory_space<vmem>>, vector<16xf32>,
            %get3A_95 = arith.index_cast %scan3A_87 : i32 to index
            %get3A_96 = arith.constant 16 : index
            %get3A_97 = tpu.vector_load %arg12[%get3A_95, %get3A_96] {strides = array<i32>} : memref<128x128xf32, #tpu.memory_space<vmem>>, vector<16xf32>,
            %mul3A_98 = arith.mulf %get3A_97, %gather3A : vector<16xf32>
            %swap3A_99 = arith.index_cast %scan3A_87 : i32 to index
            %swap3A_100 = arith.constant 16 : index
            %swap3A_101 = tpu.vector_load %arg13[%swap3A_99, %swap3A_100] {strides = array<i32>} : memref<128x128xf32, #tpu.memory_space<vmem>>, vector<16xf32>,
            tpu.vector_store %arg13[%swap3A_99, %swap3A_100], %mul3A_98 {strides = array<i32>} : memref<128x128xf32, #tpu.memory_space<vmem>>, vector<16xf32>,
            %get3A_102 = arith.index_cast %scan3A_87 : i32 to index
            %get3A_103 = arith.constant 32 : index
            %get3A_104 = tpu.vector_load %arg12[%get3A_102, %get3A_103] {strides = array<i32>} : memref<128x128xf32, #tpu.memory_space<vmem>>, vector<16xf32>,
            %mul3A_105 = arith.mulf %get3A_104, %gather3A : vector<16xf32>
            %swap3A_106 = arith.index_cast %scan3A_87 : i32 to index
            %swap3A_107 = arith.constant 32 : index
            %swap3A_108 = tpu.vector_load %arg13[%swap3A_106, %swap3A_107] {strides = array<i32>} : memref<128x128xf32, #tpu.memory_space<vmem>>, vector<16xf32>,
            tpu.vector_store %arg13[%swap3A_106, %swap3A_107], %mul3A_105 {strides = array<i32>} : memref<128x128xf32, #tpu.memory_space<vmem>>, vector<16xf32>,
            %get3A_109 = arith.index_cast %scan3A_87 : i32 to index
            %get3A_110 = arith.constant 48 : index
            %get3A_111 = tpu.vector_load %arg12[%get3A_109, %get3A_110] {strides = array<i32>} : memref<128x128xf32, #tpu.memory_space<vmem>>, vector<16xf32>,
            %mul3A_112 = arith.mulf %get3A_111, %gather3A : vector<16xf32>
            %swap3A_113 = arith.index_cast %scan3A_87 : i32 to index
            %swap3A_114 = arith.constant 48 : index
            %swap3A_115 = tpu.vector_load %arg13[%swap3A_113, %swap3A_114] {strides = array<i32>} : memref<128x128xf32, #tpu.memory_space<vmem>>, vector<16xf32>,
            tpu.vector_store %arg13[%swap3A_113, %swap3A_114], %mul3A_112 {strides = array<i32>} : memref<128x128xf32, #tpu.memory_space<vmem>>, vector<16xf32>,
            %get3A_116 = arith.index_cast %scan3A_87 : i32 to index
            %get3A_117 = arith.constant 64 : index
            %get3A_118 = tpu.vector_load %arg12[%get3A_116, %get3A_117] {strides = array<i32>} : memref<128x128xf32, #tpu.memory_space<vmem>>, vector<16xf32>,
            %mul3A_119 = arith.mulf %get3A_118, %gather3A : vector<16xf32>
            %swap3A_120 = arith.index_cast %scan3A_87 : i32 to index
            %swap3A_121 = arith.constant 64 : index
            %swap3A_122 = tpu.vector_load %arg13[%swap3A_120, %swap3A_121] {strides = array<i32>} : memref<128x128xf32, #tpu.memory_space<vmem>>, vector<16xf32>,
            tpu.vector_store %arg13[%swap3A_120, %swap3A_121], %mul3A_119 {strides = array<i32>} : memref<128x128xf32, #tpu.memory_space<vmem>>, vector<16xf32>,
            %get3A_123 = arith.index_cast %scan3A_87 : i32 to index
            %get3A_124 = arith.constant 80 : index
            %get3A_125 = tpu.vector_load %arg12[%get3A_123, %get3A_124] {strides = array<i32>} : memref<128x128xf32, #tpu.memory_space<vmem>>, vector<16xf32>,
            %mul3A_126 = arith.mulf %get3A_125, %gather3A : vector<16xf32>
            %swap3A_127 = arith.index_cast %scan3A_87 : i32 to index
            %swap3A_128 = arith.constant 80 : index
            %swap3A_129 = tpu.vector_load %arg13[%swap3A_127, %swap3A_128] {strides = array<i32>} : memref<128x128xf32, #tpu.memory_space<vmem>>, vector<16xf32>,
            tpu.vector_store %arg13[%swap3A_127, %swap3A_128], %mul3A_126 {strides = array<i32>} : memref<128x128xf32, #tpu.memory_space<vmem>>, vector<16xf32>,
            %get3A_130 = arith.index_cast %scan3A_87 : i32 to index
            %get3A_131 = arith.constant 96 : index
            %get3A_132 = tpu.vector_load %arg12[%get3A_130, %get3A_131] {strides = array<i32>} : memref<128x128xf32, #tpu.memory_space<vmem>>, vector<16xf32>,
            %mul3A_133 = arith.mulf %get3A_132, %gather3A : vector<16xf32>
            %swap3A_134 = arith.index_cast %scan3A_87 : i32 to index
            %swap3A_135 = arith.constant 96 : index
            %swap3A_136 = tpu.vector_load %arg13[%swap3A_134, %swap3A_135] {strides = array<i32>} : memref<128x128xf32, #tpu.memory_space<vmem>>, vector<16xf32>,
            tpu.vector_store %arg13[%swap3A_134, %swap3A_135], %mul3A_133 {strides = array<i32>} : memref<128x128xf32, #tpu.memory_space<vmem>>, vector<16xf32>,
            %get3A_137 = arith.index_cast %scan3A_87 : i32 to index
            %get3A_138 = arith.constant 112 : index
            %get3A_139 = tpu.vector_load %arg12[%get3A_137, %get3A_138] {strides = array<i32>} : memref<128x128xf32, #tpu.memory_space<vmem>>, vector<16xf32>,
            %mul3A_140 = arith.mulf %get3A_139, %gather3A : vector<16xf32>
            %swap3A_141 = arith.index_cast %scan3A_87 : i32 to index
            %swap3A_142 = arith.constant 112 : index
            %swap3A_143 = tpu.vector_load %arg13[%swap3A_141, %swap3A_142] {strides = array<i32>} : memref<128x128xf32, #tpu.memory_space<vmem>>, vector<16xf32>,
            tpu.vector_store %arg13[%swap3A_141, %swap3A_142], %mul3A_140 {strides = array<i32>} : memref<128x128xf32, #tpu.memory_space<vmem>>, vector<16xf32>,
          }
          %scan3A_86 = arith.constant 128 : i32
          "tpu.region"() ({
            %run_scoped3A = tpu.sem_alloc : memref<!tpu.dma_semaphore, #tpu.memory_space<semaphore_mem>>
            %dma_start3A_87 = arith.constant 0 : i32
            %dma_start3A_88 = tpu.memref_slice %arg10[%scan3A_70, %dma_start3A_87] : memref<8x128xi32, #tpu.memory_space<vmem>> -> memref<1x128xi32, #tpu.memory_space<vmem>>
            %dma_start3A_89 = tpu.memref_squeeze %dma_start3A_88 : memref<1x128xi32, #tpu.memory_space<vmem>> -> memref<128xi32, #tpu.memory_space<vmem>>
            %dma_start3A_90 = arith.constant 0 : i32
            %dma_start3A_91 = arith.constant 0 : i32
            %dma_start3A_92 = tpu.memref_slice %arg14[%dma_start3A_90, %dma_start3A_91] : memref<10240x128xf32, #tpu.memory_space<vmem_shared>> -> memref<10240x128xf32, #tpu.memory_space<vmem_shared>>
            tpu.enqueue_indirect_dma source(%arg13 : memref<128x128xf32, #tpu.memory_space<vmem>>) target(%dma_start3A_92 : memref<10240x128xf32, #tpu.memory_space<vmem_shared>>) offsets(%dma_start3A_89 : memref<128xi32, #tpu.memory_space<vmem>>) semaphore(%run_scoped3A : memref<!tpu.dma_semaphore, #tpu.memory_space<semaphore_mem>>) {add = true}
            %dma_wait3A_93 = arith.constant 0 : i32
            %dma_wait3A_94 = tpu.memref_slice %arg10[%scan3A_70, %dma_wait3A_93] : memref<8x128xi32, #tpu.memory_space<vmem>> -> memref<1x128xi32, #tpu.memory_space<vmem>>
            %dma_wait3A_95 = tpu.memref_squeeze %dma_wait3A_94 : memref<1x128xi32, #tpu.memory_space<vmem>> -> memref<128xi32, #tpu.memory_space<vmem>>
            %dma_wait3A_96 = arith.constant 0 : i32
            %dma_wait3A_97 = arith.constant 0 : i32
            %dma_wait3A_98 = tpu.memref_slice %arg14[%dma_wait3A_96, %dma_wait3A_97] : memref<10240x128xf32, #tpu.memory_space<vmem_shared>> -> memref<10240x128xf32, #tpu.memory_space<vmem_shared>>
            tpu.wait_indirect_dma semaphore(%run_scoped3A : memref<!tpu.dma_semaphore, #tpu.memory_space<semaphore_mem>>) src(%arg13 : memref<128x128xf32, #tpu.memory_space<vmem>>) dst(%dma_wait3A_98 : memref<10240x128xf32, #tpu.memory_space<vmem_shared>>)
            tpu.yield
          }) : () -> ()
        }
        %scan3A_69 = arith.constant 8 : i32
      }
      %scan3A_36 = arith.constant 21 : i32
      %barrier3A_37 = arith.constant 0 : index
      tpu.barrier barrier_id(%barrier3A_37)
      %mul3A_38 = arith.constant 640 : i32
      %mul3A_39 = arith.muli %arg1, %mul3A_38 : i32
      %add3A_40 = arith.constant 0 : i32
      %add3A_41 = arith.addi %mul3A_39, %add3A_40 : i32
      "tpu.region"() ({
        %run_scoped3A = tpu.sem_alloc : memref<!tpu.dma_semaphore, #tpu.memory_space<semaphore_mem>>
        %dma_start3A = arith.constant 0 : i32
        %dma_start3A_58 = tpu.memref_slice %arg14[%add3A_41, %dma_start3A] : memref<10240x128xf32, #tpu.memory_space<vmem_shared>> -> memref<128x128xf32, #tpu.memory_space<vmem_shared>>
        %dma_start3A_59 = arith.constant 0 : i32
        %dma_start3A_60 = tpu.memref_slice %arg14[%add3A_41, %dma_start3A_59] : memref<10240x128xf32, #tpu.memory_space<vmem_shared>> -> memref<128x128xf32, #tpu.memory_space<vmem_shared>>
        tpu.enqueue_dma source(%dma_start3A_60 : memref<128x128xf32, #tpu.memory_space<vmem_shared>>) target(%arg12 : memref<128x128xf32, #tpu.memory_space<vmem>>) target_semaphore(%run_scoped3A : memref<!tpu.dma_semaphore, #tpu.memory_space<semaphore_mem>>)
        %dma_wait3A = arith.constant 0 : i32
        %dma_wait3A_61 = tpu.memref_slice %arg14[%add3A_41, %dma_wait3A] : memref<10240x128xf32, #tpu.memory_space<vmem_shared>> -> memref<128x128xf32, #tpu.memory_space<vmem_shared>>
        %dma_wait3A_62 = arith.constant 0 : i32
        %dma_wait3A_63 = tpu.memref_slice %arg14[%add3A_41, %dma_wait3A_62] : memref<10240x128xf32, #tpu.memory_space<vmem_shared>> -> memref<128x128xf32, #tpu.memory_space<vmem_shared>>
        tpu.wait_dma2 semaphore(%run_scoped3A : memref<!tpu.dma_semaphore, #tpu.memory_space<semaphore_mem>>) src(%dma_wait3A_63 : memref<128x128xf32, #tpu.memory_space<vmem_shared>>) dst(%arg12 : memref<128x128xf32, #tpu.memory_space<vmem>>)
        tpu.yield
      }) : () -> ()
      "tpu.region"() ({
        %run_scoped3A = tpu.sem_alloc : memref<!tpu.dma_semaphore, #tpu.memory_space<semaphore_mem>>
        %dma_start3A = arith.constant 0 : i32
        %dma_start3A_58 = tpu.memref_slice %arg8[%add3A_41, %dma_start3A] : memref<10240x128xf32, #tpu.memory_space<hbm>> -> memref<128x128xf32, #tpu.memory_space<hbm>>
        %dma_start3A_59 = arith.constant 0 : i32
        %dma_start3A_60 = tpu.memref_slice %arg8[%add3A_41, %dma_start3A_59] : memref<10240x128xf32, #tpu.memory_space<hbm>> -> memref<128x128xf32, #tpu.memory_space<hbm>>
        tpu.enqueue_dma source(%arg12 : memref<128x128xf32, #tpu.memory_space<vmem>>) target(%dma_start3A_60 : memref<128x128xf32, #tpu.memory_space<hbm>>) target_semaphore(%run_scoped3A : memref<!tpu.dma_semaphore, #tpu.memory_space<semaphore_mem>>)
        %dma_wait3A = arith.constant 0 : i32
        %dma_wait3A_61 = tpu.memref_slice %arg8[%add3A_41, %dma_wait3A] : memref<10240x128xf32, #tpu.memory_space<hbm>> -> memref<128x128xf32, #tpu.memory_space<hbm>>
        %dma_wait3A_62 = arith.constant 0 : i32
        %dma_wait3A_63 = tpu.memref_slice %arg8[%add3A_41, %dma_wait3A_62] : memref<10240x128xf32, #tpu.memory_space<hbm>> -> memref<128x128xf32, #tpu.memory_space<hbm>>
        tpu.wait_dma2 semaphore(%run_scoped3A : memref<!tpu.dma_semaphore, #tpu.memory_space<semaphore_mem>>) src(%arg12 : memref<128x128xf32, #tpu.memory_space<vmem>>) dst(%dma_wait3A_63 : memref<128x128xf32, #tpu.memory_space<hbm>>)
        tpu.yield
      }) : () -> ()
      %mul3A_42 = arith.constant 640 : i32
      %mul3A_43 = arith.muli %arg1, %mul3A_42 : i32
      %add3A_44 = arith.constant 128 : i32
      %add3A_45 = arith.addi %mul3A_43, %add3A_44 : i32
      "tpu.region"() ({
        %run_scoped3A = tpu.sem_alloc : memref<!tpu.dma_semaphore, #tpu.memory_space<semaphore_mem>>
        %dma_start3A = arith.constant 0 : i32
        %dma_start3A_58 = tpu.memref_slice %arg14[%add3A_45, %dma_start3A] : memref<10240x128xf32, #tpu.memory_space<vmem_shared>> -> memref<128x128xf32, #tpu.memory_space<vmem_shared>>
        %dma_start3A_59 = arith.constant 0 : i32
        %dma_start3A_60 = tpu.memref_slice %arg14[%add3A_45, %dma_start3A_59] : memref<10240x128xf32, #tpu.memory_space<vmem_shared>> -> memref<128x128xf32, #tpu.memory_space<vmem_shared>>
        tpu.enqueue_dma source(%dma_start3A_60 : memref<128x128xf32, #tpu.memory_space<vmem_shared>>) target(%arg12 : memref<128x128xf32, #tpu.memory_space<vmem>>) target_semaphore(%run_scoped3A : memref<!tpu.dma_semaphore, #tpu.memory_space<semaphore_mem>>)
        %dma_wait3A = arith.constant 0 : i32
        %dma_wait3A_61 = tpu.memref_slice %arg14[%add3A_45, %dma_wait3A] : memref<10240x128xf32, #tpu.memory_space<vmem_shared>> -> memref<128x128xf32, #tpu.memory_space<vmem_shared>>
        %dma_wait3A_62 = arith.constant 0 : i32
        %dma_wait3A_63 = tpu.memref_slice %arg14[%add3A_45, %dma_wait3A_62] : memref<10240x128xf32, #tpu.memory_space<vmem_shared>> -> memref<128x128xf32, #tpu.memory_space<vmem_shared>>
        tpu.wait_dma2 semaphore(%run_scoped3A : memref<!tpu.dma_semaphore, #tpu.memory_space<semaphore_mem>>) src(%dma_wait3A_63 : memref<128x128xf32, #tpu.memory_space<vmem_shared>>) dst(%arg12 : memref<128x128xf32, #tpu.memory_space<vmem>>)
        tpu.yield
      }) : () -> ()
      "tpu.region"() ({
        %run_scoped3A = tpu.sem_alloc : memref<!tpu.dma_semaphore, #tpu.memory_space<semaphore_mem>>
        %dma_start3A = arith.constant 0 : i32
        %dma_start3A_58 = tpu.memref_slice %arg8[%add3A_45, %dma_start3A] : memref<10240x128xf32, #tpu.memory_space<hbm>> -> memref<128x128xf32, #tpu.memory_space<hbm>>
        %dma_start3A_59 = arith.constant 0 : i32
        %dma_start3A_60 = tpu.memref_slice %arg8[%add3A_45, %dma_start3A_59] : memref<10240x128xf32, #tpu.memory_space<hbm>> -> memref<128x128xf32, #tpu.memory_space<hbm>>
        tpu.enqueue_dma source(%arg12 : memref<128x128xf32, #tpu.memory_space<vmem>>) target(%dma_start3A_60 : memref<128x128xf32, #tpu.memory_space<hbm>>) target_semaphore(%run_scoped3A : memref<!tpu.dma_semaphore, #tpu.memory_space<semaphore_mem>>)
        %dma_wait3A = arith.constant 0 : i32
        %dma_wait3A_61 = tpu.memref_slice %arg8[%add3A_45, %dma_wait3A] : memref<10240x128xf32, #tpu.memory_space<hbm>> -> memref<128x128xf32, #tpu.memory_space<hbm>>
        %dma_wait3A_62 = arith.constant 0 : i32
        %dma_wait3A_63 = tpu.memref_slice %arg8[%add3A_45, %dma_wait3A_62] : memref<10240x128xf32, #tpu.memory_space<hbm>> -> memref<128x128xf32, #tpu.memory_space<hbm>>
        tpu.wait_dma2 semaphore(%run_scoped3A : memref<!tpu.dma_semaphore, #tpu.memory_space<semaphore_mem>>) src(%arg12 : memref<128x128xf32, #tpu.memory_space<vmem>>) dst(%dma_wait3A_63 : memref<128x128xf32, #tpu.memory_space<hbm>>)
        tpu.yield
      }) : () -> ()
      %mul3A_46 = arith.constant 640 : i32
      %mul3A_47 = arith.muli %arg1, %mul3A_46 : i32
      %add3A_48 = arith.constant 256 : i32
      %add3A_49 = arith.addi %mul3A_47, %add3A_48 : i32
      "tpu.region"() ({
        %run_scoped3A = tpu.sem_alloc : memref<!tpu.dma_semaphore, #tpu.memory_space<semaphore_mem>>
        %dma_start3A = arith.constant 0 : i32
        %dma_start3A_58 = tpu.memref_slice %arg14[%add3A_49, %dma_start3A] : memref<10240x128xf32, #tpu.memory_space<vmem_shared>> -> memref<128x128xf32, #tpu.memory_space<vmem_shared>>
        %dma_start3A_59 = arith.constant 0 : i32
        %dma_start3A_60 = tpu.memref_slice %arg14[%add3A_49, %dma_start3A_59] : memref<10240x128xf32, #tpu.memory_space<vmem_shared>> -> memref<128x128xf32, #tpu.memory_space<vmem_shared>>
        tpu.enqueue_dma source(%dma_start3A_60 : memref<128x128xf32, #tpu.memory_space<vmem_shared>>) target(%arg12 : memref<128x128xf32, #tpu.memory_space<vmem>>) target_semaphore(%run_scoped3A : memref<!tpu.dma_semaphore, #tpu.memory_space<semaphore_mem>>)
        %dma_wait3A = arith.constant 0 : i32
        %dma_wait3A_61 = tpu.memref_slice %arg14[%add3A_49, %dma_wait3A] : memref<10240x128xf32, #tpu.memory_space<vmem_shared>> -> memref<128x128xf32, #tpu.memory_space<vmem_shared>>
        %dma_wait3A_62 = arith.constant 0 : i32
        %dma_wait3A_63 = tpu.memref_slice %arg14[%add3A_49, %dma_wait3A_62] : memref<10240x128xf32, #tpu.memory_space<vmem_shared>> -> memref<128x128xf32, #tpu.memory_space<vmem_shared>>
        tpu.wait_dma2 semaphore(%run_scoped3A : memref<!tpu.dma_semaphore, #tpu.memory_space<semaphore_mem>>) src(%dma_wait3A_63 : memref<128x128xf32, #tpu.memory_space<vmem_shared>>) dst(%arg12 : memref<128x128xf32, #tpu.memory_space<vmem>>)
        tpu.yield
      }) : () -> ()
      "tpu.region"() ({
        %run_scoped3A = tpu.sem_alloc : memref<!tpu.dma_semaphore, #tpu.memory_space<semaphore_mem>>
        %dma_start3A = arith.constant 0 : i32
        %dma_start3A_58 = tpu.memref_slice %arg8[%add3A_49, %dma_start3A] : memref<10240x128xf32, #tpu.memory_space<hbm>> -> memref<128x128xf32, #tpu.memory_space<hbm>>
        %dma_start3A_59 = arith.constant 0 : i32
        %dma_start3A_60 = tpu.memref_slice %arg8[%add3A_49, %dma_start3A_59] : memref<10240x128xf32, #tpu.memory_space<hbm>> -> memref<128x128xf32, #tpu.memory_space<hbm>>
        tpu.enqueue_dma source(%arg12 : memref<128x128xf32, #tpu.memory_space<vmem>>) target(%dma_start3A_60 : memref<128x128xf32, #tpu.memory_space<hbm>>) target_semaphore(%run_scoped3A : memref<!tpu.dma_semaphore, #tpu.memory_space<semaphore_mem>>)
        %dma_wait3A = arith.constant 0 : i32
        %dma_wait3A_61 = tpu.memref_slice %arg8[%add3A_49, %dma_wait3A] : memref<10240x128xf32, #tpu.memory_space<hbm>> -> memref<128x128xf32, #tpu.memory_space<hbm>>
        %dma_wait3A_62 = arith.constant 0 : i32
        %dma_wait3A_63 = tpu.memref_slice %arg8[%add3A_49, %dma_wait3A_62] : memref<10240x128xf32, #tpu.memory_space<hbm>> -> memref<128x128xf32, #tpu.memory_space<hbm>>
        tpu.wait_dma2 semaphore(%run_scoped3A : memref<!tpu.dma_semaphore, #tpu.memory_space<semaphore_mem>>) src(%arg12 : memref<128x128xf32, #tpu.memory_space<vmem>>) dst(%dma_wait3A_63 : memref<128x128xf32, #tpu.memory_space<hbm>>)
        tpu.yield
      }) : () -> ()
      %mul3A_50 = arith.constant 640 : i32
      %mul3A_51 = arith.muli %arg1, %mul3A_50 : i32
      %add3A_52 = arith.constant 384 : i32
      %add3A_53 = arith.addi %mul3A_51, %add3A_52 : i32
      "tpu.region"() ({
        %run_scoped3A = tpu.sem_alloc : memref<!tpu.dma_semaphore, #tpu.memory_space<semaphore_mem>>
        %dma_start3A = arith.constant 0 : i32
        %dma_start3A_58 = tpu.memref_slice %arg14[%add3A_53, %dma_start3A] : memref<10240x128xf32, #tpu.memory_space<vmem_shared>> -> memref<128x128xf32, #tpu.memory_space<vmem_shared>>
        %dma_start3A_59 = arith.constant 0 : i32
        %dma_start3A_60 = tpu.memref_slice %arg14[%add3A_53, %dma_start3A_59] : memref<10240x128xf32, #tpu.memory_space<vmem_shared>> -> memref<128x128xf32, #tpu.memory_space<vmem_shared>>
        tpu.enqueue_dma source(%dma_start3A_60 : memref<128x128xf32, #tpu.memory_space<vmem_shared>>) target(%arg12 : memref<128x128xf32, #tpu.memory_space<vmem>>) target_semaphore(%run_scoped3A : memref<!tpu.dma_semaphore, #tpu.memory_space<semaphore_mem>>)
        %dma_wait3A = arith.constant 0 : i32
        %dma_wait3A_61 = tpu.memref_slice %arg14[%add3A_53, %dma_wait3A] : memref<10240x128xf32, #tpu.memory_space<vmem_shared>> -> memref<128x128xf32, #tpu.memory_space<vmem_shared>>
        %dma_wait3A_62 = arith.constant 0 : i32
        %dma_wait3A_63 = tpu.memref_slice %arg14[%add3A_53, %dma_wait3A_62] : memref<10240x128xf32, #tpu.memory_space<vmem_shared>> -> memref<128x128xf32, #tpu.memory_space<vmem_shared>>
        tpu.wait_dma2 semaphore(%run_scoped3A : memref<!tpu.dma_semaphore, #tpu.memory_space<semaphore_mem>>) src(%dma_wait3A_63 : memref<128x128xf32, #tpu.memory_space<vmem_shared>>) dst(%arg12 : memref<128x128xf32, #tpu.memory_space<vmem>>)
        tpu.yield
      }) : () -> ()
      "tpu.region"() ({
        %run_scoped3A = tpu.sem_alloc : memref<!tpu.dma_semaphore, #tpu.memory_space<semaphore_mem>>
        %dma_start3A = arith.constant 0 : i32
        %dma_start3A_58 = tpu.memref_slice %arg8[%add3A_53, %dma_start3A] : memref<10240x128xf32, #tpu.memory_space<hbm>> -> memref<128x128xf32, #tpu.memory_space<hbm>>
        %dma_start3A_59 = arith.constant 0 : i32
        %dma_start3A_60 = tpu.memref_slice %arg8[%add3A_53, %dma_start3A_59] : memref<10240x128xf32, #tpu.memory_space<hbm>> -> memref<128x128xf32, #tpu.memory_space<hbm>>
        tpu.enqueue_dma source(%arg12 : memref<128x128xf32, #tpu.memory_space<vmem>>) target(%dma_start3A_60 : memref<128x128xf32, #tpu.memory_space<hbm>>) target_semaphore(%run_scoped3A : memref<!tpu.dma_semaphore, #tpu.memory_space<semaphore_mem>>)
        %dma_wait3A = arith.constant 0 : i32
        %dma_wait3A_61 = tpu.memref_slice %arg8[%add3A_53, %dma_wait3A] : memref<10240x128xf32, #tpu.memory_space<hbm>> -> memref<128x128xf32, #tpu.memory_space<hbm>>
        %dma_wait3A_62 = arith.constant 0 : i32
        %dma_wait3A_63 = tpu.memref_slice %arg8[%add3A_53, %dma_wait3A_62] : memref<10240x128xf32, #tpu.memory_space<hbm>> -> memref<128x128xf32, #tpu.memory_space<hbm>>
        tpu.wait_dma2 semaphore(%run_scoped3A : memref<!tpu.dma_semaphore, #tpu.memory_space<semaphore_mem>>) src(%arg12 : memref<128x128xf32, #tpu.memory_space<vmem>>) dst(%dma_wait3A_63 : memref<128x128xf32, #tpu.memory_space<hbm>>)
        tpu.yield
      }) : () -> ()
      %mul3A_54 = arith.constant 640 : i32
      %mul3A_55 = arith.muli %arg1, %mul3A_54 : i32
      %add3A_56 = arith.constant 512 : i32
      %add3A_57 = arith.addi %mul3A_55, %add3A_56 : i32
      "tpu.region"() ({
        %run_scoped3A = tpu.sem_alloc : memref<!tpu.dma_semaphore, #tpu.memory_space<semaphore_mem>>
        %dma_start3A = arith.constant 0 : i32
        %dma_start3A_58 = tpu.memref_slice %arg14[%add3A_57, %dma_start3A] : memref<10240x128xf32, #tpu.memory_space<vmem_shared>> -> memref<128x128xf32, #tpu.memory_space<vmem_shared>>
        %dma_start3A_59 = arith.constant 0 : i32
        %dma_start3A_60 = tpu.memref_slice %arg14[%add3A_57, %dma_start3A_59] : memref<10240x128xf32, #tpu.memory_space<vmem_shared>> -> memref<128x128xf32, #tpu.memory_space<vmem_shared>>
        tpu.enqueue_dma source(%dma_start3A_60 : memref<128x128xf32, #tpu.memory_space<vmem_shared>>) target(%arg12 : memref<128x128xf32, #tpu.memory_space<vmem>>) target_semaphore(%run_scoped3A : memref<!tpu.dma_semaphore, #tpu.memory_space<semaphore_mem>>)
        %dma_wait3A = arith.constant 0 : i32
        %dma_wait3A_61 = tpu.memref_slice %arg14[%add3A_57, %dma_wait3A] : memref<10240x128xf32, #tpu.memory_space<vmem_shared>> -> memref<128x128xf32, #tpu.memory_space<vmem_shared>>
        %dma_wait3A_62 = arith.constant 0 : i32
        %dma_wait3A_63 = tpu.memref_slice %arg14[%add3A_57, %dma_wait3A_62] : memref<10240x128xf32, #tpu.memory_space<vmem_shared>> -> memref<128x128xf32, #tpu.memory_space<vmem_shared>>
        tpu.wait_dma2 semaphore(%run_scoped3A : memref<!tpu.dma_semaphore, #tpu.memory_space<semaphore_mem>>) src(%dma_wait3A_63 : memref<128x128xf32, #tpu.memory_space<vmem_shared>>) dst(%arg12 : memref<128x128xf32, #tpu.memory_space<vmem>>)
        tpu.yield
      }) : () -> ()
      "tpu.region"() ({
        %run_scoped3A = tpu.sem_alloc : memref<!tpu.dma_semaphore, #tpu.memory_space<semaphore_mem>>
        %dma_start3A = arith.constant 0 : i32
        %dma_start3A_58 = tpu.memref_slice %arg8[%add3A_57, %dma_start3A] : memref<10240x128xf32, #tpu.memory_space<hbm>> -> memref<128x128xf32, #tpu.memory_space<hbm>>
        %dma_start3A_59 = arith.constant 0 : i32
        %dma_start3A_60 = tpu.memref_slice %arg8[%add3A_57, %dma_start3A_59] : memref<10240x128xf32, #tpu.memory_space<hbm>> -> memref<128x128xf32, #tpu.memory_space<hbm>>
        tpu.enqueue_dma source(%arg12 : memref<128x128xf32, #tpu.memory_space<vmem>>) target(%dma_start3A_60 : memref<128x128xf32, #tpu.memory_space<hbm>>) target_semaphore(%run_scoped3A : memref<!tpu.dma_semaphore, #tpu.memory_space<semaphore_mem>>)
        %dma_wait3A = arith.constant 0 : i32
        %dma_wait3A_61 = tpu.memref_slice %arg8[%add3A_57, %dma_wait3A] : memref<10240x128xf32, #tpu.memory_space<hbm>> -> memref<128x128xf32, #tpu.memory_space<hbm>>
        %dma_wait3A_62 = arith.constant 0 : i32
        %dma_wait3A_63 = tpu.memref_slice %arg8[%add3A_57, %dma_wait3A_62] : memref<10240x128xf32, #tpu.memory_space<hbm>> -> memref<128x128xf32, #tpu.memory_space<hbm>>
        tpu.wait_dma2 semaphore(%run_scoped3A : memref<!tpu.dma_semaphore, #tpu.memory_space<semaphore_mem>>) src(%arg12 : memref<128x128xf32, #tpu.memory_space<vmem>>) dst(%dma_wait3A_63 : memref<128x128xf32, #tpu.memory_space<hbm>>)
        tpu.yield
      }) : () -> ()
    } else {
    }
    return
  }
}

module attributes {stable_mosaic.version = 14 : i64} {
  func.func @_mm1_body(%arg0: i32, %arg1: memref<256x128xf32, #tpu.memory_space<vmem>>, %arg2: memref<128x256xf32, #tpu.memory_space<vmem>>, %arg3: memref<32x256xf32, #tpu.memory_space<vmem>>, %arg4: memref<256x128xf32, #tpu.memory_space<vmem>>, %arg5: memref<256x128xf32, #tpu.memory_space<vmem>>, %arg6: memref<256xf32, #tpu.memory_space<vmem>>) attributes {dimension_semantics = [#tpu.dimension_semantics<arbitrary>], iteration_bounds = array<i64: 40>, scalar_prefetch = 0 : i64, scratch_operands = 0 : i64, tpu.core_type = #tpu.core_type<tc>, window_params = [{transform_indices = @transform_0, window_bounds = array<i64: 256, 128>}, {pipeline_mode = #tpu.pipeline_mode<synchronous>, transform_indices = @transform_1, window_bounds = array<i64: 128, 256>}, {transform_indices = @transform_2, window_bounds = array<i64: 32, 256>}, {transform_indices = @transform_3, window_bounds = array<i64: 256, 128>}, {transform_indices = @transform_4, window_bounds = array<i64: 256, 128>}, {transform_indices = @transform_5, window_bounds = array<i64: 256>}]} {
    %get3A = arith.constant 0 : index
    %get3A_0 = arith.constant 0 : index
    %get3A_1 = vector.load %arg3[%get3A, %get3A_0] : memref<32x256xf32, #tpu.memory_space<vmem>>, vector<32x256xf32>
    %reduce_sum3A = arith.constant dense<0.000000e+00> : vector<256xf32>
    %reduce_sum3A_2 = vector.multi_reduction <add>, %get3A_1, %reduce_sum3A [0] : vector<32x256xf32> to vector<256xf32>
    %gt3A = arith.constant 0.000000e+00 : f32
    %gt3A_3 = vector.broadcast %gt3A : f32 to vector<256xf32>
    %gt3A_4 = arith.cmpf ogt, %reduce_sum3A_2, %gt3A_3 : vector<256xf32>
    %gt3A_5 = arith.constant 0.000000e+00 : f32
    %gt3A_6 = vector.broadcast %gt3A_5 : f32 to vector<256xf32>
    %gt3A_7 = arith.cmpf ogt, %reduce_sum3A_2, %gt3A_6 : vector<256xf32>
    %jit3A = arith.constant 1.000000e+00 : f32
    %broadcast_in_dim3A = vector.broadcast %jit3A : f32 to vector<256xf32>
    %select_n3A = arith.select %gt3A_7, %reduce_sum3A_2, %broadcast_in_dim3A : vector<256xi1>, vector<256xf32>
    %rsqrt3A = math.rsqrt %select_n3A : vector<256xf32>
    %jit3A_8 = arith.constant 0.000000e+00 : f32
    %broadcast_in_dim3A_9 = vector.broadcast %jit3A_8 : f32 to vector<256xf32>
    %select_n3A_10 = arith.select %gt3A_4, %rsqrt3A, %broadcast_in_dim3A_9 : vector<256xi1>, vector<256xf32>
    %get3A_11 = arith.constant 0 : index
    %get3A_12 = arith.constant 0 : index
    %get3A_13 = vector.load %arg1[%get3A_11, %get3A_12] : memref<256x128xf32, #tpu.memory_space<vmem>>, vector<256x128xf32>
    %get3A_14 = arith.constant 0 : index
    %get3A_15 = arith.constant 0 : index
    %get3A_16 = vector.load %arg2[%get3A_14, %get3A_15] : memref<128x256xf32, #tpu.memory_space<vmem>>, vector<128x256xf32>
    %dot_general3A = arith.constant dense<0.000000e+00> : vector<256x256xf32>
    %dot_general3A_17 = tpu.matmul %get3A_13, %get3A_16, %dot_general3A {dimension_numbers = #tpu.dot_dimension_numbers<[1], [0], [0], [1], [0, 0, 1, 1], [], []>, transpose_lhs_hint = false} : vector<256x128xf32>, vector<128x256xf32>, vector<256x256xf32> -> vector<256x256xf32>
    %broadcast_in_dim3A_18 = vector.shape_cast %select_n3A_10 : vector<256xf32> to vector<256x1xf32>
    %mul3A = vector.broadcast %broadcast_in_dim3A_18 : vector<256x1xf32> to vector<256x256xf32>
    %mul3A_19 = arith.mulf %dot_general3A_17, %mul3A : vector<256x256xf32>
    %slice3A = vector.extract_strided_slice %mul3A_19 {offsets = [0, 0], sizes = [256, 128], strides = [1, 1]} : vector<256x256xf32> to vector<256x128xf32>
    %swap3A = arith.constant 0 : index
    %swap3A_20 = arith.constant 0 : index
    %swap3A_21 = vector.load %arg4[%swap3A, %swap3A_20] : memref<256x128xf32, #tpu.memory_space<vmem>>, vector<256x128xf32>
    tpu.vector_store %arg4[%swap3A, %swap3A_20], %slice3A {strides = array<i32>} : memref<256x128xf32, #tpu.memory_space<vmem>>, vector<256x128xf32>,
    %slice3A_22 = vector.extract_strided_slice %mul3A_19 {offsets = [0, 128], sizes = [256, 128], strides = [1, 1]} : vector<256x256xf32> to vector<256x128xf32>
    %swap3A_23 = arith.constant 0 : index
    %swap3A_24 = arith.constant 0 : index
    %swap3A_25 = vector.load %arg5[%swap3A_23, %swap3A_24] : memref<256x128xf32, #tpu.memory_space<vmem>>, vector<256x128xf32>
    tpu.vector_store %arg5[%swap3A_23, %swap3A_24], %slice3A_22 {strides = array<i32>} : memref<256x128xf32, #tpu.memory_space<vmem>>, vector<256x128xf32>,
    %swap3A_26 = arith.constant 0 : index
    %swap3A_27 = vector.load %arg6[%swap3A_26] : memref<256xf32, #tpu.memory_space<vmem>>, vector<256xf32>
    tpu.vector_store %arg6[%swap3A_26], %select_n3A_10 {strides = array<i32>} : memref<256xf32, #tpu.memory_space<vmem>>, vector<256xf32>,
    return
  }
  func.func @transform_0(%arg0: i32) -> (i32, i32) {
    %c0_i32 = arith.constant 0 : i32
    %c0_i32_0 = arith.constant 0 : i32
    return %arg0, %c0_i32 : i32, i32
  }
  func.func @transform_1(%arg0: i32) -> (i32, i32) {
    %c0_i32 = arith.constant 0 : i32
    %c0_i32_0 = arith.constant 0 : i32
    %c0_i32_1 = arith.constant 0 : i32
    return %c0_i32, %c0_i32_0 : i32, i32
  }
  func.func @transform_2(%arg0: i32) -> (i32, i32) {
    %c0_i32 = arith.constant 0 : i32
    %c0_i32_0 = arith.constant 0 : i32
    return %c0_i32, %arg0 : i32, i32
  }
  func.func @transform_3(%arg0: i32) -> (i32, i32) {
    %c0_i32 = arith.constant 0 : i32
    %c0_i32_0 = arith.constant 0 : i32
    return %arg0, %c0_i32 : i32, i32
  }
  func.func @transform_4(%arg0: i32) -> (i32, i32) {
    %c0_i32 = arith.constant 0 : i32
    %c0_i32_0 = arith.constant 0 : i32
    return %arg0, %c0_i32 : i32, i32
  }
  func.func @transform_5(%arg0: i32) -> i32 {
    %c0_i32 = arith.constant 0 : i32
    return %arg0 : i32
  }
}

module attributes {stable_mosaic.version = 14 : i64} {
  func.func @_mm2_body(%arg0: i32, %arg1: memref<256x128xf32, #tpu.memory_space<vmem>>, %arg2: memref<256x128xf32, #tpu.memory_space<vmem>>, %arg3: memref<256xf32, #tpu.memory_space<vmem>>, %arg4: memref<256xf32, #tpu.memory_space<vmem>>, %arg5: memref<256x256xf32, #tpu.memory_space<vmem>>, %arg6: memref<256x128xf32, #tpu.memory_space<vmem>>, %arg7: memref<256x128xf32, #tpu.memory_space<vmem>>) attributes {dimension_semantics = [#tpu.dimension_semantics<arbitrary>], iteration_bounds = array<i64: 40>, scalar_prefetch = 0 : i64, scratch_operands = 0 : i64, tpu.core_type = #tpu.core_type<tc>, window_params = [{transform_indices = @transform_0, window_bounds = array<i64: 256, 128>}, {transform_indices = @transform_1, window_bounds = array<i64: 256, 128>}, {transform_indices = @transform_2, window_bounds = array<i64: 256>}, {pipeline_mode = #tpu.pipeline_mode<synchronous>, transform_indices = @transform_3, window_bounds = array<i64: 256>}, {pipeline_mode = #tpu.pipeline_mode<synchronous>, transform_indices = @transform_4, window_bounds = array<i64: 256, 256>}, {transform_indices = @transform_5, window_bounds = array<i64: 256, 128>}, {transform_indices = @transform_6, window_bounds = array<i64: 256, 128>}]} {
    %get3A = arith.constant 0 : index
    %get3A_0 = vector.load %arg3[%get3A] : memref<256xf32, #tpu.memory_space<vmem>>, vector<256xf32>
    %get3A_1 = arith.constant 0 : index
    %get3A_2 = arith.constant 0 : index
    %get3A_3 = vector.load %arg1[%get3A_1, %get3A_2] : memref<256x128xf32, #tpu.memory_space<vmem>>, vector<256x128xf32>
    %get3A_4 = arith.constant 0 : index
    %get3A_5 = arith.constant 0 : index
    %get3A_6 = vector.load %arg2[%get3A_4, %get3A_5] : memref<256x128xf32, #tpu.memory_space<vmem>>, vector<256x128xf32>
    %concatenate3A = tpu.concatenate %get3A_3, %get3A_6 in 1 : vector<256x128xf32>, vector<256x128xf32> -> vector<256x256xf32>
    %broadcast_in_dim3A = vector.shape_cast %get3A_0 : vector<256xf32> to vector<256x1xf32>
    %mul3A = vector.broadcast %broadcast_in_dim3A : vector<256x1xf32> to vector<256x256xf32>
    %mul3A_7 = arith.mulf %concatenate3A, %mul3A : vector<256x256xf32>
    %get3A_8 = arith.constant 0 : index
    %get3A_9 = vector.load %arg4[%get3A_8] : memref<256xf32, #tpu.memory_space<vmem>>, vector<256xf32>
    %broadcast_in_dim3A_10 = vector.shape_cast %get3A_9 : vector<256xf32> to vector<1x256xf32>
    %add3A = vector.broadcast %broadcast_in_dim3A_10 : vector<1x256xf32> to vector<256x256xf32>
    %add3A_11 = arith.addf %mul3A_7, %add3A : vector<256x256xf32>
    %max3A = arith.constant 0.000000e+00 : f32
    %max3A_12 = vector.broadcast %max3A : f32 to vector<256x256xf32>
    %max3A_13 = arith.maximumf %add3A_11, %max3A_12 : vector<256x256xf32>
    %get3A_14 = arith.constant 0 : index
    %get3A_15 = arith.constant 0 : index
    %get3A_16 = vector.load %arg5[%get3A_14, %get3A_15] : memref<256x256xf32, #tpu.memory_space<vmem>>, vector<256x256xf32>
    %dot_general3A = arith.constant dense<0.000000e+00> : vector<256x256xf32>
    %dot_general3A_17 = tpu.matmul %max3A_13, %get3A_16, %dot_general3A {dimension_numbers = #tpu.dot_dimension_numbers<[1], [0], [0], [1], [0, 0, 1, 1], [], []>, transpose_lhs_hint = false} : vector<256x256xf32>, vector<256x256xf32>, vector<256x256xf32> -> vector<256x256xf32>
    %broadcast_in_dim3A_18 = vector.shape_cast %get3A_0 : vector<256xf32> to vector<256x1xf32>
    %mul3A_19 = vector.broadcast %broadcast_in_dim3A_18 : vector<256x1xf32> to vector<256x256xf32>
    %mul3A_20 = arith.mulf %dot_general3A_17, %mul3A_19 : vector<256x256xf32>
    %slice3A = vector.extract_strided_slice %mul3A_20 {offsets = [0, 0], sizes = [256, 128], strides = [1, 1]} : vector<256x256xf32> to vector<256x128xf32>
    %swap3A = arith.constant 0 : index
    %swap3A_21 = arith.constant 0 : index
    %swap3A_22 = vector.load %arg6[%swap3A, %swap3A_21] : memref<256x128xf32, #tpu.memory_space<vmem>>, vector<256x128xf32>
    tpu.vector_store %arg6[%swap3A, %swap3A_21], %slice3A {strides = array<i32>} : memref<256x128xf32, #tpu.memory_space<vmem>>, vector<256x128xf32>,
    %slice3A_23 = vector.extract_strided_slice %mul3A_20 {offsets = [0, 128], sizes = [256, 128], strides = [1, 1]} : vector<256x256xf32> to vector<256x128xf32>
    %swap3A_24 = arith.constant 0 : index
    %swap3A_25 = arith.constant 0 : index
    %swap3A_26 = vector.load %arg7[%swap3A_24, %swap3A_25] : memref<256x128xf32, #tpu.memory_space<vmem>>, vector<256x128xf32>
    tpu.vector_store %arg7[%swap3A_24, %swap3A_25], %slice3A_23 {strides = array<i32>} : memref<256x128xf32, #tpu.memory_space<vmem>>, vector<256x128xf32>,
    return
  }
  func.func @transform_0(%arg0: i32) -> (i32, i32) {
    %c0_i32 = arith.constant 0 : i32
    %c0_i32_0 = arith.constant 0 : i32
    return %arg0, %c0_i32 : i32, i32
  }
  func.func @transform_1(%arg0: i32) -> (i32, i32) {
    %c0_i32 = arith.constant 0 : i32
    %c0_i32_0 = arith.constant 0 : i32
    return %arg0, %c0_i32 : i32, i32
  }
  func.func @transform_2(%arg0: i32) -> i32 {
    %c0_i32 = arith.constant 0 : i32
    return %arg0 : i32
  }
  func.func @transform_3(%arg0: i32) -> i32 {
    %c0_i32 = arith.constant 0 : i32
    %c0_i32_0 = arith.constant 0 : i32
    return %c0_i32 : i32
  }
  func.func @transform_4(%arg0: i32) -> (i32, i32) {
    %c0_i32 = arith.constant 0 : i32
    %c0_i32_0 = arith.constant 0 : i32
    %c0_i32_1 = arith.constant 0 : i32
    return %c0_i32, %c0_i32_0 : i32, i32
  }
  func.func @transform_5(%arg0: i32) -> (i32, i32) {
    %c0_i32 = arith.constant 0 : i32
    %c0_i32_0 = arith.constant 0 : i32
    return %arg0, %c0_i32 : i32, i32
  }
  func.func @transform_6(%arg0: i32) -> (i32, i32) {
    %c0_i32 = arith.constant 0 : i32
    %c0_i32_0 = arith.constant 0 : i32
    return %arg0, %c0_i32 : i32, i32
  }
}

module attributes {stable_mosaic.version = 14 : i64} {
  func.func @_fin_body(%arg0: i32, %arg1: memref<256x128xf32, #tpu.memory_space<vmem>>, %arg2: memref<256x128xf32, #tpu.memory_space<vmem>>, %arg3: memref<256xf32, #tpu.memory_space<vmem>>, %arg4: memref<256xf32, #tpu.memory_space<vmem>>, %arg5: memref<256x256xf32, #tpu.memory_space<vmem>>) attributes {dimension_semantics = [#tpu.dimension_semantics<arbitrary>], iteration_bounds = array<i64: 40>, scalar_prefetch = 0 : i64, scratch_operands = 0 : i64, tpu.core_type = #tpu.core_type<tc>, window_params = [{transform_indices = @transform_0, window_bounds = array<i64: 256, 128>}, {transform_indices = @transform_1, window_bounds = array<i64: 256, 128>}, {transform_indices = @transform_2, window_bounds = array<i64: 256>}, {pipeline_mode = #tpu.pipeline_mode<synchronous>, transform_indices = @transform_3, window_bounds = array<i64: 256>}, {transform_indices = @transform_4, window_bounds = array<i64: 256, 256>}]} {
    %get3A = arith.constant 0 : index
    %get3A_0 = vector.load %arg3[%get3A] : memref<256xf32, #tpu.memory_space<vmem>>, vector<256xf32>
    %get3A_1 = arith.constant 0 : index
    %get3A_2 = arith.constant 0 : index
    %get3A_3 = vector.load %arg1[%get3A_1, %get3A_2] : memref<256x128xf32, #tpu.memory_space<vmem>>, vector<256x128xf32>
    %get3A_4 = arith.constant 0 : index
    %get3A_5 = arith.constant 0 : index
    %get3A_6 = vector.load %arg2[%get3A_4, %get3A_5] : memref<256x128xf32, #tpu.memory_space<vmem>>, vector<256x128xf32>
    %concatenate3A = tpu.concatenate %get3A_3, %get3A_6 in 1 : vector<256x128xf32>, vector<256x128xf32> -> vector<256x256xf32>
    %broadcast_in_dim3A = vector.shape_cast %get3A_0 : vector<256xf32> to vector<256x1xf32>
    %mul3A = vector.broadcast %broadcast_in_dim3A : vector<256x1xf32> to vector<256x256xf32>
    %mul3A_7 = arith.mulf %concatenate3A, %mul3A : vector<256x256xf32>
    %get3A_8 = arith.constant 0 : index
    %get3A_9 = vector.load %arg4[%get3A_8] : memref<256xf32, #tpu.memory_space<vmem>>, vector<256xf32>
    %broadcast_in_dim3A_10 = vector.shape_cast %get3A_9 : vector<256xf32> to vector<1x256xf32>
    %add3A = vector.broadcast %broadcast_in_dim3A_10 : vector<1x256xf32> to vector<256x256xf32>
    %add3A_11 = arith.addf %mul3A_7, %add3A : vector<256x256xf32>
    %max3A = arith.constant 0.000000e+00 : f32
    %max3A_12 = vector.broadcast %max3A : f32 to vector<256x256xf32>
    %max3A_13 = arith.maximumf %add3A_11, %max3A_12 : vector<256x256xf32>
    %swap3A = arith.constant 0 : index
    %swap3A_14 = arith.constant 0 : index
    %swap3A_15 = vector.load %arg5[%swap3A, %swap3A_14] : memref<256x256xf32, #tpu.memory_space<vmem>>, vector<256x256xf32>
    tpu.vector_store %arg5[%swap3A, %swap3A_14], %max3A_13 {strides = array<i32>} : memref<256x256xf32, #tpu.memory_space<vmem>>, vector<256x256xf32>,
    return
  }
  func.func @transform_0(%arg0: i32) -> (i32, i32) {
    %c0_i32 = arith.constant 0 : i32
    %c0_i32_0 = arith.constant 0 : i32
    return %arg0, %c0_i32 : i32, i32
  }
  func.func @transform_1(%arg0: i32) -> (i32, i32) {
    %c0_i32 = arith.constant 0 : i32
    %c0_i32_0 = arith.constant 0 : i32
    return %arg0, %c0_i32 : i32, i32
  }
  func.func @transform_2(%arg0: i32) -> i32 {
    %c0_i32 = arith.constant 0 : i32
    return %arg0 : i32
  }
  func.func @transform_3(%arg0: i32) -> i32 {
    %c0_i32 = arith.constant 0 : i32
    %c0_i32_0 = arith.constant 0 : i32
    return %c0_i32 : i32
  }
  func.func @transform_4(%arg0: i32) -> (i32, i32) {
    %c0_i32 = arith.constant 0 : i32
    %c0_i32_0 = arith.constant 0 : i32
    return %arg0, %c0_i32 : i32, i32
  }
}

</mosaic_0001>

<sc_bundles>
// kernel: kernel.11.cloned.1.call-start
scs
__scs_entry_jumppad:
0x0: {  	(pc) =	sbr.rel $0x88, $3  }
0x1: {  	(tag) =	ssettag $0x0;
	lr =	simm.s32 $0x1  }
0x2: {  	[smem:$0x3F9A] =	sst lr;
	_ =	strace $0xD0000000  }
0x3: {  	_ = 	snop  }
0x4: {  	_ = 	snop  }
0x5: {  	_ = 	snop  }
0x6: {  	_ = 	snop  }
0x7: {  	_ = 	snop  }
__scs_overlays_trampoline_lowered:
0x8: {  	[smem:$0x3FA9] =	sst s0  }
0x9: {  	[smem:$0x3FAA] =	sst s1  }
0xa: {  	[smem:$0x3FAB] =	sst s2  }
0xb: {  	[smem:$0x3FAC] =	sst s3  }
0xc: {  	[smem:$0x3FAD] =	sst s4  }
0xd: {  	[smem:$0x3FAE] =	sst s5  }
0xe: {  	[smem:$0x3FAF] =	sst s6  }
0xf: {  	[smem:$0x3FB0] =	sst s7  }
0x10: {  	[smem:$0x3FB1] =	sst s8  }
0x11: {  	[smem:$0x3FB2] =	sst s9;
	s0 =	simm.s32 @!p0 $0x0  }
0x12: {  	s1 =	sld [smem:$0x3F98];
	s0 =	simm.s32 @p0 $0x1  }
0x13: {  	[smem:$0x3FB3] =	sst s0;
	s0 =	simm.s32 @!p1 $0x0  }
0x14: {  	s2 =	sld [smem:$0x3F97];
	s0 =	simm.s32 @p1 $0x1  }
0x15: {  	[smem:$0x3FB4] =	sst s0;
	s0 =	simm.s32 @!p2 $0x0  }
0x16: {  	s3 =	sld [smem:$0x3FDB];
	s0 =	simm.s32 @p2 $0x1  }
0x17: {  	s4 =	simm.s32 $0x1BF5;
	[smem:$0x3FB6] =	sst s0  }
0x18: {  	s0 =	sld [smem:$0x3F99];
	_ =	swait.ge [sflag:s4], $0x0  }
0x19: {  	s7 =	sld [smem:$0x3F9A]  }
0x1a: {  	s8 =	sadd.s32 $0xFFFFE003, lr  }
0x1b: {  	s9 =	sadd.s32 $0xFFFFFEF7, lr;
	s5 =	simm.s32 $0xFFFFFFFF;
	p2 =	slt.u32 s8, $0xFFFFF086  }
0x1c: {  	p1 =	slt.u32 s9, $0xF7A;
	s5 =	simm.s32 @!p2 $0x0  }
0x1d: {  	s5 =	simm.s32 @p1 $0x1;
	p0 =	seq.s32 s7, s2  }
0x1e: {  	s7 =	smul.u32 @!p0 $0xF7A, s2;
	p2 =	seq.s32 @!p0 s5, $0x0  }
0x1f: {  	s9 =	smul.u32 $0xF7A, s1;
	s8 =	simm.s32 @!p0 $0x1BF5;
	p2 =	por !p2, p0  }
0x20: {  	[sflag:s8] =	ssyncset.s32 @!p0 $0xFFFFF086;
	s6 =	sadd.s32 @!p0 s3, s7;
	s7 =	simm.s32 @!p0 $0x108  }
0x21: {  	s3 =	sadd.s32 s3, s9;
	s6 =	sadd.s32 @!p0 $0x88, s6;
	s7 =	simm.s32 @p2 $0x1082  }
0x22: {  	[simem:s7], [sflag:s8] =	dma.local @!p0 [hbm:s6], $0xF7A  }
0x23: {  	s9 =	sor.u32 $0xD0000000, s2;
	s6 =	simm.s32 $0x108;
	_ =	swait.ge @!p0 [sflag:s8], $0x0  }
0x24: {  	s3 =	sadd.s32 $0x88, s3;
	s6 =	simm.s32 @!p1 $0x1082;
	[sflag:s4] =	ssyncset.s32 $0xFFFFF086  }
0x25: {  	[simem:s6], [sflag:s4] =	dma.local [hbm:s3], $0xF7A  }
0x26: {  	[smem:$0x3F9A] =	sst s1;
	(tag) =	ssettag s2;
	_ =	strace s9  }
0x27: {  	s1 =	sld [smem:$0x3FAA]  }
0x28: {  	s2 =	sld [smem:$0x3FAB]  }
0x29: {  	s4 =	sld [smem:$0x3FAD]  }
0x2a: {  	p0 =	seq.s32 s5, $0x0;
	s5 =	sld [smem:$0x3FAE]  }
0x2b: {  	s6 =	sld [smem:$0x3FAF]  }
0x2c: {  	s7 =	sld [smem:$0x3FB0]  }
0x2d: {  	s3 =	simm.s32 $0x108;
	s8 =	sld [smem:$0x3FB1]  }
0x2e: {  	s3 =	simm.s32 @!p0 $0x1082;
	s9 =	sld [smem:$0x3FB2]  }
0x2f: {  	lr =	sadd.s32 s0, s3;
	s0 =	sld [smem:$0x3FA9]  }
0x30: {  	s3 =	sld [smem:$0x3FAC]  }
0x31: {  	[smem:$0x3FB5] =	sst s10  }
0x32: {  	s10 =	sld [smem:$0x3FB3];
	_ =	sdelay $0x3  }
0x33: {  	p0 =	seq.s32 s10, $0x1;
	s10 =	sld [smem:$0x3FB5];
	_ =	sdelay $0x3  }
0x34: {  	[smem:$0x3FB5] =	sst s10  }
0x35: {  	s10 =	sld [smem:$0x3FB4];
	_ =	sdelay $0x3  }
0x36: {  	p1 =	seq.s32 s10, $0x1;
	s10 =	sld [smem:$0x3FB5];
	_ =	sdelay $0x3  }
0x37: {  	[smem:$0x3FB5] =	sst s10  }
0x38: {  	s10 =	sld [smem:$0x3FB6]  }
0x39: {  	_ = 	snop;
	(pc) =	sbr.ind lr, $3  }
0x3a: {  	_ = 	snop  }
0x3b: {  	_ = 	snop  }
0x3c: {  	p2 =	seq.s32 s10, $0x1;
	s10 =	sld [smem:$0x3FB5]  }
0x3d: {  	_ =	shalt  }
0x3e: {  	_ =	shalt  }
0x3f: {  	_ =	shalt  }
0x40: {  	_ =	shalt  }
0x41: {  	_ =	shalt  }
0x42: {  	_ =	shalt  }
0x43: {  	_ =	shalt  }
0x44: {  	_ =	shalt  }
0x45: {  	_ =	shalt  }
0x46: {  	_ =	shalt  }
0x47: {  	_ =	shalt  }
0x48: {  	_ =	shalt  }
0x49: {  	_ =	shalt  }
0x4a: {  	_ =	shalt  }
0x4b: {  	_ =	shalt  }
0x4c: {  	_ =	shalt  }
0x4d: {  	_ =	shalt  }
0x4e: {  	_ =	shalt  }
0x4f: {  	_ =	shalt  }
0x50: {  	_ =	shalt  }
0x51: {  	_ =	shalt  }
0x52: {  	_ =	shalt  }
0x53: {  	_ =	shalt  }
0x54: {  	_ =	shalt  }
0x55: {  	_ =	shalt  }
0x56: {  	_ =	shalt  }
0x57: {  	_ =	shalt  }
0x58: {  	_ =	shalt  }
0x59: {  	_ =	shalt  }
0x5a: {  	_ =	shalt  }
0x5b: {  	_ =	shalt  }
0x5c: {  	_ =	shalt  }
0x5d: {  	_ =	shalt  }
0x5e: {  	_ =	shalt  }
0x5f: {  	_ =	shalt  }
0x60: {  	_ =	shalt  }
0x61: {  	_ =	shalt  }
0x62: {  	_ =	shalt  }
0x63: {  	_ =	shalt  }
0x64: {  	_ =	shalt  }
0x65: {  	_ =	shalt  }
0x66: {  	_ =	shalt  }
0x67: {  	_ =	shalt  }
0x68: {  	_ =	shalt  }
0x69: {  	_ =	shalt  }
0x6a: {  	_ =	shalt  }
0x6b: {  	_ =	shalt  }
0x6c: {  	_ =	shalt  }
0x6d: {  	_ =	shalt  }
0x6e: {  	_ =	shalt  }
0x6f: {  	_ =	shalt  }
0x70: {  	_ =	shalt  }
0x71: {  	_ =	shalt  }
0x72: {  	_ =	shalt  }
0x73: {  	_ =	shalt  }
0x74: {  	_ =	shalt  }
0x75: {  	_ =	shalt  }
0x76: {  	_ =	shalt  }
0x77: {  	_ =	shalt  }
0x78: {  	_ =	shalt  }
0x79: {  	_ =	shalt  }
0x7a: {  	_ =	shalt  }
0x7b: {  	_ =	shalt  }
0x7c: {  	_ =	shalt  }
0x7d: {  	_ =	shalt  }
0x7e: {  	_ =	shalt  }
0x7f: {  	_ =	shalt  }
0x80: {  	_ =	shalt  }
0x81: {  	_ =	shalt  }
0x82: {  	_ =	shalt  }
0x83: {  	_ =	shalt  }
0x84: {  	_ =	shalt  }
0x85: {  	_ =	shalt  }
0x86: {  	_ =	shalt  }
0x87: {  	_ =	shalt  }
.Lfunc_end0:
.L_simem_size_0:
called_computation.1_lowered:
.L_overlay_start_0:
0x88: {  	s2 =	sld [smem:$0x3FD9]  }
0x89: {  	s3 =	sld [smem:$0x3FFE];
	_ =	sdelay $0x1  }
0x8a: {  	s1 =	srdreg.scid  }
0x8b: {  	s0 =	sand.u32 $0x1, s1  }
0x8c: {  	s17 =	sshll.u32 s0, $0xA;
	s2 =	sadd.s32 s3, s2  }
0x8d: {  	s2 =	sadd.s32 s2, s17  }
0x8e: {  	[smem:$0x3FC1] =	sst s2  }
0x8f: {  	_ = 	snop  }
0x90: {  	s2 =	sld [smem:$0x3FD0];
	(tm) =	ssettm $0x1  }
0x91: {  	s18 =	sld [smem:$0x3FFB];
	_ =	sdelay $0x3  }
0x92: {  	_ =	strace s18  }
0x93: {  	s3 =	sld [smem:$0x3FFC];
	_ =	sdelay $0x3  }
0x94: {  	_ =	strace s3  }
0x95: {  	s3 =	sld [smem:$0x3FFD];
	_ =	sdelay $0x3  }
0x96: {  	_ =	strace s3  }
0x97: {  	_ =	strace $0x8FFFFFFF  }
0x98: {  	s19 =	sld [smem:$0x3FDB];
	_ =	sdelay $0x1  }
0x99: {  	s4 =	simm.s32 $_scs_section_size  }
0x9a: {  	s5 =	simm.s32 $_size__tile_overlayer_lowered;
	s6 =	simm.s32 $_tile_overlayer_lowered  }
0x9b: {  	s22 =	simm.s32 $0x1BFF;
	s21 =	sshll.u32 s6, $0x1;
	s3 =	sadd.s32 s4, s19  }
0x9c: {  	s7 =	simm.s32 $0x0;
	s20 =	sshll.u32 s5, $0x1;
	s5 =	sadd.s32 s21, s3  }
0x9d: {  	[timem:s7], [sflag:s22] =	dma.local [hbm:s5], s20  }
0x9e: {  	_ =	swait.ge [sflag:s22], s20  }
0x9f: {  	s4 =	ssub.s32 $0x0, s20;
	[sflag:s22] =	ssyncset.done $0x0  }
0xa0: {  	[sflag:s22] =	ssyncadd.s32 s4;
	_ =	sdelay $0x1  }
0xa1: {  	s23 =	simm.s32 $0x1B8B  }
0xa2: {  	_ =	swait.ge [sflag:s23], $0x1  }
0xa3: {  	[sflag:s23] =	ssyncset.done $0x0  }
0xa4: {  	s25 =	simm.s32 $0x1B8E;
	s24 =	sld [smem:$0x3FFE];
	[sflag:s23] =	ssyncadd.s32 $0xFFFFFFFF  }
0xa5: {  	s26 =	simm.s32 $execute0_lowered;
	[smem:$0x3FD2] =	sst s25  }
0xa6: {  	s5 =	sshll.u32 s26, $0x1;
	_ =	strace $0x80000049;
	[dreg:$0x1] =	wrdreg $0xFFFFFFFF  }
0xa7: {  	s28 =	simm.s32 $_size_execute0_lowered;
	s3 =	sadd.s32 s3, s5;
	[dreg:$0x0] =	wrdreg $0x0  }
0xa8: {  	s5 =	sshll.u32 s28, $0x1;
	[dreg:$0x2] =	wrdreg s3  }
0xa9: {  	[dreg:$0x3] =	wrdreg s5  }
0xaa: {  	[dreg:$0x4] =	wrdreg $0xC0  }
0xab: {  	_ =	task [dreg:s7], $0x5FFFF  }
0xac: {  	[dreg:$0x1] =	wrdreg $0xFFFFFFFF  }
0xad: {  	[dreg:$0x0] =	wrdreg $0x60  }
0xae: {  	[dreg:$0x2] =	wrdreg s24  }
0xaf: {  	[dreg:$0x3] =	wrdreg s2  }
0xb0: {  	[dreg:$0x4] =	wrdreg $0x8C000  }
0xb1: {  	[dreg:$0x5] =	wrdreg $0x9  }
0xb2: {  	_ =	task.clear_ibuf [dreg:s7], $0x6FFFF;
	_ =	strace $0x90000049  }
0xb3: {  	s29 =	simm.s32 $0x9;
	_ =	strace $0x8000004B  }
0xb4: {  	_ =	swait.ge [sflag:s29], $0x1  }
0xb5: {  	[sflag:s29] =	ssyncadd.s32 $0xFFFFFFFF  }
0xb6: {  	_ =	strace $0x9000004B  }
0xb7: {  	_ =	sfence  }
0xb8: {  	s30 =	sld [smem:$0x0];
	_ =	sdelay $0x2  }
0xb9: {  	s31 =	sshll.u32 s1, $0xD;
	s1 =	sshrl.u32 s1, $0x2  }
0xba: {  	s3 =	sand.u32 $0x4000, s31;
	s1 =	sadd.s32 s1, s30  }
0xbb: {  	s0 =	sor.u32 s3, s0;
	s1 =	sshll.u32 s1, $0x11  }
0xbc: {  	s0 =	sor.u32 s1, s0  }
0xbd: {  	s0 =	sadd.s32 $0x8F2B, s0  }
0xbe: {  	[sflag:s0] =	ssyncadd.remote.s32 $0x1  }
0xbf: {  	_ =	sfence.sel $0xFFFF  }
0xc0: {  	[dreg:$0x0] =	wrdreg $0xFFFFFFFF;
	(pc) =	sbr.abs _section_cstart, $3  }
0xc1: {  	[dreg:$0x1] =	wrdreg $0xFFFFFFFF  }
0xc2: {  	_ =	task.clear_ibuf [dreg:s7], $0x2FFFF;
	_ =	strace $0x9FFFFFFF  }
0xc3: {  	(tm) =	ssettm $0x7FFFFFFF  }
tec
execute0_lowered:
.L_overlay_start_1:
0x0: {  	(tag) =	ssettag $0x1  }
0x1: {  	s0 =	rddreg [dreg:$0x0]  }
0x2: {  	s1 =	rddreg [dreg:$0x1]  }
0x3: {  	s2 =	rddreg [dreg:$0x2];
	s3 =	simm.s32 $0x0;
	s4 =	srdreg.scid  }
0x4: {  	s19 =	stileid.u32;
	s28 =	simm.s32 $0x80;
	s29 =	simm.s32 $0xC00  }
0x5: {  	s30 =	simm.s32 $0x1;
	s31 =	simm.s32 $0x0;
	[smem:$0x7FF] =	sst s3  }
0x6: {  	s5 =	sadd.s32 $0x18200, s0;
	s6 =	sadd.s32 $0xDA00, s0;
	s7 =	sadd.s32 $0x3200, s0  }
0x7: {  	s8 =	sadd.s32 $0x22A00, s0;
	s4 =	sand.u32 $0x1, s4;
	s9 =	smul.u32 $0x280, s19  }
0x8: {  	s10 =	sadd.s32 $0x4AA00, s0;
	s11 =	smul.u32 $0x50000, s19;
	s0 =	sadd.s32 $0x72A00, s0  }
0x9: {  	s16 =	smul.u32 $0x15, s19;
	_ =	strace $0x8000004A;
	[dreg:$0x4] =	wrdreg s10  }
0xa: {  	s24 =	smul.u32 $0x2800, s19;
	s20 =	ssub.s32 $0x2, s4;
	[dreg:$0x5] =	wrdreg s0  }
0xb: {  	p0 =	seq.s32 s4, $0x1;
	s21 =	sshrl.u32 s20, $0x1;
	s17 =	sadd.s32 $0x80, s9  }
0xc: {  	s22 =	sshrl.u32 s11, $0x2;
	s23 =	sadd.s32 $0x100, s9;
	s18 =	sadd.s32 $0x180, s9  }
0xd: {  	s9 =	sadd.s32 $0x200, s9;
	[dreg:$0x6] =	wrdreg s24;
	s24 =	simm.s32 $0x2  }
0xe: {  	s0 =	ssub.s32 s20, s21;
	s12 =	sshll.u32 s17, $0x7;
	s11 =	sadd.s32 s22, s2  }
0xf: {  	s13 =	sshll.u32 s23, $0x7;
	s14 =	sshll.u32 s18, $0x7;
	s15 =	sshll.u32 s9, $0x7  }
.Ltmp0:
0x10: {  	s25 =	sshll.u32 s17, $0x4;
	s26 =	sshll.u32 s23, $0x4;
	(pc) =	sbr.rel .LBB2_1-.Ltmp0, $4  }
0x11: {  	s20 =	sshll.u32 s18, $0x4;
	s21 =	sshll.u32 s9, $0x4;
	s23 =	simm.s32 $0x4C00  }
0x12: {  	s12 =	sadd.s32 s12, s2;
	s13 =	sadd.s32 s13, s2;
	[dreg:$0x7] =	wrdreg s25  }
0x13: {  	s14 =	sadd.s32 s14, s2;
	s15 =	sadd.s32 s15, s2;
	[dreg:$0x8] =	wrdreg s26  }
0x14: {  	v0 =	vimm.f32 $0.0e+00;
	s22 =	smax.u32 s0, $0x1;
	s25 =	simm.s32 $0x400;
	s26 =	simm.s32 $0x800  }
.LBB2_16:
0x15: {  	[bflag:$0x0] =	sbarrier.arrive $0xFFFF  }
0x16: {  	[tilespmem:s29], [sflag:$0x2] =	stream.linear.gather [spmem:s11], $0x4000, $0x38;
	[tilespmem:$0x1CC00] =	vst v63  }
0x17: {  	_ =	swait.ge [sflag:s24], $0x4000  }
0x18: {  	[sflag:s24] =	ssyncset.done $0x0;
	s4 =	rddreg [dreg:$0x6]  }
0x19: {  	s4 =	sadd.s32 s0, s4;
	[sflag:s24] =	ssyncadd.s32 $0xFFFFC000  }
0x1a: {  	[hbm4b:s4+s3] =	stream.linear.scatter [tilespmem:s29], [sflag:$0x2], $0x4000, $0x38;
	[tilespmem:$0x1CC00] =	vst v63  }
0x1b: {  	_ =	swait.ge [sflag:s24], $0x4000  }
0x1c: {  	[sflag:s24] =	ssyncset.done $0x0  }
0x1d: {  	[sflag:s24] =	ssyncadd.s32 $0xFFFFC000  }
0x1e: {  	[tilespmem:s29], [sflag:$0x2] =	stream.linear.gather [spmem:s12], $0x4000, $0x38;
	[tilespmem:$0x1CC00] =	vst v63  }
0x1f: {  	_ =	swait.ge [sflag:s24], $0x4000  }
0x20: {  	[sflag:s24] =	ssyncset.done $0x0;
	s10 =	rddreg [dreg:$0x7]  }
0x21: {  	s4 =	sadd.s32 s0, s10;
	[sflag:s24] =	ssyncadd.s32 $0xFFFFC000  }
0x22: {  	[hbm4b:s4+s3] =	stream.linear.scatter [tilespmem:s29], [sflag:$0x2], $0x4000, $0x38;
	[tilespmem:$0x1CC00] =	vst v63  }
0x23: {  	_ =	swait.ge [sflag:s24], $0x4000  }
0x24: {  	[sflag:s24] =	ssyncset.done $0x0  }
0x25: {  	[sflag:s24] =	ssyncadd.s32 $0xFFFFC000  }
0x26: {  	[tilespmem:s29], [sflag:$0x2] =	stream.linear.gather [spmem:s13], $0x4000, $0x38;
	[tilespmem:$0x1CC00] =	vst v63  }
0x27: {  	_ =	swait.ge [sflag:s24], $0x4000  }
0x28: {  	[sflag:s24] =	ssyncset.done $0x0;
	s17 =	rddreg [dreg:$0x8]  }
0x29: {  	s4 =	sadd.s32 s0, s17;
	[sflag:s24] =	ssyncadd.s32 $0xFFFFC000  }
0x2a: {  	[hbm4b:s4+s3] =	stream.linear.scatter [tilespmem:s29], [sflag:$0x2], $0x4000, $0x38;
	[tilespmem:$0x1CC00] =	vst v63  }
0x2b: {  	_ =	swait.ge [sflag:s24], $0x4000  }
0x2c: {  	[sflag:s24] =	ssyncset.done $0x0  }
0x2d: {  	[sflag:s24] =	ssyncadd.s32 $0xFFFFC000  }
0x2e: {  	[tilespmem:s29], [sflag:$0x2] =	stream.linear.gather [spmem:s14], $0x4000, $0x38;
	[tilespmem:$0x1CC00] =	vst v63  }
0x2f: {  	_ =	swait.ge [sflag:s24], $0x4000  }
0x30: {  	[sflag:s24] =	ssyncset.done $0x0  }
0x31: {  	s18 =	sadd.s32 s0, s20;
	[sflag:s24] =	ssyncadd.s32 $0xFFFFC000  }
0x32: {  	[hbm4b:s18+s3] =	stream.linear.scatter [tilespmem:s29], [sflag:$0x2], $0x4000, $0x38;
	[tilespmem:$0x1CC00] =	vst v63  }
0x33: {  	_ =	swait.ge [sflag:s24], $0x4000  }
0x34: {  	[sflag:s24] =	ssyncset.done $0x0  }
0x35: {  	[sflag:s24] =	ssyncadd.s32 $0xFFFFC000  }
0x36: {  	[tilespmem:s29], [sflag:$0x2] =	stream.linear.gather [spmem:s15], $0x4000, $0x38;
	[tilespmem:$0x1CC00] =	vst v63  }
0x37: {  	s31 =	sadd.s32 $0x1, s31;
	_ =	swait.ge [sflag:s24], $0x4000  }
0x38: {  	p1 =	sne.s32 s31, s22;
	[sflag:s24] =	ssyncset.done $0x0  }
.Ltmp1:
0x39: {  	s19 =	sadd.s32 s0, s21;
	[sflag:s24] =	ssyncadd.s32 $0xFFFFC000;
	(pc) =	sbr.rel @!p1 .LBB2_17-.Ltmp1, $4  }
0x3a: {  	[hbm4b:s19+s3] =	stream.linear.scatter [tilespmem:s29], [sflag:$0x2], $0x4000, $0x38;
	[tilespmem:$0x1CC00] =	vst v63  }
0x3b: {  	_ =	swait.ge [sflag:s24], $0x4000  }
0x3c: {  	[sflag:s24] =	ssyncset.done $0x0  }
0x3d: {  	[sflag:s24] =	ssyncadd.s32 $0xFFFFC000  }
.LBB2_1:
0x3e: {  	s0 =	simm.s32 $0x0;
	s4 =	simm.s32 $0x200  }
.LBB2_2:
0x3f: {  	p1 =	sne.s32 s4, $0xFE00;
	[tilespmem:s0+$0x4C70] =	vst v0  }
0x40: {  	[tilespmem:s0+$0x4C00] =	vst v0  }
0x41: {  	[tilespmem:s0+$0x4C10] =	vst v0  }
.Ltmp2:
0x42: {  	[tilespmem:s0+$0x4C20] =	vst v0;
	(pc) =	sbr.rel @p1 .LBB2_2-.Ltmp2, $4  }
0x43: {  	[tilespmem:s0+$0x4C30] =	vst v0  }
0x44: {  	[tilespmem:s0+$0x4C40] =	vst v0  }
0x45: {  	[tilespmem:s0+$0x4C50] =	vst v0  }
0x46: {  	[tilespmem:s0+$0x4C60] =	vst v0;
	s0 =	sshra.s32 s4, $0x2;
	s4 =	sadd.s32 $0x200, s4  }
0x47: {  	[tilespmem:s0+$0x4C70] =	vst v0  }
0x48: {  	[tilespmem:s0+$0x4C00] =	vst v0  }
0x49: {  	[tilespmem:s0+$0x4C10] =	vst v0  }
0x4a: {  	[tilespmem:s0+$0x4C20] =	vst v0  }
0x4b: {  	[tilespmem:s0+$0x4C30] =	vst v0  }
0x4c: {  	[tilespmem:s0+$0x4C40] =	vst v0  }
0x4d: {  	[tilespmem:s0+$0x4C50] =	vst v0  }
0x4e: {  	[tilespmem:s0+$0x4C60] =	vst v0  }
0x4f: {  	[spmem:s11] =	stream.linear.scatter [tilespmem:s23], [sflag:$0x2], $0x4000, $0x38;
	[tilespmem:$0x1CC00] =	vst v63  }
0x50: {  	_ =	swait.ge [sflag:s24], $0x4000  }
0x51: {  	[sflag:s24] =	ssyncset.done $0x0  }
0x52: {  	[sflag:s24] =	ssyncadd.s32 $0xFFFFC000  }
0x53: {  	[spmem:s12] =	stream.linear.scatter [tilespmem:s23], [sflag:$0x2], $0x4000, $0x38;
	[tilespmem:$0x1CC00] =	vst v63  }
0x54: {  	_ =	swait.ge [sflag:s24], $0x4000  }
0x55: {  	[sflag:s24] =	ssyncset.done $0x0  }
0x56: {  	[sflag:s24] =	ssyncadd.s32 $0xFFFFC000  }
0x57: {  	[spmem:s13] =	stream.linear.scatter [tilespmem:s23], [sflag:$0x2], $0x4000, $0x38;
	[tilespmem:$0x1CC00] =	vst v63  }
0x58: {  	_ =	swait.ge [sflag:s24], $0x4000  }
0x59: {  	[sflag:s24] =	ssyncset.done $0x0  }
0x5a: {  	[sflag:s24] =	ssyncadd.s32 $0xFFFFC000  }
0x5b: {  	[spmem:s14] =	stream.linear.scatter [tilespmem:s23], [sflag:$0x2], $0x4000, $0x38;
	[tilespmem:$0x1CC00] =	vst v63  }
0x5c: {  	_ =	swait.ge [sflag:s24], $0x4000  }
0x5d: {  	[sflag:s24] =	ssyncset.done $0x0  }
0x5e: {  	[sflag:s24] =	ssyncadd.s32 $0xFFFFC000  }
0x5f: {  	[spmem:s15] =	stream.linear.scatter [tilespmem:s23], [sflag:$0x2], $0x4000, $0x38;
	[tilespmem:$0x1CC00] =	vst v63  }
.Ltmp3:
0x60: {  	_ =	swait.ge [sflag:s24], $0x4000;
	(pc) =	sbr.rel @!p0 .LBB2_4-.Ltmp3, $4  }
0x61: {  	[sflag:s24] =	ssyncset.done $0x0  }
0x62: {  	[sflag:s24] =	ssyncadd.s32 $0xFFFFC000  }
0x63: {  	[bflag:$0x0] =	sbarrier.arrive $0xFFFF  }
0x64: {  	s0 =	simm.s32 $0x0;
	s4 =	simm.s32 $0x0;
	s9 =	simm.s32 $0x0  }
.LBB2_10:
0x65: {  	s4 =	sadd.s32 s16, s9  }
0x66: {  	s4 =	sshll.u32 s4, $0x7  }
0x67: {  	s10 =	sadd.s32 s5, s4  }
0x68: {  	[tilespmem:s0], [sflag:$0x2] =	stream.linear.gather [hbm4b:s10+s0], $0x400, $0x38;
	[tilespmem:$0x1CC00] =	vst v63  }
0x69: {  	_ =	swait.ge [sflag:s24], $0x400  }
0x6a: {  	[sflag:s24] =	ssyncset.done $0x0  }
0x6b: {  	s19 =	sadd.s32 s6, s4;
	[sflag:s24] =	ssyncadd.s32 $0xFFFFFC00  }
0x6c: {  	[tilespmem:s25], [sflag:$0x2] =	stream.linear.gather [hbm4b:s19+s0], $0x400, $0x38;
	[tilespmem:$0x1CC00] =	vst v63  }
0x6d: {  	_ =	swait.ge [sflag:s24], $0x400  }
0x6e: {  	[sflag:s24] =	ssyncset.done $0x0  }
0x6f: {  	s4 =	sadd.s32 s7, s4;
	[sflag:s24] =	ssyncadd.s32 $0xFFFFFC00  }
0x70: {  	[tilespmem:s26], [sflag:$0x2] =	stream.linear.gather [hbm4b:s4+s0], $0x400, $0x38;
	[tilespmem:$0x1CC00] =	vst v63  }
0x71: {  	_ =	swait.ge [sflag:s24], $0x400  }
0x72: {  	[sflag:s24] =	ssyncset.done $0x0  }
0x73: {  	s4 =	simm.s32 $0x0;
	[sflag:s24] =	ssyncadd.s32 $0xFFFFFC00  }
.LBB2_11:
0x74: {  	s17 =	simm.s32 $0x0  }
0x75: {  	s10 =	sshll.u32 s4, $0x7;
	v2 =	vmov s17  }
0x76: {  	v1 =	vmov s10;
	v2 =	vand.u32 $0x7F, v2  }
0x77: {  	v2 =	vadd.s32 v1, v2  }
0x78: {  	v2 =	vbroadcast v2, $0x0  }
0x79: {  	[tilespmem:s29], [sflag:$0x1] =	stream.indirect.gather [hbm4b:s8+s28], $0x80, s10, s28, $0xb8;
	[tilespmem:$0x1CC00] =	vst v63  }
0x7a: {  	_ =	swait.ge [sflag:s30], $0x4000  }
0x7b: {  	[sflag:s30] =	ssyncset.done $0x0  }
0x7c: {  	s17 =	simm.s32 $0xC40;
	[sflag:s30] =	ssyncadd.s32 $0xFFFFC000  }
0x7d: {  	v3 =	vld [tilespmem:s17+$0xFFFFFFC0]  }
0x7e: {  	v2 =	vld.idx.msk [tilespmem:v2+s26+$0x0], $0xffff;
	_ =	sdelay $0x4  }
0x7f: {  	v3 =	vmul.f32 v3, v2  }
0x80: {  	s18 =	simm.s32 $0x4C40  }
0x81: {  	[tilespmem:s18+$0xFFFFFFC0] =	vst v3  }
0x82: {  	v3 =	vld [tilespmem:s17+$0xFFFFFFD0];
	_ =	sdelay $0x4  }
0x83: {  	v3 =	vmul.f32 v3, v2;
	_ =	sdelay $0x1  }
0x84: {  	[tilespmem:s18+$0xFFFFFFD0] =	vst v3  }
0x85: {  	v3 =	vld [tilespmem:s17+$0xFFFFFFE0];
	_ =	sdelay $0x4  }
0x86: {  	v3 =	vmul.f32 v3, v2;
	_ =	sdelay $0x1  }
0x87: {  	[tilespmem:s18+$0xFFFFFFE0] =	vst v3  }
0x88: {  	v3 =	vld [tilespmem:s17+$0xFFFFFFF0];
	_ =	sdelay $0x4  }
0x89: {  	v3 =	vmul.f32 v3, v2;
	_ =	sdelay $0x1  }
0x8a: {  	[tilespmem:s18+$0xFFFFFFF0] =	vst v3  }
0x8b: {  	v3 =	vld [tilespmem:s17+$0x0];
	_ =	sdelay $0x4  }
0x8c: {  	v3 =	vmul.f32 v3, v2;
	_ =	sdelay $0x1  }
0x8d: {  	[tilespmem:s18+$0x0] =	vst v3  }
0x8e: {  	v3 =	vld [tilespmem:s17+$0x10];
	_ =	sdelay $0x4  }
0x8f: {  	v3 =	vmul.f32 v3, v2;
	_ =	sdelay $0x1  }
0x90: {  	[tilespmem:s18+$0x10] =	vst v3  }
0x91: {  	v3 =	vld [tilespmem:s17+$0x20];
	_ =	sdelay $0x4  }
0x92: {  	v4 =	vmul.f32 v3, v2  }
0x93: {  	s19 =	simm.s32 $0x1  }
0x94: {  	v3 =	vmov s19;
	s19 =	simm.s32 $0x2;
	[tilespmem:s18+$0x20] =	vst v4  }
.LBB2_12:
0x95: {  	p1 =	sne.s32 s19, $0x7F;
	v3 =	vand.u32 $0x7F, v3;
	v4 =	vld [tilespmem:s17+$0x30]  }
0x96: {  	v3 =	vadd.s32 v1, v3  }
0x97: {  	v3 =	vbroadcast v3, $0x0;
	_ =	sdelay $0x2  }
0x98: {  	v2 =	vmul.f32 v4, v2;
	_ =	sdelay $0x1  }
0x99: {  	[tilespmem:s18+$0x30] =	vst v2  }
0x9a: {  	s17 =	sadd.s32 $0x80, s17;
	v2 =	vld.idx.msk [tilespmem:v3+s26+$0x0], $0xffff  }
0x9b: {  	v3 =	vld [tilespmem:s17+$0xFFFFFFC0];
	_ =	sdelay $0x4  }
0x9c: {  	v3 =	vmul.f32 v3, v2  }
0x9d: {  	s18 =	sadd.s32 $0x80, s18  }
0x9e: {  	[tilespmem:s18+$0xFFFFFFC0] =	vst v3  }
0x9f: {  	v3 =	vld [tilespmem:s17+$0xFFFFFFD0];
	_ =	sdelay $0x4  }
0xa0: {  	v3 =	vmul.f32 v3, v2;
	_ =	sdelay $0x1  }
0xa1: {  	[tilespmem:s18+$0xFFFFFFD0] =	vst v3  }
0xa2: {  	v3 =	vld [tilespmem:s17+$0xFFFFFFE0];
	_ =	sdelay $0x4  }
0xa3: {  	v3 =	vmul.f32 v3, v2;
	_ =	sdelay $0x1  }
0xa4: {  	[tilespmem:s18+$0xFFFFFFE0] =	vst v3  }
0xa5: {  	v3 =	vld [tilespmem:s17+$0xFFFFFFF0];
	_ =	sdelay $0x4  }
0xa6: {  	v3 =	vmul.f32 v3, v2;
	_ =	sdelay $0x1  }
0xa7: {  	[tilespmem:s18+$0xFFFFFFF0] =	vst v3  }
0xa8: {  	v3 =	vld [tilespmem:s17+$0x0];
	_ =	sdelay $0x4  }
0xa9: {  	v3 =	vmul.f32 v3, v2;
	_ =	sdelay $0x1  }
0xaa: {  	[tilespmem:s18+$0x0] =	vst v3  }
0xab: {  	v3 =	vld [tilespmem:s17+$0x10];
	_ =	sdelay $0x4  }
0xac: {  	v3 =	vmul.f32 v3, v2;
	_ =	sdelay $0x1  }
0xad: {  	[tilespmem:s18+$0x10] =	vst v3  }
0xae: {  	v3 =	vld [tilespmem:s17+$0x20];
	_ =	sdelay $0x2  }
.Ltmp4:
0xaf: {  	(pc) =	sbr.rel @p1 .LBB2_12-.Ltmp4, $3  }
0xb0: {  	_ = 	snop  }
0xb1: {  	v4 =	vmul.f32 v3, v2;
	_ =	sdelay $0x1  }
0xb2: {  	v3 =	vmov s19;
	s19 =	sadd.s32 $0x1, s19;
	[tilespmem:s18+$0x20] =	vst v4  }
0xb3: {  	v3 =	vand.u32 $0x7F, v3;
	v4 =	vld [tilespmem:s17+$0x30]  }
0xb4: {  	v1 =	vadd.s32 v1, v3  }
0xb5: {  	v1 =	vbroadcast v1, $0x0;
	_ =	sdelay $0x2  }
0xb6: {  	v2 =	vmul.f32 v4, v2;
	_ =	sdelay $0x1  }
0xb7: {  	[tilespmem:s18+$0x30] =	vst v2  }
0xb8: {  	s17 =	sadd.s32 $0x80, s17;
	v1 =	vld.idx.msk [tilespmem:v1+s26+$0x0], $0xffff  }
0xb9: {  	v2 =	vld [tilespmem:s17+$0xFFFFFFC0];
	_ =	sdelay $0x4  }
0xba: {  	v2 =	vmul.f32 v2, v1  }
0xbb: {  	s19 =	sadd.s32 $0x80, s18  }
0xbc: {  	[tilespmem:s19+$0xFFFFFFC0] =	vst v2  }
0xbd: {  	v2 =	vld [tilespmem:s17+$0xFFFFFFD0];
	_ =	sdelay $0x4  }
0xbe: {  	v2 =	vmul.f32 v2, v1;
	_ =	sdelay $0x1  }
0xbf: {  	[tilespmem:s19+$0xFFFFFFD0] =	vst v2  }
0xc0: {  	v2 =	vld [tilespmem:s17+$0xFFFFFFE0];
	_ =	sdelay $0x4  }
0xc1: {  	v2 =	vmul.f32 v2, v1;
	_ =	sdelay $0x1  }
0xc2: {  	[tilespmem:s19+$0xFFFFFFE0] =	vst v2  }
0xc3: {  	v2 =	vld [tilespmem:s17+$0xFFFFFFF0];
	_ =	sdelay $0x4  }
0xc4: {  	v2 =	vmul.f32 v2, v1;
	_ =	sdelay $0x1  }
0xc5: {  	[tilespmem:s19+$0xFFFFFFF0] =	vst v2  }
0xc6: {  	v2 =	vld [tilespmem:s17+$0x0];
	_ =	sdelay $0x4  }
0xc7: {  	v2 =	vmul.f32 v2, v1;
	_ =	sdelay $0x1  }
0xc8: {  	[tilespmem:s19+$0x0] =	vst v2  }
0xc9: {  	v2 =	vld [tilespmem:s17+$0x10];
	_ =	sdelay $0x4  }
0xca: {  	v2 =	vmul.f32 v2, v1;
	_ =	sdelay $0x1  }
0xcb: {  	[tilespmem:s19+$0x10] =	vst v2  }
0xcc: {  	v2 =	vld [tilespmem:s17+$0x20];
	_ =	sdelay $0x4  }
0xcd: {  	v2 =	vmul.f32 v2, v1;
	_ =	sdelay $0x1  }
0xce: {  	[tilespmem:s19+$0x20] =	vst v2  }
0xcf: {  	v2 =	vld [tilespmem:s17+$0x30];
	_ =	sdelay $0x4  }
0xd0: {  	s4 =	sadd.s32 $0x1, s4;
	v1 =	vmul.f32 v2, v1  }
0xd1: {  	p1 =	sne.s32 s4, $0x8  }
.Ltmp5:
0xd2: {  	s10 =	sadd.s32 $0x400, s10;
	[tilespmem:s19+$0x30] =	vst v1;
	(pc) =	sbr.rel @p1 .LBB2_11-.Ltmp5, $4  }
0xd3: {  	[spmem:s2] =	stream.indirect.scatter.add.f32 [tilespmem:s23], [sflag:$0x2], $0x80, s10, s28, $0xb8;
	[tilespmem:$0x1CC00] =	vst v63  }
0xd4: {  	_ =	swait.ge [sflag:s24], $0x4000  }
0xd5: {  	[sflag:s24] =	ssyncset.done $0x0  }
0xd6: {  	[sflag:s24] =	ssyncadd.s32 $0xFFFFC000  }
0xd7: {  	s9 =	sadd.s32 $0x1, s9  }
0xd8: {  	p1 =	sne.s32 s9, $0x15  }
.Ltmp6:
0xd9: {  	_ = 	snop;
	(pc) =	sbr.rel @p1 .LBB2_10-.Ltmp6, $1  }
0xda: {  	_ =	sdelay $0x3  }
.Ltmp7:
0xdb: {  	(pc) =	sbr.rel .LBB2_16-.Ltmp7, $2  }
0xdc: {  	_ =	sdelay $0x2  }
0xdd: {  	s0 =	rddreg [dreg:$0x5]  }
.LBB2_4:
0xde: {  	s9 =	sadd.s32 s16, s4  }
0xdf: {  	s9 =	sshll.u32 s9, $0x7  }
0xe0: {  	s10 =	sadd.s32 s5, s9  }
0xe1: {  	[tilespmem:s0], [sflag:$0x2] =	stream.linear.gather [hbm4b:s10+s0], $0x400, $0x38;
	[tilespmem:$0x1CC00] =	vst v63  }
0xe2: {  	_ =	swait.ge [sflag:s24], $0x400  }
0xe3: {  	[sflag:s24] =	ssyncset.done $0x0  }
0xe4: {  	s19 =	sadd.s32 s6, s9;
	[sflag:s24] =	ssyncadd.s32 $0xFFFFFC00  }
0xe5: {  	[tilespmem:s25], [sflag:$0x2] =	stream.linear.gather [hbm4b:s19+s0], $0x400, $0x38;
	[tilespmem:$0x1CC00] =	vst v63  }
0xe6: {  	_ =	swait.ge [sflag:s24], $0x400  }
0xe7: {  	[sflag:s24] =	ssyncset.done $0x0  }
0xe8: {  	s9 =	sadd.s32 s7, s9;
	[sflag:s24] =	ssyncadd.s32 $0xFFFFFC00  }
0xe9: {  	[tilespmem:s26], [sflag:$0x2] =	stream.linear.gather [hbm4b:s9+s0], $0x400, $0x38;
	[tilespmem:$0x1CC00] =	vst v63  }
0xea: {  	_ =	swait.ge [sflag:s24], $0x400  }
0xeb: {  	[sflag:s24] =	ssyncset.done $0x0  }
0xec: {  	s9 =	simm.s32 $0x0;
	[sflag:s24] =	ssyncadd.s32 $0xFFFFFC00  }
.LBB2_5:
0xed: {  	s17 =	simm.s32 $0x0  }
0xee: {  	s10 =	sshll.u32 s9, $0x7;
	v2 =	vmov s17  }
0xef: {  	v1 =	vmov s10;
	v2 =	vand.u32 $0x7F, v2  }
0xf0: {  	v2 =	vadd.s32 v1, v2  }
0xf1: {  	v2 =	vbroadcast v2, $0x0  }
0xf2: {  	[tilespmem:s29], [sflag:$0x1] =	stream.indirect.gather [hbm4b:s1+s28], $0x80, s10, s28, $0xb8;
	[tilespmem:$0x1CC00] =	vst v63  }
0xf3: {  	_ =	swait.ge [sflag:s30], $0x4000  }
0xf4: {  	[sflag:s30] =	ssyncset.done $0x0  }
0xf5: {  	s17 =	simm.s32 $0xC40;
	[sflag:s30] =	ssyncadd.s32 $0xFFFFC000  }
0xf6: {  	v3 =	vld [tilespmem:s17+$0xFFFFFFC0]  }
0xf7: {  	v2 =	vld.idx.msk [tilespmem:v2+s26+$0x0], $0xffff;
	_ =	sdelay $0x4  }
0xf8: {  	v3 =	vmul.f32 v3, v2  }
0xf9: {  	s18 =	simm.s32 $0x4C40  }
0xfa: {  	[tilespmem:s18+$0xFFFFFFC0] =	vst v3  }
0xfb: {  	v3 =	vld [tilespmem:s17+$0xFFFFFFD0];
	_ =	sdelay $0x4  }
0xfc: {  	v3 =	vmul.f32 v3, v2;
	_ =	sdelay $0x1  }
0xfd: {  	[tilespmem:s18+$0xFFFFFFD0] =	vst v3  }
0xfe: {  	v3 =	vld [tilespmem:s17+$0xFFFFFFE0];
	_ =	sdelay $0x4  }
0xff: {  	v3 =	vmul.f32 v3, v2;
	_ =	sdelay $0x1  }
0x100: {  	[tilespmem:s18+$0xFFFFFFE0] =	vst v3  }
0x101: {  	v3 =	vld [tilespmem:s17+$0xFFFFFFF0];
	_ =	sdelay $0x4  }
0x102: {  	v3 =	vmul.f32 v3, v2;
	_ =	sdelay $0x1  }
0x103: {  	[tilespmem:s18+$0xFFFFFFF0] =	vst v3  }
0x104: {  	v3 =	vld [tilespmem:s17+$0x0];
	_ =	sdelay $0x4  }
0x105: {  	v3 =	vmul.f32 v3, v2;
	_ =	sdelay $0x1  }
0x106: {  	[tilespmem:s18+$0x0] =	vst v3  }
0x107: {  	v3 =	vld [tilespmem:s17+$0x10];
	_ =	sdelay $0x4  }
0x108: {  	v3 =	vmul.f32 v3, v2;
	_ =	sdelay $0x1  }
0x109: {  	[tilespmem:s18+$0x10] =	vst v3  }
0x10a: {  	v3 =	vld [tilespmem:s17+$0x20];
	_ =	sdelay $0x4  }
0x10b: {  	v4 =	vmul.f32 v3, v2  }
0x10c: {  	s19 =	simm.s32 $0x1  }
0x10d: {  	v3 =	vmov s19;
	s19 =	simm.s32 $0x2;
	[tilespmem:s18+$0x20] =	vst v4  }
.LBB2_6:
0x10e: {  	p1 =	sne.s32 s19, $0x7F;
	v3 =	vand.u32 $0x7F, v3;
	v4 =	vld [tilespmem:s17+$0x30]  }
0x10f: {  	v3 =	vadd.s32 v1, v3  }
0x110: {  	v3 =	vbroadcast v3, $0x0;
	_ =	sdelay $0x2  }
0x111: {  	v2 =	vmul.f32 v4, v2;
	_ =	sdelay $0x1  }
0x112: {  	[tilespmem:s18+$0x30] =	vst v2  }
0x113: {  	s17 =	sadd.s32 $0x80, s17;
	v2 =	vld.idx.msk [tilespmem:v3+s26+$0x0], $0xffff  }
0x114: {  	v3 =	vld [tilespmem:s17+$0xFFFFFFC0];
	_ =	sdelay $0x4  }
0x115: {  	v3 =	vmul.f32 v3, v2  }
0x116: {  	s18 =	sadd.s32 $0x80, s18  }
0x117: {  	[tilespmem:s18+$0xFFFFFFC0] =	vst v3  }
0x118: {  	v3 =	vld [tilespmem:s17+$0xFFFFFFD0];
	_ =	sdelay $0x4  }
0x119: {  	v3 =	vmul.f32 v3, v2;
	_ =	sdelay $0x1  }
0x11a: {  	[tilespmem:s18+$0xFFFFFFD0] =	vst v3  }
0x11b: {  	v3 =	vld [tilespmem:s17+$0xFFFFFFE0];
	_ =	sdelay $0x4  }
0x11c: {  	v3 =	vmul.f32 v3, v2;
	_ =	sdelay $0x1  }
0x11d: {  	[tilespmem:s18+$0xFFFFFFE0] =	vst v3  }
0x11e: {  	v3 =	vld [tilespmem:s17+$0xFFFFFFF0];
	_ =	sdelay $0x4  }
0x11f: {  	v3 =	vmul.f32 v3, v2;
	_ =	sdelay $0x1  }
0x120: {  	[tilespmem:s18+$0xFFFFFFF0] =	vst v3  }
0x121: {  	v3 =	vld [tilespmem:s17+$0x0];
	_ =	sdelay $0x4  }
0x122: {  	v3 =	vmul.f32 v3, v2;
	_ =	sdelay $0x1  }
0x123: {  	[tilespmem:s18+$0x0] =	vst v3  }
0x124: {  	v3 =	vld [tilespmem:s17+$0x10];
	_ =	sdelay $0x4  }
0x125: {  	v3 =	vmul.f32 v3, v2;
	_ =	sdelay $0x1  }
0x126: {  	[tilespmem:s18+$0x10] =	vst v3  }
0x127: {  	v3 =	vld [tilespmem:s17+$0x20];
	_ =	sdelay $0x2  }
.Ltmp8:
0x128: {  	(pc) =	sbr.rel @p1 .LBB2_6-.Ltmp8, $3  }
0x129: {  	_ = 	snop  }
0x12a: {  	v4 =	vmul.f32 v3, v2;
	_ =	sdelay $0x1  }
0x12b: {  	v3 =	vmov s19;
	s19 =	sadd.s32 $0x1, s19;
	[tilespmem:s18+$0x20] =	vst v4  }
0x12c: {  	v3 =	vand.u32 $0x7F, v3;
	v4 =	vld [tilespmem:s17+$0x30]  }
0x12d: {  	v1 =	vadd.s32 v1, v3  }
0x12e: {  	v1 =	vbroadcast v1, $0x0;
	_ =	sdelay $0x2  }
0x12f: {  	v2 =	vmul.f32 v4, v2;
	_ =	sdelay $0x1  }
0x130: {  	[tilespmem:s18+$0x30] =	vst v2  }
0x131: {  	s17 =	sadd.s32 $0x80, s17;
	v1 =	vld.idx.msk [tilespmem:v1+s26+$0x0], $0xffff  }
0x132: {  	v2 =	vld [tilespmem:s17+$0xFFFFFFC0];
	_ =	sdelay $0x4  }
0x133: {  	v2 =	vmul.f32 v2, v1  }
0x134: {  	s19 =	sadd.s32 $0x80, s18  }
0x135: {  	[tilespmem:s19+$0xFFFFFFC0] =	vst v2  }
0x136: {  	v2 =	vld [tilespmem:s17+$0xFFFFFFD0];
	_ =	sdelay $0x4  }
0x137: {  	v2 =	vmul.f32 v2, v1;
	_ =	sdelay $0x1  }
0x138: {  	[tilespmem:s19+$0xFFFFFFD0] =	vst v2  }
0x139: {  	v2 =	vld [tilespmem:s17+$0xFFFFFFE0];
	_ =	sdelay $0x4  }
0x13a: {  	v2 =	vmul.f32 v2, v1;
	_ =	sdelay $0x1  }
0x13b: {  	[tilespmem:s19+$0xFFFFFFE0] =	vst v2  }
0x13c: {  	v2 =	vld [tilespmem:s17+$0xFFFFFFF0];
	_ =	sdelay $0x4  }
0x13d: {  	v2 =	vmul.f32 v2, v1;
	_ =	sdelay $0x1  }
0x13e: {  	[tilespmem:s19+$0xFFFFFFF0] =	vst v2  }
0x13f: {  	v2 =	vld [tilespmem:s17+$0x0];
	_ =	sdelay $0x4  }
0x140: {  	v2 =	vmul.f32 v2, v1;
	_ =	sdelay $0x1  }
0x141: {  	[tilespmem:s19+$0x0] =	vst v2  }
0x142: {  	v2 =	vld [tilespmem:s17+$0x10];
	_ =	sdelay $0x4  }
0x143: {  	v2 =	vmul.f32 v2, v1;
	_ =	sdelay $0x1  }
0x144: {  	[tilespmem:s19+$0x10] =	vst v2  }
0x145: {  	v2 =	vld [tilespmem:s17+$0x20];
	_ =	sdelay $0x4  }
0x146: {  	v2 =	vmul.f32 v2, v1;
	_ =	sdelay $0x1  }
0x147: {  	[tilespmem:s19+$0x20] =	vst v2  }
0x148: {  	v2 =	vld [tilespmem:s17+$0x30];
	_ =	sdelay $0x4  }
0x149: {  	s9 =	sadd.s32 $0x1, s9;
	v1 =	vmul.f32 v2, v1  }
0x14a: {  	p1 =	sne.s32 s9, $0x8  }
.Ltmp9:
0x14b: {  	s10 =	sadd.s32 $0x400, s10;
	[tilespmem:s19+$0x30] =	vst v1;
	(pc) =	sbr.rel @p1 .LBB2_5-.Ltmp9, $4  }
0x14c: {  	[spmem:s2] =	stream.indirect.scatter.add.f32 [tilespmem:s23], [sflag:$0x2], $0x80, s10, s28, $0xb8;
	[tilespmem:$0x1CC00] =	vst v63  }
0x14d: {  	_ =	swait.ge [sflag:s24], $0x4000  }
0x14e: {  	[sflag:s24] =	ssyncset.done $0x0  }
0x14f: {  	[sflag:s24] =	ssyncadd.s32 $0xFFFFC000  }
0x150: {  	s4 =	sadd.s32 $0x1, s4  }
0x151: {  	p1 =	seq.s32 s4, $0x15  }
.Ltmp10:
0x152: {  	_ = 	snop;
	(pc) =	sbr.rel @!p1 .LBB2_4-.Ltmp10, $1  }
0x153: {  	_ =	sdelay $0x3  }
.Ltmp11:
0x154: {  	(pc) =	sbr.rel .LBB2_16-.Ltmp11, $2  }
0x155: {  	_ =	sdelay $0x2  }
0x156: {  	s0 =	rddreg [dreg:$0x4]  }
.LBB2_17:
0x157: {  	_ =	sfence.sel $0x180000  }
0x158: {  	[bflag:$0x0] =	sbarrier.arrive $0xFFFF  }
0x159: {  	_ =	strace $0x9000004A  }
0x15a: {  	s0 =	stileid.u32;
	[bflag:$0x2] =	sbarrier.arrive $0xFFFF  }
0x15b: {  	p0 =	sne.s32 s0, $0x0;
	s0 =	rddreg [dreg:$0x3]  }
0x15c: {  	s0 =	sadd.s32 @!p0 $0x100000, s0  }
0x15d: {  	[sflag:s0] =	ssyncadd.tile.s32 @!p0 $0x1;
	_ =	shalt  }
.Lfunc_end2:
_tile_overlayer_lowered:
.L_overlay_start_2:
0x15e: {  	(tag) =	ssettag $0x2  }
0x15f: {  	s0 =	rddreg [dreg:$0x0];
	s2 =	stileid.u32  }
0x160: {  	s1 =	rddreg [dreg:$0x1];
	p0 =	sne.s32 s2, $0x0  }
0x161: {  	s3 =	rddreg [dreg:$0x2];
	[bflag:$0x3] =	sbarrier.arrive $0xFFFF;
	s2 =	simm.s32 @!p0 $0x1C02  }
0x162: {  	[timem:s3], [sflag:s2] =	dma.local @!p0 [hbm:s0], s1  }
0x163: {  	s0 =	simm.s32 @!p0 $0x2  }
0x164: {  	_ =	swait.ge @!p0 [sflag:s0], s1  }
0x165: {  	s1 =	ssub.s32 @!p0 $0x0, s1;
	[sflag:s0] =	ssyncset.done @!p0 $0x0  }
0x166: {  	[sflag:s0] =	ssyncadd.s32 @!p0 s1  }
0x167: {  	[bflag:$0x3] =	sbarrier.arrive $0xFFFF  }
0x168: {  	_ =	shalt  }

// kernel: kernel.14.cloned.1.call-start
scs
__scs_entry_jumppad:
0x0: {  	(pc) =	sbr.rel $0x88, $3  }
0x1: {  	(tag) =	ssettag $0x0;
	lr =	simm.s32 $0x1  }
0x2: {  	[smem:$0x3F9A] =	sst lr;
	_ =	strace $0xD0000000  }
0x3: {  	_ = 	snop  }
0x4: {  	_ = 	snop  }
0x5: {  	_ = 	snop  }
0x6: {  	_ = 	snop  }
0x7: {  	_ = 	snop  }
__scs_overlays_trampoline_lowered:
0x8: {  	[smem:$0x3FA9] =	sst s0  }
0x9: {  	[smem:$0x3FAA] =	sst s1  }
0xa: {  	[smem:$0x3FAB] =	sst s2  }
0xb: {  	[smem:$0x3FAC] =	sst s3  }
0xc: {  	[smem:$0x3FAD] =	sst s4  }
0xd: {  	[smem:$0x3FAE] =	sst s5  }
0xe: {  	[smem:$0x3FAF] =	sst s6  }
0xf: {  	[smem:$0x3FB0] =	sst s7  }
0x10: {  	[smem:$0x3FB1] =	sst s8  }
0x11: {  	[smem:$0x3FB2] =	sst s9;
	s0 =	simm.s32 @!p0 $0x0  }
0x12: {  	s1 =	sld [smem:$0x3F98];
	s0 =	simm.s32 @p0 $0x1  }
0x13: {  	[smem:$0x3FB3] =	sst s0;
	s0 =	simm.s32 @!p1 $0x0  }
0x14: {  	s2 =	sld [smem:$0x3F97];
	s0 =	simm.s32 @p1 $0x1  }
0x15: {  	[smem:$0x3FB4] =	sst s0;
	s0 =	simm.s32 @!p2 $0x0  }
0x16: {  	s3 =	sld [smem:$0x3FDB];
	s0 =	simm.s32 @p2 $0x1  }
0x17: {  	s4 =	simm.s32 $0x1BF5;
	[smem:$0x3FB6] =	sst s0  }
0x18: {  	s0 =	sld [smem:$0x3F99];
	_ =	swait.ge [sflag:s4], $0x0  }
0x19: {  	s7 =	sld [smem:$0x3F9A]  }
0x1a: {  	s8 =	sadd.s32 $0xFFFFE003, lr  }
0x1b: {  	s9 =	sadd.s32 $0xFFFFFEF7, lr;
	s5 =	simm.s32 $0xFFFFFFFF;
	p2 =	slt.u32 s8, $0xFFFFF086  }
0x1c: {  	p1 =	slt.u32 s9, $0xF7A;
	s5 =	simm.s32 @!p2 $0x0  }
0x1d: {  	s5 =	simm.s32 @p1 $0x1;
	p0 =	seq.s32 s7, s2  }
0x1e: {  	s7 =	smul.u32 @!p0 $0xF7A, s2;
	p2 =	seq.s32 @!p0 s5, $0x0  }
0x1f: {  	s9 =	smul.u32 $0xF7A, s1;
	s8 =	simm.s32 @!p0 $0x1BF5;
	p2 =	por !p2, p0  }
0x20: {  	[sflag:s8] =	ssyncset.s32 @!p0 $0xFFFFF086;
	s6 =	sadd.s32 @!p0 s3, s7;
	s7 =	simm.s32 @!p0 $0x108  }
0x21: {  	s3 =	sadd.s32 s3, s9;
	s6 =	sadd.s32 @!p0 $0x88, s6;
	s7 =	simm.s32 @p2 $0x1082  }
0x22: {  	[simem:s7], [sflag:s8] =	dma.local @!p0 [hbm:s6], $0xF7A  }
0x23: {  	s9 =	sor.u32 $0xD0000000, s2;
	s6 =	simm.s32 $0x108;
	_ =	swait.ge @!p0 [sflag:s8], $0x0  }
0x24: {  	s3 =	sadd.s32 $0x88, s3;
	s6 =	simm.s32 @!p1 $0x1082;
	[sflag:s4] =	ssyncset.s32 $0xFFFFF086  }
0x25: {  	[simem:s6], [sflag:s4] =	dma.local [hbm:s3], $0xF7A  }
0x26: {  	[smem:$0x3F9A] =	sst s1;
	(tag) =	ssettag s2;
	_ =	strace s9  }
0x27: {  	s1 =	sld [smem:$0x3FAA]  }
0x28: {  	s2 =	sld [smem:$0x3FAB]  }
0x29: {  	s4 =	sld [smem:$0x3FAD]  }
0x2a: {  	p0 =	seq.s32 s5, $0x0;
	s5 =	sld [smem:$0x3FAE]  }
0x2b: {  	s6 =	sld [smem:$0x3FAF]  }
0x2c: {  	s7 =	sld [smem:$0x3FB0]  }
0x2d: {  	s3 =	simm.s32 $0x108;
	s8 =	sld [smem:$0x3FB1]  }
0x2e: {  	s3 =	simm.s32 @!p0 $0x1082;
	s9 =	sld [smem:$0x3FB2]  }
0x2f: {  	lr =	sadd.s32 s0, s3;
	s0 =	sld [smem:$0x3FA9]  }
0x30: {  	s3 =	sld [smem:$0x3FAC]  }
0x31: {  	[smem:$0x3FB5] =	sst s10  }
0x32: {  	s10 =	sld [smem:$0x3FB3];
	_ =	sdelay $0x3  }
0x33: {  	p0 =	seq.s32 s10, $0x1;
	s10 =	sld [smem:$0x3FB5];
	_ =	sdelay $0x3  }
0x34: {  	[smem:$0x3FB5] =	sst s10  }
0x35: {  	s10 =	sld [smem:$0x3FB4];
	_ =	sdelay $0x3  }
0x36: {  	p1 =	seq.s32 s10, $0x1;
	s10 =	sld [smem:$0x3FB5];
	_ =	sdelay $0x3  }
0x37: {  	[smem:$0x3FB5] =	sst s10  }
0x38: {  	s10 =	sld [smem:$0x3FB6]  }
0x39: {  	_ = 	snop;
	(pc) =	sbr.ind lr, $3  }
0x3a: {  	_ = 	snop  }
0x3b: {  	_ = 	snop  }
0x3c: {  	p2 =	seq.s32 s10, $0x1;
	s10 =	sld [smem:$0x3FB5]  }
0x3d: {  	_ =	shalt  }
0x3e: {  	_ =	shalt  }
0x3f: {  	_ =	shalt  }
0x40: {  	_ =	shalt  }
0x41: {  	_ =	shalt  }
0x42: {  	_ =	shalt  }
0x43: {  	_ =	shalt  }
0x44: {  	_ =	shalt  }
0x45: {  	_ =	shalt  }
0x46: {  	_ =	shalt  }
0x47: {  	_ =	shalt  }
0x48: {  	_ =	shalt  }
0x49: {  	_ =	shalt  }
0x4a: {  	_ =	shalt  }
0x4b: {  	_ =	shalt  }
0x4c: {  	_ =	shalt  }
0x4d: {  	_ =	shalt  }
0x4e: {  	_ =	shalt  }
0x4f: {  	_ =	shalt  }
0x50: {  	_ =	shalt  }
0x51: {  	_ =	shalt  }
0x52: {  	_ =	shalt  }
0x53: {  	_ =	shalt  }
0x54: {  	_ =	shalt  }
0x55: {  	_ =	shalt  }
0x56: {  	_ =	shalt  }
0x57: {  	_ =	shalt  }
0x58: {  	_ =	shalt  }
0x59: {  	_ =	shalt  }
0x5a: {  	_ =	shalt  }
0x5b: {  	_ =	shalt  }
0x5c: {  	_ =	shalt  }
0x5d: {  	_ =	shalt  }
0x5e: {  	_ =	shalt  }
0x5f: {  	_ =	shalt  }
0x60: {  	_ =	shalt  }
0x61: {  	_ =	shalt  }
0x62: {  	_ =	shalt  }
0x63: {  	_ =	shalt  }
0x64: {  	_ =	shalt  }
0x65: {  	_ =	shalt  }
0x66: {  	_ =	shalt  }
0x67: {  	_ =	shalt  }
0x68: {  	_ =	shalt  }
0x69: {  	_ =	shalt  }
0x6a: {  	_ =	shalt  }
0x6b: {  	_ =	shalt  }
0x6c: {  	_ =	shalt  }
0x6d: {  	_ =	shalt  }
0x6e: {  	_ =	shalt  }
0x6f: {  	_ =	shalt  }
0x70: {  	_ =	shalt  }
0x71: {  	_ =	shalt  }
0x72: {  	_ =	shalt  }
0x73: {  	_ =	shalt  }
0x74: {  	_ =	shalt  }
0x75: {  	_ =	shalt  }
0x76: {  	_ =	shalt  }
0x77: {  	_ =	shalt  }
0x78: {  	_ =	shalt  }
0x79: {  	_ =	shalt  }
0x7a: {  	_ =	shalt  }
0x7b: {  	_ =	shalt  }
0x7c: {  	_ =	shalt  }
0x7d: {  	_ =	shalt  }
0x7e: {  	_ =	shalt  }
0x7f: {  	_ =	shalt  }
0x80: {  	_ =	shalt  }
0x81: {  	_ =	shalt  }
0x82: {  	_ =	shalt  }
0x83: {  	_ =	shalt  }
0x84: {  	_ =	shalt  }
0x85: {  	_ =	shalt  }
0x86: {  	_ =	shalt  }
0x87: {  	_ =	shalt  }
.Lfunc_end0:
.L_simem_size_0:
called_computation.2_lowered:
.L_overlay_start_0:
0x88: {  	s2 =	sld [smem:$0x3FD9]  }
0x89: {  	s3 =	sld [smem:$0x3FFE];
	_ =	sdelay $0x1  }
0x8a: {  	s1 =	srdreg.scid  }
0x8b: {  	s0 =	sand.u32 $0x1, s1  }
0x8c: {  	s17 =	sshll.u32 s0, $0xA;
	s2 =	sadd.s32 s3, s2  }
0x8d: {  	s2 =	sadd.s32 s2, s17  }
0x8e: {  	[smem:$0x3FC1] =	sst s2  }
0x8f: {  	_ = 	snop  }
0x90: {  	s2 =	sld [smem:$0x3FD0];
	(tm) =	ssettm $0x1  }
0x91: {  	s18 =	sld [smem:$0x3FFB];
	_ =	sdelay $0x3  }
0x92: {  	_ =	strace s18  }
0x93: {  	s3 =	sld [smem:$0x3FFC];
	_ =	sdelay $0x3  }
0x94: {  	_ =	strace s3  }
0x95: {  	s3 =	sld [smem:$0x3FFD];
	_ =	sdelay $0x3  }
0x96: {  	_ =	strace s3  }
0x97: {  	_ =	strace $0x8FFFFFFF  }
0x98: {  	s19 =	sld [smem:$0x3FDB];
	_ =	sdelay $0x1  }
0x99: {  	s4 =	simm.s32 $_scs_section_size  }
0x9a: {  	s5 =	simm.s32 $_size__tile_overlayer_lowered;
	s6 =	simm.s32 $_tile_overlayer_lowered  }
0x9b: {  	s22 =	simm.s32 $0x1BFF;
	s21 =	sshll.u32 s6, $0x1;
	s3 =	sadd.s32 s4, s19  }
0x9c: {  	s7 =	simm.s32 $0x0;
	s20 =	sshll.u32 s5, $0x1;
	s5 =	sadd.s32 s21, s3  }
0x9d: {  	[timem:s7], [sflag:s22] =	dma.local [hbm:s5], s20  }
0x9e: {  	_ =	swait.ge [sflag:s22], s20  }
0x9f: {  	s4 =	ssub.s32 $0x0, s20;
	[sflag:s22] =	ssyncset.done $0x0  }
0xa0: {  	[sflag:s22] =	ssyncadd.s32 s4;
	_ =	sdelay $0x1  }
0xa1: {  	s23 =	simm.s32 $0x1B8B  }
0xa2: {  	_ =	swait.ge [sflag:s23], $0x1  }
0xa3: {  	[sflag:s23] =	ssyncset.done $0x0  }
0xa4: {  	s25 =	simm.s32 $0x1B8E;
	s24 =	sld [smem:$0x3FFE];
	[sflag:s23] =	ssyncadd.s32 $0xFFFFFFFF  }
0xa5: {  	s26 =	simm.s32 $execute0_lowered;
	[smem:$0x3FD2] =	sst s25  }
0xa6: {  	s5 =	sshll.u32 s26, $0x1;
	_ =	strace $0x8000004C;
	[dreg:$0x1] =	wrdreg $0xFFFFFFFF  }
0xa7: {  	s28 =	simm.s32 $_size_execute0_lowered;
	s3 =	sadd.s32 s3, s5;
	[dreg:$0x0] =	wrdreg $0x0  }
0xa8: {  	s5 =	sshll.u32 s28, $0x1;
	[dreg:$0x2] =	wrdreg s3  }
0xa9: {  	[dreg:$0x3] =	wrdreg s5  }
0xaa: {  	[dreg:$0x4] =	wrdreg $0xC0  }
0xab: {  	_ =	task [dreg:s7], $0x5FFFF  }
0xac: {  	[dreg:$0x1] =	wrdreg $0xFFFFFFFF  }
0xad: {  	[dreg:$0x0] =	wrdreg $0x60  }
0xae: {  	[dreg:$0x2] =	wrdreg s24  }
0xaf: {  	[dreg:$0x3] =	wrdreg s2  }
0xb0: {  	[dreg:$0x4] =	wrdreg $0x8C000  }
0xb1: {  	[dreg:$0x5] =	wrdreg $0x9  }
0xb2: {  	_ =	task.clear_ibuf [dreg:s7], $0x6FFFF;
	_ =	strace $0x9000004C  }
0xb3: {  	s29 =	simm.s32 $0x9;
	_ =	strace $0x8000004E  }
0xb4: {  	_ =	swait.ge [sflag:s29], $0x1  }
0xb5: {  	[sflag:s29] =	ssyncadd.s32 $0xFFFFFFFF  }
0xb6: {  	_ =	strace $0x9000004E  }
0xb7: {  	_ =	sfence  }
0xb8: {  	s30 =	sld [smem:$0x0];
	_ =	sdelay $0x2  }
0xb9: {  	s31 =	sshll.u32 s1, $0xD;
	s1 =	sshrl.u32 s1, $0x2  }
0xba: {  	s3 =	sand.u32 $0x4000, s31;
	s1 =	sadd.s32 s1, s30  }
0xbb: {  	s0 =	sor.u32 s3, s0;
	s1 =	sshll.u32 s1, $0x11  }
0xbc: {  	s0 =	sor.u32 s1, s0  }
0xbd: {  	s0 =	sadd.s32 $0x8F2B, s0  }
0xbe: {  	[sflag:s0] =	ssyncadd.remote.s32 $0x1  }
0xbf: {  	_ =	sfence.sel $0xFFFF  }
0xc0: {  	[dreg:$0x0] =	wrdreg $0xFFFFFFFF;
	(pc) =	sbr.abs _section_cstart, $3  }
0xc1: {  	[dreg:$0x1] =	wrdreg $0xFFFFFFFF  }
0xc2: {  	_ =	task.clear_ibuf [dreg:s7], $0x2FFFF;
	_ =	strace $0x9FFFFFFF  }
0xc3: {  	(tm) =	ssettm $0x7FFFFFFF  }
tec
execute0_lowered:
.L_overlay_start_1:
0x0: {  	(tag) =	ssettag $0x1  }
0x1: {  	s0 =	rddreg [dreg:$0x0]  }
0x2: {  	s1 =	rddreg [dreg:$0x1]  }
0x3: {  	s2 =	rddreg [dreg:$0x2];
	s3 =	simm.s32 $0x0;
	s4 =	srdreg.scid  }
0x4: {  	s19 =	stileid.u32;
	s28 =	simm.s32 $0x80;
	s29 =	simm.s32 $0xC00  }
0x5: {  	s30 =	simm.s32 $0x1;
	s31 =	simm.s32 $0x0;
	[smem:$0x7FF] =	sst s3  }
0x6: {  	s5 =	sadd.s32 $0x18200, s0;
	s6 =	sadd.s32 $0xDA00, s0;
	s7 =	sadd.s32 $0x3200, s0  }
0x7: {  	s8 =	sadd.s32 $0x22A00, s0;
	s4 =	sand.u32 $0x1, s4;
	s9 =	smul.u32 $0x280, s19  }
0x8: {  	s10 =	sadd.s32 $0x4AA00, s0;
	s11 =	smul.u32 $0x50000, s19;
	s0 =	sadd.s32 $0x72A00, s0  }
0x9: {  	s16 =	smul.u32 $0x15, s19;
	_ =	strace $0x8000004D;
	[dreg:$0x4] =	wrdreg s10  }
0xa: {  	s24 =	smul.u32 $0x2800, s19;
	s20 =	ssub.s32 $0x2, s4;
	[dreg:$0x5] =	wrdreg s0  }
0xb: {  	p0 =	seq.s32 s4, $0x1;
	s21 =	sshrl.u32 s20, $0x1;
	s17 =	sadd.s32 $0x80, s9  }
0xc: {  	s22 =	sshrl.u32 s11, $0x2;
	s23 =	sadd.s32 $0x100, s9;
	s18 =	sadd.s32 $0x180, s9  }
0xd: {  	s9 =	sadd.s32 $0x200, s9;
	[dreg:$0x6] =	wrdreg s24;
	s24 =	simm.s32 $0x2  }
0xe: {  	s0 =	ssub.s32 s20, s21;
	s12 =	sshll.u32 s17, $0x7;
	s11 =	sadd.s32 s22, s2  }
0xf: {  	s13 =	sshll.u32 s23, $0x7;
	s14 =	sshll.u32 s18, $0x7;
	s15 =	sshll.u32 s9, $0x7  }
.Ltmp0:
0x10: {  	s25 =	sshll.u32 s17, $0x4;
	s26 =	sshll.u32 s23, $0x4;
	(pc) =	sbr.rel .LBB2_1-.Ltmp0, $4  }
0x11: {  	s20 =	sshll.u32 s18, $0x4;
	s21 =	sshll.u32 s9, $0x4;
	s23 =	simm.s32 $0x4C00  }
0x12: {  	s12 =	sadd.s32 s12, s2;
	s13 =	sadd.s32 s13, s2;
	[dreg:$0x7] =	wrdreg s25  }
0x13: {  	s14 =	sadd.s32 s14, s2;
	s15 =	sadd.s32 s15, s2;
	[dreg:$0x8] =	wrdreg s26  }
0x14: {  	v0 =	vimm.f32 $0.0e+00;
	s22 =	smax.u32 s0, $0x1;
	s25 =	simm.s32 $0x400;
	s26 =	simm.s32 $0x800  }
.LBB2_16:
0x15: {  	[bflag:$0x0] =	sbarrier.arrive $0xFFFF  }
0x16: {  	[tilespmem:s29], [sflag:$0x2] =	stream.linear.gather [spmem:s11], $0x4000, $0x38;
	[tilespmem:$0x1CC00] =	vst v63  }
0x17: {  	_ =	swait.ge [sflag:s24], $0x4000  }
0x18: {  	[sflag:s24] =	ssyncset.done $0x0;
	s4 =	rddreg [dreg:$0x6]  }
0x19: {  	s4 =	sadd.s32 s0, s4;
	[sflag:s24] =	ssyncadd.s32 $0xFFFFC000  }
0x1a: {  	[hbm4b:s4+s3] =	stream.linear.scatter [tilespmem:s29], [sflag:$0x2], $0x4000, $0x38;
	[tilespmem:$0x1CC00] =	vst v63  }
0x1b: {  	_ =	swait.ge [sflag:s24], $0x4000  }
0x1c: {  	[sflag:s24] =	ssyncset.done $0x0  }
0x1d: {  	[sflag:s24] =	ssyncadd.s32 $0xFFFFC000  }
0x1e: {  	[tilespmem:s29], [sflag:$0x2] =	stream.linear.gather [spmem:s12], $0x4000, $0x38;
	[tilespmem:$0x1CC00] =	vst v63  }
0x1f: {  	_ =	swait.ge [sflag:s24], $0x4000  }
0x20: {  	[sflag:s24] =	ssyncset.done $0x0;
	s10 =	rddreg [dreg:$0x7]  }
0x21: {  	s4 =	sadd.s32 s0, s10;
	[sflag:s24] =	ssyncadd.s32 $0xFFFFC000  }
0x22: {  	[hbm4b:s4+s3] =	stream.linear.scatter [tilespmem:s29], [sflag:$0x2], $0x4000, $0x38;
	[tilespmem:$0x1CC00] =	vst v63  }
0x23: {  	_ =	swait.ge [sflag:s24], $0x4000  }
0x24: {  	[sflag:s24] =	ssyncset.done $0x0  }
0x25: {  	[sflag:s24] =	ssyncadd.s32 $0xFFFFC000  }
0x26: {  	[tilespmem:s29], [sflag:$0x2] =	stream.linear.gather [spmem:s13], $0x4000, $0x38;
	[tilespmem:$0x1CC00] =	vst v63  }
0x27: {  	_ =	swait.ge [sflag:s24], $0x4000  }
0x28: {  	[sflag:s24] =	ssyncset.done $0x0;
	s17 =	rddreg [dreg:$0x8]  }
0x29: {  	s4 =	sadd.s32 s0, s17;
	[sflag:s24] =	ssyncadd.s32 $0xFFFFC000  }
0x2a: {  	[hbm4b:s4+s3] =	stream.linear.scatter [tilespmem:s29], [sflag:$0x2], $0x4000, $0x38;
	[tilespmem:$0x1CC00] =	vst v63  }
0x2b: {  	_ =	swait.ge [sflag:s24], $0x4000  }
0x2c: {  	[sflag:s24] =	ssyncset.done $0x0  }
0x2d: {  	[sflag:s24] =	ssyncadd.s32 $0xFFFFC000  }
0x2e: {  	[tilespmem:s29], [sflag:$0x2] =	stream.linear.gather [spmem:s14], $0x4000, $0x38;
	[tilespmem:$0x1CC00] =	vst v63  }
0x2f: {  	_ =	swait.ge [sflag:s24], $0x4000  }
0x30: {  	[sflag:s24] =	ssyncset.done $0x0  }
0x31: {  	s18 =	sadd.s32 s0, s20;
	[sflag:s24] =	ssyncadd.s32 $0xFFFFC000  }
0x32: {  	[hbm4b:s18+s3] =	stream.linear.scatter [tilespmem:s29], [sflag:$0x2], $0x4000, $0x38;
	[tilespmem:$0x1CC00] =	vst v63  }
0x33: {  	_ =	swait.ge [sflag:s24], $0x4000  }
0x34: {  	[sflag:s24] =	ssyncset.done $0x0  }
0x35: {  	[sflag:s24] =	ssyncadd.s32 $0xFFFFC000  }
0x36: {  	[tilespmem:s29], [sflag:$0x2] =	stream.linear.gather [spmem:s15], $0x4000, $0x38;
	[tilespmem:$0x1CC00] =	vst v63  }
0x37: {  	s31 =	sadd.s32 $0x1, s31;
	_ =	swait.ge [sflag:s24], $0x4000  }
0x38: {  	p1 =	sne.s32 s31, s22;
	[sflag:s24] =	ssyncset.done $0x0  }
.Ltmp1:
0x39: {  	s19 =	sadd.s32 s0, s21;
	[sflag:s24] =	ssyncadd.s32 $0xFFFFC000;
	(pc) =	sbr.rel @!p1 .LBB2_17-.Ltmp1, $4  }
0x3a: {  	[hbm4b:s19+s3] =	stream.linear.scatter [tilespmem:s29], [sflag:$0x2], $0x4000, $0x38;
	[tilespmem:$0x1CC00] =	vst v63  }
0x3b: {  	_ =	swait.ge [sflag:s24], $0x4000  }
0x3c: {  	[sflag:s24] =	ssyncset.done $0x0  }
0x3d: {  	[sflag:s24] =	ssyncadd.s32 $0xFFFFC000  }
.LBB2_1:
0x3e: {  	s0 =	simm.s32 $0x0;
	s4 =	simm.s32 $0x200  }
.LBB2_2:
0x3f: {  	p1 =	sne.s32 s4, $0xFE00;
	[tilespmem:s0+$0x4C70] =	vst v0  }
0x40: {  	[tilespmem:s0+$0x4C00] =	vst v0  }
0x41: {  	[tilespmem:s0+$0x4C10] =	vst v0  }
.Ltmp2:
0x42: {  	[tilespmem:s0+$0x4C20] =	vst v0;
	(pc) =	sbr.rel @p1 .LBB2_2-.Ltmp2, $4  }
0x43: {  	[tilespmem:s0+$0x4C30] =	vst v0  }
0x44: {  	[tilespmem:s0+$0x4C40] =	vst v0  }
0x45: {  	[tilespmem:s0+$0x4C50] =	vst v0  }
0x46: {  	[tilespmem:s0+$0x4C60] =	vst v0;
	s0 =	sshra.s32 s4, $0x2;
	s4 =	sadd.s32 $0x200, s4  }
0x47: {  	[tilespmem:s0+$0x4C70] =	vst v0  }
0x48: {  	[tilespmem:s0+$0x4C00] =	vst v0  }
0x49: {  	[tilespmem:s0+$0x4C10] =	vst v0  }
0x4a: {  	[tilespmem:s0+$0x4C20] =	vst v0  }
0x4b: {  	[tilespmem:s0+$0x4C30] =	vst v0  }
0x4c: {  	[tilespmem:s0+$0x4C40] =	vst v0  }
0x4d: {  	[tilespmem:s0+$0x4C50] =	vst v0  }
0x4e: {  	[tilespmem:s0+$0x4C60] =	vst v0  }
0x4f: {  	[spmem:s11] =	stream.linear.scatter [tilespmem:s23], [sflag:$0x2], $0x4000, $0x38;
	[tilespmem:$0x1CC00] =	vst v63  }
0x50: {  	_ =	swait.ge [sflag:s24], $0x4000  }
0x51: {  	[sflag:s24] =	ssyncset.done $0x0  }
0x52: {  	[sflag:s24] =	ssyncadd.s32 $0xFFFFC000  }
0x53: {  	[spmem:s12] =	stream.linear.scatter [tilespmem:s23], [sflag:$0x2], $0x4000, $0x38;
	[tilespmem:$0x1CC00] =	vst v63  }
0x54: {  	_ =	swait.ge [sflag:s24], $0x4000  }
0x55: {  	[sflag:s24] =	ssyncset.done $0x0  }
0x56: {  	[sflag:s24] =	ssyncadd.s32 $0xFFFFC000  }
0x57: {  	[spmem:s13] =	stream.linear.scatter [tilespmem:s23], [sflag:$0x2], $0x4000, $0x38;
	[tilespmem:$0x1CC00] =	vst v63  }
0x58: {  	_ =	swait.ge [sflag:s24], $0x4000  }
0x59: {  	[sflag:s24] =	ssyncset.done $0x0  }
0x5a: {  	[sflag:s24] =	ssyncadd.s32 $0xFFFFC000  }
0x5b: {  	[spmem:s14] =	stream.linear.scatter [tilespmem:s23], [sflag:$0x2], $0x4000, $0x38;
	[tilespmem:$0x1CC00] =	vst v63  }
0x5c: {  	_ =	swait.ge [sflag:s24], $0x4000  }
0x5d: {  	[sflag:s24] =	ssyncset.done $0x0  }
0x5e: {  	[sflag:s24] =	ssyncadd.s32 $0xFFFFC000  }
0x5f: {  	[spmem:s15] =	stream.linear.scatter [tilespmem:s23], [sflag:$0x2], $0x4000, $0x38;
	[tilespmem:$0x1CC00] =	vst v63  }
.Ltmp3:
0x60: {  	_ =	swait.ge [sflag:s24], $0x4000;
	(pc) =	sbr.rel @!p0 .LBB2_4-.Ltmp3, $4  }
0x61: {  	[sflag:s24] =	ssyncset.done $0x0  }
0x62: {  	[sflag:s24] =	ssyncadd.s32 $0xFFFFC000  }
0x63: {  	[bflag:$0x0] =	sbarrier.arrive $0xFFFF  }
0x64: {  	s0 =	simm.s32 $0x0;
	s4 =	simm.s32 $0x0;
	s9 =	simm.s32 $0x0  }
.LBB2_10:
0x65: {  	s4 =	sadd.s32 s16, s9  }
0x66: {  	s4 =	sshll.u32 s4, $0x7  }
0x67: {  	s10 =	sadd.s32 s5, s4  }
0x68: {  	[tilespmem:s0], [sflag:$0x2] =	stream.linear.gather [hbm4b:s10+s0], $0x400, $0x38;
	[tilespmem:$0x1CC00] =	vst v63  }
0x69: {  	_ =	swait.ge [sflag:s24], $0x400  }
0x6a: {  	[sflag:s24] =	ssyncset.done $0x0  }
0x6b: {  	s19 =	sadd.s32 s6, s4;
	[sflag:s24] =	ssyncadd.s32 $0xFFFFFC00  }
0x6c: {  	[tilespmem:s25], [sflag:$0x2] =	stream.linear.gather [hbm4b:s19+s0], $0x400, $0x38;
	[tilespmem:$0x1CC00] =	vst v63  }
0x6d: {  	_ =	swait.ge [sflag:s24], $0x400  }
0x6e: {  	[sflag:s24] =	ssyncset.done $0x0  }
0x6f: {  	s4 =	sadd.s32 s7, s4;
	[sflag:s24] =	ssyncadd.s32 $0xFFFFFC00  }
0x70: {  	[tilespmem:s26], [sflag:$0x2] =	stream.linear.gather [hbm4b:s4+s0], $0x400, $0x38;
	[tilespmem:$0x1CC00] =	vst v63  }
0x71: {  	_ =	swait.ge [sflag:s24], $0x400  }
0x72: {  	[sflag:s24] =	ssyncset.done $0x0  }
0x73: {  	s4 =	simm.s32 $0x0;
	[sflag:s24] =	ssyncadd.s32 $0xFFFFFC00  }
.LBB2_11:
0x74: {  	s17 =	simm.s32 $0x0  }
0x75: {  	s10 =	sshll.u32 s4, $0x7;
	v2 =	vmov s17  }
0x76: {  	v1 =	vmov s10;
	v2 =	vand.u32 $0x7F, v2  }
0x77: {  	v2 =	vadd.s32 v1, v2  }
0x78: {  	v2 =	vbroadcast v2, $0x0  }
0x79: {  	[tilespmem:s29], [sflag:$0x1] =	stream.indirect.gather [hbm4b:s8+s28], $0x80, s10, s28, $0xb8;
	[tilespmem:$0x1CC00] =	vst v63  }
0x7a: {  	_ =	swait.ge [sflag:s30], $0x4000  }
0x7b: {  	[sflag:s30] =	ssyncset.done $0x0  }
0x7c: {  	s17 =	simm.s32 $0xC40;
	[sflag:s30] =	ssyncadd.s32 $0xFFFFC000  }
0x7d: {  	v3 =	vld [tilespmem:s17+$0xFFFFFFC0]  }
0x7e: {  	v2 =	vld.idx.msk [tilespmem:v2+s26+$0x0], $0xffff;
	_ =	sdelay $0x4  }
0x7f: {  	v3 =	vmul.f32 v3, v2  }
0x80: {  	s18 =	simm.s32 $0x4C40  }
0x81: {  	[tilespmem:s18+$0xFFFFFFC0] =	vst v3  }
0x82: {  	v3 =	vld [tilespmem:s17+$0xFFFFFFD0];
	_ =	sdelay $0x4  }
0x83: {  	v3 =	vmul.f32 v3, v2;
	_ =	sdelay $0x1  }
0x84: {  	[tilespmem:s18+$0xFFFFFFD0] =	vst v3  }
0x85: {  	v3 =	vld [tilespmem:s17+$0xFFFFFFE0];
	_ =	sdelay $0x4  }
0x86: {  	v3 =	vmul.f32 v3, v2;
	_ =	sdelay $0x1  }
0x87: {  	[tilespmem:s18+$0xFFFFFFE0] =	vst v3  }
0x88: {  	v3 =	vld [tilespmem:s17+$0xFFFFFFF0];
	_ =	sdelay $0x4  }
0x89: {  	v3 =	vmul.f32 v3, v2;
	_ =	sdelay $0x1  }
0x8a: {  	[tilespmem:s18+$0xFFFFFFF0] =	vst v3  }
0x8b: {  	v3 =	vld [tilespmem:s17+$0x0];
	_ =	sdelay $0x4  }
0x8c: {  	v3 =	vmul.f32 v3, v2;
	_ =	sdelay $0x1  }
0x8d: {  	[tilespmem:s18+$0x0] =	vst v3  }
0x8e: {  	v3 =	vld [tilespmem:s17+$0x10];
	_ =	sdelay $0x4  }
0x8f: {  	v3 =	vmul.f32 v3, v2;
	_ =	sdelay $0x1  }
0x90: {  	[tilespmem:s18+$0x10] =	vst v3  }
0x91: {  	v3 =	vld [tilespmem:s17+$0x20];
	_ =	sdelay $0x4  }
0x92: {  	v4 =	vmul.f32 v3, v2  }
0x93: {  	s19 =	simm.s32 $0x1  }
0x94: {  	v3 =	vmov s19;
	s19 =	simm.s32 $0x2;
	[tilespmem:s18+$0x20] =	vst v4  }
.LBB2_12:
0x95: {  	p1 =	sne.s32 s19, $0x7F;
	v3 =	vand.u32 $0x7F, v3;
	v4 =	vld [tilespmem:s17+$0x30]  }
0x96: {  	v3 =	vadd.s32 v1, v3  }
0x97: {  	v3 =	vbroadcast v3, $0x0;
	_ =	sdelay $0x2  }
0x98: {  	v2 =	vmul.f32 v4, v2;
	_ =	sdelay $0x1  }
0x99: {  	[tilespmem:s18+$0x30] =	vst v2  }
0x9a: {  	s17 =	sadd.s32 $0x80, s17;
	v2 =	vld.idx.msk [tilespmem:v3+s26+$0x0], $0xffff  }
0x9b: {  	v3 =	vld [tilespmem:s17+$0xFFFFFFC0];
	_ =	sdelay $0x4  }
0x9c: {  	v3 =	vmul.f32 v3, v2  }
0x9d: {  	s18 =	sadd.s32 $0x80, s18  }
0x9e: {  	[tilespmem:s18+$0xFFFFFFC0] =	vst v3  }
0x9f: {  	v3 =	vld [tilespmem:s17+$0xFFFFFFD0];
	_ =	sdelay $0x4  }
0xa0: {  	v3 =	vmul.f32 v3, v2;
	_ =	sdelay $0x1  }
0xa1: {  	[tilespmem:s18+$0xFFFFFFD0] =	vst v3  }
0xa2: {  	v3 =	vld [tilespmem:s17+$0xFFFFFFE0];
	_ =	sdelay $0x4  }
0xa3: {  	v3 =	vmul.f32 v3, v2;
	_ =	sdelay $0x1  }
0xa4: {  	[tilespmem:s18+$0xFFFFFFE0] =	vst v3  }
0xa5: {  	v3 =	vld [tilespmem:s17+$0xFFFFFFF0];
	_ =	sdelay $0x4  }
0xa6: {  	v3 =	vmul.f32 v3, v2;
	_ =	sdelay $0x1  }
0xa7: {  	[tilespmem:s18+$0xFFFFFFF0] =	vst v3  }
0xa8: {  	v3 =	vld [tilespmem:s17+$0x0];
	_ =	sdelay $0x4  }
0xa9: {  	v3 =	vmul.f32 v3, v2;
	_ =	sdelay $0x1  }
0xaa: {  	[tilespmem:s18+$0x0] =	vst v3  }
0xab: {  	v3 =	vld [tilespmem:s17+$0x10];
	_ =	sdelay $0x4  }
0xac: {  	v3 =	vmul.f32 v3, v2;
	_ =	sdelay $0x1  }
0xad: {  	[tilespmem:s18+$0x10] =	vst v3  }
0xae: {  	v3 =	vld [tilespmem:s17+$0x20];
	_ =	sdelay $0x2  }
.Ltmp4:
0xaf: {  	(pc) =	sbr.rel @p1 .LBB2_12-.Ltmp4, $3  }
0xb0: {  	_ = 	snop  }
0xb1: {  	v4 =	vmul.f32 v3, v2;
	_ =	sdelay $0x1  }
0xb2: {  	v3 =	vmov s19;
	s19 =	sadd.s32 $0x1, s19;
	[tilespmem:s18+$0x20] =	vst v4  }
0xb3: {  	v3 =	vand.u32 $0x7F, v3;
	v4 =	vld [tilespmem:s17+$0x30]  }
0xb4: {  	v1 =	vadd.s32 v1, v3  }
0xb5: {  	v1 =	vbroadcast v1, $0x0;
	_ =	sdelay $0x2  }
0xb6: {  	v2 =	vmul.f32 v4, v2;
	_ =	sdelay $0x1  }
0xb7: {  	[tilespmem:s18+$0x30] =	vst v2  }
0xb8: {  	s17 =	sadd.s32 $0x80, s17;
	v1 =	vld.idx.msk [tilespmem:v1+s26+$0x0], $0xffff  }
0xb9: {  	v2 =	vld [tilespmem:s17+$0xFFFFFFC0];
	_ =	sdelay $0x4  }
0xba: {  	v2 =	vmul.f32 v2, v1  }
0xbb: {  	s19 =	sadd.s32 $0x80, s18  }
0xbc: {  	[tilespmem:s19+$0xFFFFFFC0] =	vst v2  }
0xbd: {  	v2 =	vld [tilespmem:s17+$0xFFFFFFD0];
	_ =	sdelay $0x4  }
0xbe: {  	v2 =	vmul.f32 v2, v1;
	_ =	sdelay $0x1  }
0xbf: {  	[tilespmem:s19+$0xFFFFFFD0] =	vst v2  }
0xc0: {  	v2 =	vld [tilespmem:s17+$0xFFFFFFE0];
	_ =	sdelay $0x4  }
0xc1: {  	v2 =	vmul.f32 v2, v1;
	_ =	sdelay $0x1  }
0xc2: {  	[tilespmem:s19+$0xFFFFFFE0] =	vst v2  }
0xc3: {  	v2 =	vld [tilespmem:s17+$0xFFFFFFF0];
	_ =	sdelay $0x4  }
0xc4: {  	v2 =	vmul.f32 v2, v1;
	_ =	sdelay $0x1  }
0xc5: {  	[tilespmem:s19+$0xFFFFFFF0] =	vst v2  }
0xc6: {  	v2 =	vld [tilespmem:s17+$0x0];
	_ =	sdelay $0x4  }
0xc7: {  	v2 =	vmul.f32 v2, v1;
	_ =	sdelay $0x1  }
0xc8: {  	[tilespmem:s19+$0x0] =	vst v2  }
0xc9: {  	v2 =	vld [tilespmem:s17+$0x10];
	_ =	sdelay $0x4  }
0xca: {  	v2 =	vmul.f32 v2, v1;
	_ =	sdelay $0x1  }
0xcb: {  	[tilespmem:s19+$0x10] =	vst v2  }
0xcc: {  	v2 =	vld [tilespmem:s17+$0x20];
	_ =	sdelay $0x4  }
0xcd: {  	v2 =	vmul.f32 v2, v1;
	_ =	sdelay $0x1  }
0xce: {  	[tilespmem:s19+$0x20] =	vst v2  }
0xcf: {  	v2 =	vld [tilespmem:s17+$0x30];
	_ =	sdelay $0x4  }
0xd0: {  	s4 =	sadd.s32 $0x1, s4;
	v1 =	vmul.f32 v2, v1  }
0xd1: {  	p1 =	sne.s32 s4, $0x8  }
.Ltmp5:
0xd2: {  	s10 =	sadd.s32 $0x400, s10;
	[tilespmem:s19+$0x30] =	vst v1;
	(pc) =	sbr.rel @p1 .LBB2_11-.Ltmp5, $4  }
0xd3: {  	[spmem:s2] =	stream.indirect.scatter.add.f32 [tilespmem:s23], [sflag:$0x2], $0x80, s10, s28, $0xb8;
	[tilespmem:$0x1CC00] =	vst v63  }
0xd4: {  	_ =	swait.ge [sflag:s24], $0x4000  }
0xd5: {  	[sflag:s24] =	ssyncset.done $0x0  }
0xd6: {  	[sflag:s24] =	ssyncadd.s32 $0xFFFFC000  }
0xd7: {  	s9 =	sadd.s32 $0x1, s9  }
0xd8: {  	p1 =	sne.s32 s9, $0x15  }
.Ltmp6:
0xd9: {  	_ = 	snop;
	(pc) =	sbr.rel @p1 .LBB2_10-.Ltmp6, $1  }
0xda: {  	_ =	sdelay $0x3  }
.Ltmp7:
0xdb: {  	(pc) =	sbr.rel .LBB2_16-.Ltmp7, $2  }
0xdc: {  	_ =	sdelay $0x2  }
0xdd: {  	s0 =	rddreg [dreg:$0x5]  }
.LBB2_4:
0xde: {  	s9 =	sadd.s32 s16, s4  }
0xdf: {  	s9 =	sshll.u32 s9, $0x7  }
0xe0: {  	s10 =	sadd.s32 s5, s9  }
0xe1: {  	[tilespmem:s0], [sflag:$0x2] =	stream.linear.gather [hbm4b:s10+s0], $0x400, $0x38;
	[tilespmem:$0x1CC00] =	vst v63  }
0xe2: {  	_ =	swait.ge [sflag:s24], $0x400  }
0xe3: {  	[sflag:s24] =	ssyncset.done $0x0  }
0xe4: {  	s19 =	sadd.s32 s6, s9;
	[sflag:s24] =	ssyncadd.s32 $0xFFFFFC00  }
0xe5: {  	[tilespmem:s25], [sflag:$0x2] =	stream.linear.gather [hbm4b:s19+s0], $0x400, $0x38;
	[tilespmem:$0x1CC00] =	vst v63  }
0xe6: {  	_ =	swait.ge [sflag:s24], $0x400  }
0xe7: {  	[sflag:s24] =	ssyncset.done $0x0  }
0xe8: {  	s9 =	sadd.s32 s7, s9;
	[sflag:s24] =	ssyncadd.s32 $0xFFFFFC00  }
0xe9: {  	[tilespmem:s26], [sflag:$0x2] =	stream.linear.gather [hbm4b:s9+s0], $0x400, $0x38;
	[tilespmem:$0x1CC00] =	vst v63  }
0xea: {  	_ =	swait.ge [sflag:s24], $0x400  }
0xeb: {  	[sflag:s24] =	ssyncset.done $0x0  }
0xec: {  	s9 =	simm.s32 $0x0;
	[sflag:s24] =	ssyncadd.s32 $0xFFFFFC00  }
.LBB2_5:
0xed: {  	s17 =	simm.s32 $0x0  }
0xee: {  	s10 =	sshll.u32 s9, $0x7;
	v2 =	vmov s17  }
0xef: {  	v1 =	vmov s10;
	v2 =	vand.u32 $0x7F, v2  }
0xf0: {  	v2 =	vadd.s32 v1, v2  }
0xf1: {  	v2 =	vbroadcast v2, $0x0  }
0xf2: {  	[tilespmem:s29], [sflag:$0x1] =	stream.indirect.gather [hbm4b:s1+s28], $0x80, s10, s28, $0xb8;
	[tilespmem:$0x1CC00] =	vst v63  }
0xf3: {  	_ =	swait.ge [sflag:s30], $0x4000  }
0xf4: {  	[sflag:s30] =	ssyncset.done $0x0  }
0xf5: {  	s17 =	simm.s32 $0xC40;
	[sflag:s30] =	ssyncadd.s32 $0xFFFFC000  }
0xf6: {  	v3 =	vld [tilespmem:s17+$0xFFFFFFC0]  }
0xf7: {  	v2 =	vld.idx.msk [tilespmem:v2+s26+$0x0], $0xffff;
	_ =	sdelay $0x4  }
0xf8: {  	v3 =	vmul.f32 v3, v2  }
0xf9: {  	s18 =	simm.s32 $0x4C40  }
0xfa: {  	[tilespmem:s18+$0xFFFFFFC0] =	vst v3  }
0xfb: {  	v3 =	vld [tilespmem:s17+$0xFFFFFFD0];
	_ =	sdelay $0x4  }
0xfc: {  	v3 =	vmul.f32 v3, v2;
	_ =	sdelay $0x1  }
0xfd: {  	[tilespmem:s18+$0xFFFFFFD0] =	vst v3  }
0xfe: {  	v3 =	vld [tilespmem:s17+$0xFFFFFFE0];
	_ =	sdelay $0x4  }
0xff: {  	v3 =	vmul.f32 v3, v2;
	_ =	sdelay $0x1  }
0x100: {  	[tilespmem:s18+$0xFFFFFFE0] =	vst v3  }
0x101: {  	v3 =	vld [tilespmem:s17+$0xFFFFFFF0];
	_ =	sdelay $0x4  }
0x102: {  	v3 =	vmul.f32 v3, v2;
	_ =	sdelay $0x1  }
0x103: {  	[tilespmem:s18+$0xFFFFFFF0] =	vst v3  }
0x104: {  	v3 =	vld [tilespmem:s17+$0x0];
	_ =	sdelay $0x4  }
0x105: {  	v3 =	vmul.f32 v3, v2;
	_ =	sdelay $0x1  }
0x106: {  	[tilespmem:s18+$0x0] =	vst v3  }
0x107: {  	v3 =	vld [tilespmem:s17+$0x10];
	_ =	sdelay $0x4  }
0x108: {  	v3 =	vmul.f32 v3, v2;
	_ =	sdelay $0x1  }
0x109: {  	[tilespmem:s18+$0x10] =	vst v3  }
0x10a: {  	v3 =	vld [tilespmem:s17+$0x20];
	_ =	sdelay $0x4  }
0x10b: {  	v4 =	vmul.f32 v3, v2  }
0x10c: {  	s19 =	simm.s32 $0x1  }
0x10d: {  	v3 =	vmov s19;
	s19 =	simm.s32 $0x2;
	[tilespmem:s18+$0x20] =	vst v4  }
.LBB2_6:
0x10e: {  	p1 =	sne.s32 s19, $0x7F;
	v3 =	vand.u32 $0x7F, v3;
	v4 =	vld [tilespmem:s17+$0x30]  }
0x10f: {  	v3 =	vadd.s32 v1, v3  }
0x110: {  	v3 =	vbroadcast v3, $0x0;
	_ =	sdelay $0x2  }
0x111: {  	v2 =	vmul.f32 v4, v2;
	_ =	sdelay $0x1  }
0x112: {  	[tilespmem:s18+$0x30] =	vst v2  }
0x113: {  	s17 =	sadd.s32 $0x80, s17;
	v2 =	vld.idx.msk [tilespmem:v3+s26+$0x0], $0xffff  }
0x114: {  	v3 =	vld [tilespmem:s17+$0xFFFFFFC0];
	_ =	sdelay $0x4  }
0x115: {  	v3 =	vmul.f32 v3, v2  }
0x116: {  	s18 =	sadd.s32 $0x80, s18  }
0x117: {  	[tilespmem:s18+$0xFFFFFFC0] =	vst v3  }
0x118: {  	v3 =	vld [tilespmem:s17+$0xFFFFFFD0];
	_ =	sdelay $0x4  }
0x119: {  	v3 =	vmul.f32 v3, v2;
	_ =	sdelay $0x1  }
0x11a: {  	[tilespmem:s18+$0xFFFFFFD0] =	vst v3  }
0x11b: {  	v3 =	vld [tilespmem:s17+$0xFFFFFFE0];
	_ =	sdelay $0x4  }
0x11c: {  	v3 =	vmul.f32 v3, v2;
	_ =	sdelay $0x1  }
0x11d: {  	[tilespmem:s18+$0xFFFFFFE0] =	vst v3  }
0x11e: {  	v3 =	vld [tilespmem:s17+$0xFFFFFFF0];
	_ =	sdelay $0x4  }
0x11f: {  	v3 =	vmul.f32 v3, v2;
	_ =	sdelay $0x1  }
0x120: {  	[tilespmem:s18+$0xFFFFFFF0] =	vst v3  }
0x121: {  	v3 =	vld [tilespmem:s17+$0x0];
	_ =	sdelay $0x4  }
0x122: {  	v3 =	vmul.f32 v3, v2;
	_ =	sdelay $0x1  }
0x123: {  	[tilespmem:s18+$0x0] =	vst v3  }
0x124: {  	v3 =	vld [tilespmem:s17+$0x10];
	_ =	sdelay $0x4  }
0x125: {  	v3 =	vmul.f32 v3, v2;
	_ =	sdelay $0x1  }
0x126: {  	[tilespmem:s18+$0x10] =	vst v3  }
0x127: {  	v3 =	vld [tilespmem:s17+$0x20];
	_ =	sdelay $0x2  }
.Ltmp8:
0x128: {  	(pc) =	sbr.rel @p1 .LBB2_6-.Ltmp8, $3  }
0x129: {  	_ = 	snop  }
0x12a: {  	v4 =	vmul.f32 v3, v2;
	_ =	sdelay $0x1  }
0x12b: {  	v3 =	vmov s19;
	s19 =	sadd.s32 $0x1, s19;
	[tilespmem:s18+$0x20] =	vst v4  }
0x12c: {  	v3 =	vand.u32 $0x7F, v3;
	v4 =	vld [tilespmem:s17+$0x30]  }
0x12d: {  	v1 =	vadd.s32 v1, v3  }
0x12e: {  	v1 =	vbroadcast v1, $0x0;
	_ =	sdelay $0x2  }
0x12f: {  	v2 =	vmul.f32 v4, v2;
	_ =	sdelay $0x1  }
0x130: {  	[tilespmem:s18+$0x30] =	vst v2  }
0x131: {  	s17 =	sadd.s32 $0x80, s17;
	v1 =	vld.idx.msk [tilespmem:v1+s26+$0x0], $0xffff  }
0x132: {  	v2 =	vld [tilespmem:s17+$0xFFFFFFC0];
	_ =	sdelay $0x4  }
0x133: {  	v2 =	vmul.f32 v2, v1  }
0x134: {  	s19 =	sadd.s32 $0x80, s18  }
0x135: {  	[tilespmem:s19+$0xFFFFFFC0] =	vst v2  }
0x136: {  	v2 =	vld [tilespmem:s17+$0xFFFFFFD0];
	_ =	sdelay $0x4  }
0x137: {  	v2 =	vmul.f32 v2, v1;
	_ =	sdelay $0x1  }
0x138: {  	[tilespmem:s19+$0xFFFFFFD0] =	vst v2  }
0x139: {  	v2 =	vld [tilespmem:s17+$0xFFFFFFE0];
	_ =	sdelay $0x4  }
0x13a: {  	v2 =	vmul.f32 v2, v1;
	_ =	sdelay $0x1  }
0x13b: {  	[tilespmem:s19+$0xFFFFFFE0] =	vst v2  }
0x13c: {  	v2 =	vld [tilespmem:s17+$0xFFFFFFF0];
	_ =	sdelay $0x4  }
0x13d: {  	v2 =	vmul.f32 v2, v1;
	_ =	sdelay $0x1  }
0x13e: {  	[tilespmem:s19+$0xFFFFFFF0] =	vst v2  }
0x13f: {  	v2 =	vld [tilespmem:s17+$0x0];
	_ =	sdelay $0x4  }
0x140: {  	v2 =	vmul.f32 v2, v1;
	_ =	sdelay $0x1  }
0x141: {  	[tilespmem:s19+$0x0] =	vst v2  }
0x142: {  	v2 =	vld [tilespmem:s17+$0x10];
	_ =	sdelay $0x4  }
0x143: {  	v2 =	vmul.f32 v2, v1;
	_ =	sdelay $0x1  }
0x144: {  	[tilespmem:s19+$0x10] =	vst v2  }
0x145: {  	v2 =	vld [tilespmem:s17+$0x20];
	_ =	sdelay $0x4  }
0x146: {  	v2 =	vmul.f32 v2, v1;
	_ =	sdelay $0x1  }
0x147: {  	[tilespmem:s19+$0x20] =	vst v2  }
0x148: {  	v2 =	vld [tilespmem:s17+$0x30];
	_ =	sdelay $0x4  }
0x149: {  	s9 =	sadd.s32 $0x1, s9;
	v1 =	vmul.f32 v2, v1  }
0x14a: {  	p1 =	sne.s32 s9, $0x8  }
.Ltmp9:
0x14b: {  	s10 =	sadd.s32 $0x400, s10;
	[tilespmem:s19+$0x30] =	vst v1;
	(pc) =	sbr.rel @p1 .LBB2_5-.Ltmp9, $4  }
0x14c: {  	[spmem:s2] =	stream.indirect.scatter.add.f32 [tilespmem:s23], [sflag:$0x2], $0x80, s10, s28, $0xb8;
	[tilespmem:$0x1CC00] =	vst v63  }
0x14d: {  	_ =	swait.ge [sflag:s24], $0x4000  }
0x14e: {  	[sflag:s24] =	ssyncset.done $0x0  }
0x14f: {  	[sflag:s24] =	ssyncadd.s32 $0xFFFFC000  }
0x150: {  	s4 =	sadd.s32 $0x1, s4  }
0x151: {  	p1 =	seq.s32 s4, $0x15  }
.Ltmp10:
0x152: {  	_ = 	snop;
	(pc) =	sbr.rel @!p1 .LBB2_4-.Ltmp10, $1  }
0x153: {  	_ =	sdelay $0x3  }
.Ltmp11:
0x154: {  	(pc) =	sbr.rel .LBB2_16-.Ltmp11, $2  }
0x155: {  	_ =	sdelay $0x2  }
0x156: {  	s0 =	rddreg [dreg:$0x4]  }
.LBB2_17:
0x157: {  	_ =	sfence.sel $0x180000  }
0x158: {  	[bflag:$0x0] =	sbarrier.arrive $0xFFFF  }
0x159: {  	_ =	strace $0x9000004D  }
0x15a: {  	s0 =	stileid.u32;
	[bflag:$0x2] =	sbarrier.arrive $0xFFFF  }
0x15b: {  	p0 =	sne.s32 s0, $0x0;
	s0 =	rddreg [dreg:$0x3]  }
0x15c: {  	s0 =	sadd.s32 @!p0 $0x100000, s0  }
0x15d: {  	[sflag:s0] =	ssyncadd.tile.s32 @!p0 $0x1;
	_ =	shalt  }
.Lfunc_end2:
_tile_overlayer_lowered:
.L_overlay_start_2:
0x15e: {  	(tag) =	ssettag $0x2  }
0x15f: {  	s0 =	rddreg [dreg:$0x0];
	s2 =	stileid.u32  }
0x160: {  	s1 =	rddreg [dreg:$0x1];
	p0 =	sne.s32 s2, $0x0  }
0x161: {  	s3 =	rddreg [dreg:$0x2];
	[bflag:$0x3] =	sbarrier.arrive $0xFFFF;
	s2 =	simm.s32 @!p0 $0x1C02  }
0x162: {  	[timem:s3], [sflag:s2] =	dma.local @!p0 [hbm:s0], s1  }
0x163: {  	s0 =	simm.s32 @!p0 $0x2  }
0x164: {  	_ =	swait.ge @!p0 [sflag:s0], s1  }
0x165: {  	s1 =	ssub.s32 @!p0 $0x0, s1;
	[sflag:s0] =	ssyncset.done @!p0 $0x0  }
0x166: {  	[sflag:s0] =	ssyncadd.s32 @!p0 s1  }
0x167: {  	[bflag:$0x3] =	sbarrier.arrive $0xFFFF  }
0x168: {  	_ =	shalt  }

// kernel: kernel.8.cloned.1.call-start
scs
__scs_entry_jumppad:
0x0: {  	(pc) =	sbr.rel $0x88, $3  }
0x1: {  	(tag) =	ssettag $0x0;
	lr =	simm.s32 $0x1  }
0x2: {  	[smem:$0x3F9A] =	sst lr;
	_ =	strace $0xD0000000  }
0x3: {  	_ = 	snop  }
0x4: {  	_ = 	snop  }
0x5: {  	_ = 	snop  }
0x6: {  	_ = 	snop  }
0x7: {  	_ = 	snop  }
__scs_overlays_trampoline_lowered:
0x8: {  	[smem:$0x3FA9] =	sst s0  }
0x9: {  	[smem:$0x3FAA] =	sst s1  }
0xa: {  	[smem:$0x3FAB] =	sst s2  }
0xb: {  	[smem:$0x3FAC] =	sst s3  }
0xc: {  	[smem:$0x3FAD] =	sst s4  }
0xd: {  	[smem:$0x3FAE] =	sst s5  }
0xe: {  	[smem:$0x3FAF] =	sst s6  }
0xf: {  	[smem:$0x3FB0] =	sst s7  }
0x10: {  	[smem:$0x3FB1] =	sst s8  }
0x11: {  	[smem:$0x3FB2] =	sst s9;
	s0 =	simm.s32 @!p0 $0x0  }
0x12: {  	s1 =	sld [smem:$0x3F98];
	s0 =	simm.s32 @p0 $0x1  }
0x13: {  	[smem:$0x3FB3] =	sst s0;
	s0 =	simm.s32 @!p1 $0x0  }
0x14: {  	s2 =	sld [smem:$0x3F97];
	s0 =	simm.s32 @p1 $0x1  }
0x15: {  	[smem:$0x3FB4] =	sst s0;
	s0 =	simm.s32 @!p2 $0x0  }
0x16: {  	s3 =	sld [smem:$0x3FDB];
	s0 =	simm.s32 @p2 $0x1  }
0x17: {  	s4 =	simm.s32 $0x1BF5;
	[smem:$0x3FB6] =	sst s0  }
0x18: {  	s0 =	sld [smem:$0x3F99];
	_ =	swait.ge [sflag:s4], $0x0  }
0x19: {  	s7 =	sld [smem:$0x3F9A]  }
0x1a: {  	s8 =	sadd.s32 $0xFFFFE003, lr  }
0x1b: {  	s9 =	sadd.s32 $0xFFFFFEF7, lr;
	s5 =	simm.s32 $0xFFFFFFFF;
	p2 =	slt.u32 s8, $0xFFFFF086  }
0x1c: {  	p1 =	slt.u32 s9, $0xF7A;
	s5 =	simm.s32 @!p2 $0x0  }
0x1d: {  	s5 =	simm.s32 @p1 $0x1;
	p0 =	seq.s32 s7, s2  }
0x1e: {  	s7 =	smul.u32 @!p0 $0xF7A, s2;
	p2 =	seq.s32 @!p0 s5, $0x0  }
0x1f: {  	s9 =	smul.u32 $0xF7A, s1;
	s8 =	simm.s32 @!p0 $0x1BF5;
	p2 =	por !p2, p0  }
0x20: {  	[sflag:s8] =	ssyncset.s32 @!p0 $0xFFFFF086;
	s6 =	sadd.s32 @!p0 s3, s7;
	s7 =	simm.s32 @!p0 $0x108  }
0x21: {  	s3 =	sadd.s32 s3, s9;
	s6 =	sadd.s32 @!p0 $0x88, s6;
	s7 =	simm.s32 @p2 $0x1082  }
0x22: {  	[simem:s7], [sflag:s8] =	dma.local @!p0 [hbm:s6], $0xF7A  }
0x23: {  	s9 =	sor.u32 $0xD0000000, s2;
	s6 =	simm.s32 $0x108;
	_ =	swait.ge @!p0 [sflag:s8], $0x0  }
0x24: {  	s3 =	sadd.s32 $0x88, s3;
	s6 =	simm.s32 @!p1 $0x1082;
	[sflag:s4] =	ssyncset.s32 $0xFFFFF086  }
0x25: {  	[simem:s6], [sflag:s4] =	dma.local [hbm:s3], $0xF7A  }
0x26: {  	[smem:$0x3F9A] =	sst s1;
	(tag) =	ssettag s2;
	_ =	strace s9  }
0x27: {  	s1 =	sld [smem:$0x3FAA]  }
0x28: {  	s2 =	sld [smem:$0x3FAB]  }
0x29: {  	s4 =	sld [smem:$0x3FAD]  }
0x2a: {  	p0 =	seq.s32 s5, $0x0;
	s5 =	sld [smem:$0x3FAE]  }
0x2b: {  	s6 =	sld [smem:$0x3FAF]  }
0x2c: {  	s7 =	sld [smem:$0x3FB0]  }
0x2d: {  	s3 =	simm.s32 $0x108;
	s8 =	sld [smem:$0x3FB1]  }
0x2e: {  	s3 =	simm.s32 @!p0 $0x1082;
	s9 =	sld [smem:$0x3FB2]  }
0x2f: {  	lr =	sadd.s32 s0, s3;
	s0 =	sld [smem:$0x3FA9]  }
0x30: {  	s3 =	sld [smem:$0x3FAC]  }
0x31: {  	[smem:$0x3FB5] =	sst s10  }
0x32: {  	s10 =	sld [smem:$0x3FB3];
	_ =	sdelay $0x3  }
0x33: {  	p0 =	seq.s32 s10, $0x1;
	s10 =	sld [smem:$0x3FB5];
	_ =	sdelay $0x3  }
0x34: {  	[smem:$0x3FB5] =	sst s10  }
0x35: {  	s10 =	sld [smem:$0x3FB4];
	_ =	sdelay $0x3  }
0x36: {  	p1 =	seq.s32 s10, $0x1;
	s10 =	sld [smem:$0x3FB5];
	_ =	sdelay $0x3  }
0x37: {  	[smem:$0x3FB5] =	sst s10  }
0x38: {  	s10 =	sld [smem:$0x3FB6]  }
0x39: {  	_ = 	snop;
	(pc) =	sbr.ind lr, $3  }
0x3a: {  	_ = 	snop  }
0x3b: {  	_ = 	snop  }
0x3c: {  	p2 =	seq.s32 s10, $0x1;
	s10 =	sld [smem:$0x3FB5]  }
0x3d: {  	_ =	shalt  }
0x3e: {  	_ =	shalt  }
0x3f: {  	_ =	shalt  }
0x40: {  	_ =	shalt  }
0x41: {  	_ =	shalt  }
0x42: {  	_ =	shalt  }
0x43: {  	_ =	shalt  }
0x44: {  	_ =	shalt  }
0x45: {  	_ =	shalt  }
0x46: {  	_ =	shalt  }
0x47: {  	_ =	shalt  }
0x48: {  	_ =	shalt  }
0x49: {  	_ =	shalt  }
0x4a: {  	_ =	shalt  }
0x4b: {  	_ =	shalt  }
0x4c: {  	_ =	shalt  }
0x4d: {  	_ =	shalt  }
0x4e: {  	_ =	shalt  }
0x4f: {  	_ =	shalt  }
0x50: {  	_ =	shalt  }
0x51: {  	_ =	shalt  }
0x52: {  	_ =	shalt  }
0x53: {  	_ =	shalt  }
0x54: {  	_ =	shalt  }
0x55: {  	_ =	shalt  }
0x56: {  	_ =	shalt  }
0x57: {  	_ =	shalt  }
0x58: {  	_ =	shalt  }
0x59: {  	_ =	shalt  }
0x5a: {  	_ =	shalt  }
0x5b: {  	_ =	shalt  }
0x5c: {  	_ =	shalt  }
0x5d: {  	_ =	shalt  }
0x5e: {  	_ =	shalt  }
0x5f: {  	_ =	shalt  }
0x60: {  	_ =	shalt  }
0x61: {  	_ =	shalt  }
0x62: {  	_ =	shalt  }
0x63: {  	_ =	shalt  }
0x64: {  	_ =	shalt  }
0x65: {  	_ =	shalt  }
0x66: {  	_ =	shalt  }
0x67: {  	_ =	shalt  }
0x68: {  	_ =	shalt  }
0x69: {  	_ =	shalt  }
0x6a: {  	_ =	shalt  }
0x6b: {  	_ =	shalt  }
0x6c: {  	_ =	shalt  }
0x6d: {  	_ =	shalt  }
0x6e: {  	_ =	shalt  }
0x6f: {  	_ =	shalt  }
0x70: {  	_ =	shalt  }
0x71: {  	_ =	shalt  }
0x72: {  	_ =	shalt  }
0x73: {  	_ =	shalt  }
0x74: {  	_ =	shalt  }
0x75: {  	_ =	shalt  }
0x76: {  	_ =	shalt  }
0x77: {  	_ =	shalt  }
0x78: {  	_ =	shalt  }
0x79: {  	_ =	shalt  }
0x7a: {  	_ =	shalt  }
0x7b: {  	_ =	shalt  }
0x7c: {  	_ =	shalt  }
0x7d: {  	_ =	shalt  }
0x7e: {  	_ =	shalt  }
0x7f: {  	_ =	shalt  }
0x80: {  	_ =	shalt  }
0x81: {  	_ =	shalt  }
0x82: {  	_ =	shalt  }
0x83: {  	_ =	shalt  }
0x84: {  	_ =	shalt  }
0x85: {  	_ =	shalt  }
0x86: {  	_ =	shalt  }
0x87: {  	_ =	shalt  }
.Lfunc_end0:
.L_simem_size_0:
called_computation_lowered:
.L_overlay_start_0:
0x88: {  	s2 =	sld [smem:$0x3FD9]  }
0x89: {  	s3 =	sld [smem:$0x3FFE];
	_ =	sdelay $0x1  }
0x8a: {  	s1 =	srdreg.scid  }
0x8b: {  	s0 =	sand.u32 $0x1, s1  }
0x8c: {  	s17 =	sshll.u32 s0, $0xA;
	s2 =	sadd.s32 s3, s2  }
0x8d: {  	s2 =	sadd.s32 s2, s17  }
0x8e: {  	[smem:$0x3FC1] =	sst s2  }
0x8f: {  	_ = 	snop  }
0x90: {  	s2 =	sld [smem:$0x3FD0];
	(tm) =	ssettm $0x1  }
0x91: {  	s18 =	sld [smem:$0x3FFB];
	_ =	sdelay $0x3  }
0x92: {  	_ =	strace s18  }
0x93: {  	s3 =	sld [smem:$0x3FFC];
	_ =	sdelay $0x3  }
0x94: {  	_ =	strace s3  }
0x95: {  	s3 =	sld [smem:$0x3FFD];
	_ =	sdelay $0x3  }
0x96: {  	_ =	strace s3  }
0x97: {  	_ =	strace $0x8FFFFFFF  }
0x98: {  	s19 =	sld [smem:$0x3FDB];
	_ =	sdelay $0x1  }
0x99: {  	s4 =	simm.s32 $_scs_section_size  }
0x9a: {  	s5 =	simm.s32 $_size__tile_overlayer_lowered;
	s6 =	simm.s32 $_tile_overlayer_lowered  }
0x9b: {  	s22 =	simm.s32 $0x1BFF;
	s21 =	sshll.u32 s6, $0x1;
	s3 =	sadd.s32 s4, s19  }
0x9c: {  	s7 =	simm.s32 $0x0;
	s20 =	sshll.u32 s5, $0x1;
	s5 =	sadd.s32 s21, s3  }
0x9d: {  	[timem:s7], [sflag:s22] =	dma.local [hbm:s5], s20  }
0x9e: {  	_ =	swait.ge [sflag:s22], s20  }
0x9f: {  	s4 =	ssub.s32 $0x0, s20;
	[sflag:s22] =	ssyncset.done $0x0  }
0xa0: {  	[sflag:s22] =	ssyncadd.s32 s4;
	_ =	sdelay $0x1  }
0xa1: {  	s23 =	simm.s32 $0x1B8B  }
0xa2: {  	_ =	swait.ge [sflag:s23], $0x1  }
0xa3: {  	[sflag:s23] =	ssyncset.done $0x0  }
0xa4: {  	s25 =	simm.s32 $0x1B8E;
	s24 =	sld [smem:$0x3FFE];
	[sflag:s23] =	ssyncadd.s32 $0xFFFFFFFF  }
0xa5: {  	s26 =	simm.s32 $execute0_lowered;
	[smem:$0x3FD2] =	sst s25  }
0xa6: {  	s5 =	sshll.u32 s26, $0x1;
	_ =	strace $0x80000046;
	[dreg:$0x1] =	wrdreg $0xFFFFFFFF  }
0xa7: {  	s28 =	simm.s32 $_size_execute0_lowered;
	s3 =	sadd.s32 s3, s5;
	[dreg:$0x0] =	wrdreg $0x0  }
0xa8: {  	s5 =	sshll.u32 s28, $0x1;
	[dreg:$0x2] =	wrdreg s3  }
0xa9: {  	[dreg:$0x3] =	wrdreg s5  }
0xaa: {  	[dreg:$0x4] =	wrdreg $0xC0  }
0xab: {  	_ =	task [dreg:s7], $0x5FFFF  }
0xac: {  	[dreg:$0x1] =	wrdreg $0xFFFFFFFF  }
0xad: {  	[dreg:$0x0] =	wrdreg $0x60  }
0xae: {  	[dreg:$0x2] =	wrdreg s24  }
0xaf: {  	[dreg:$0x3] =	wrdreg s2  }
0xb0: {  	[dreg:$0x4] =	wrdreg $0x9  }
0xb1: {  	_ =	task.clear_ibuf [dreg:s7], $0x5FFFF;
	_ =	strace $0x90000046  }
0xb2: {  	s29 =	simm.s32 $0x9;
	_ =	strace $0x80000048  }
0xb3: {  	_ =	swait.ge [sflag:s29], $0x1  }
0xb4: {  	[sflag:s29] =	ssyncadd.s32 $0xFFFFFFFF  }
0xb5: {  	_ =	strace $0x90000048  }
0xb6: {  	_ =	sfence  }
0xb7: {  	s30 =	sld [smem:$0x0];
	_ =	sdelay $0x2  }
0xb8: {  	s31 =	sshll.u32 s1, $0xD;
	s1 =	sshrl.u32 s1, $0x2  }
0xb9: {  	s3 =	sand.u32 $0x4000, s31;
	s1 =	sadd.s32 s1, s30  }
0xba: {  	s0 =	sor.u32 s3, s0;
	s1 =	sshll.u32 s1, $0x11  }
0xbb: {  	s0 =	sor.u32 s1, s0  }
0xbc: {  	s0 =	sadd.s32 $0x8F2B, s0  }
0xbd: {  	[sflag:s0] =	ssyncadd.remote.s32 $0x1  }
0xbe: {  	_ =	sfence.sel $0xFFFF  }
0xbf: {  	[dreg:$0x0] =	wrdreg $0xFFFFFFFF;
	(pc) =	sbr.abs _section_cstart, $3  }
0xc0: {  	[dreg:$0x1] =	wrdreg $0xFFFFFFFF  }
0xc1: {  	_ =	task.clear_ibuf [dreg:s7], $0x2FFFF;
	_ =	strace $0x9FFFFFFF  }
0xc2: {  	(tm) =	ssettm $0x7FFFFFFF  }
0xc3: {  	_ =	shalt  }
tec
execute0_lowered:
.L_overlay_start_1:
0x0: {  	(tag) =	ssettag $0x1  }
0x1: {  	s3 =	rddreg [dreg:$0x0];
	s1 =	srdreg.scid  }
0x2: {  	s0 =	stileid.u32;
	s5 =	rddreg [dreg:$0x1]  }
0x3: {  	s2 =	simm.s32 $0x0;
	s4 =	sand.u32 $0x1, s1;
	s6 =	sshll.u32 s0, $0x1  }
0x4: {  	s9 =	simm.s32 $0x5400;
	s10 =	simm.s32 $0x0;
	s6 =	sor.u32 s4, s6  }
0x5: {  	s1 =	rddreg [dreg:$0x2];
	s4 =	ssub.s32 $0x2, s4;
	s7 =	smul.u32 $0x540, s6  }
0x6: {  	[smem:$0x7FF] =	sst s2;
	s31 =	sshrl.u32 s4, $0x1;
	s6 =	smul.u32 $0x500, s6  }
0x7: {  	_ =	strace $0x80000047;
	s8 =	ssub.s32 s4, s31;
	s7 =	sadd.s32 s7, s3  }
0x8: {  	s5 =	sadd.s32 s5, s6;
	s6 =	smax.u32 s8, $0x1;
	s8 =	simm.s32 $0x2A00  }
0x9: {  	v0 =	vimm.f32 $0.0e+00;
	s3 =	sadd.s32 $0xDA00, s7;
	s4 =	sadd.s32 $0x3200, s7;
	s7 =	simm.s32 $0x1  }
.LBB2_1:
0xa: {  	[tilespmem:s2], [sflag:$0x1] =	stream.linear.gather [hbm4b:s3+s2], $0x2A00, $0x38;
	[tilespmem:$0x7C00] =	vst v63  }
0xb: {  	_ =	swait.ge [sflag:s7], $0x2A00  }
0xc: {  	[sflag:s7] =	ssyncset.done $0x0  }
0xd: {  	[sflag:s7] =	ssyncadd.s32 $0xFFFFD600  }
0xe: {  	[tilespmem:s8], [sflag:$0x1] =	stream.linear.gather [hbm4b:s4+s2], $0x2A00, $0x38;
	[tilespmem:$0x7C00] =	vst v63  }
0xf: {  	_ =	swait.ge [sflag:s7], $0x2A00  }
0x10: {  	[sflag:s7] =	ssyncset.done $0x0  }
0x11: {  	s11 =	simm.s32 $0x0;
	[sflag:s7] =	ssyncadd.s32 $0xFFFFD600  }
.LBB2_2:
0x12: {  	p0 =	sne.s32 s11, $0x9FC0  }
.Ltmp0:
0x13: {  	_ = 	snop;
	(pc) =	sbr.rel @p0 .LBB2_2-.Ltmp0, $3  }
0x14: {  	_ =	sdelay $0x1  }
0x15: {  	s12 =	sshra.s32 s11, $0x2  }
0x16: {  	s11 =	sadd.s32 $0x40, s11;
	[tilespmem:s12+$0x5400] =	vst v0  }
0x17: {  	s12 =	simm.s32 $0x0;
	s11 =	simm.s32 $0x40  }
.LBB2_4:
0x18: {  	p0 =	sne.s32 s11, $0xA7C0;
	v1 =	vld [tilespmem:s12+$0x0];
	_ =	sdelay $0x2  }
0x19: {  	v2 =	vld [tilespmem:s12+$0x2A00]  }
.Ltmp1:
0x1a: {  	(pc) =	sbr.rel @p0 .LBB2_4-.Ltmp1, $2  }
0x1b: {  	_ =	sdelay $0x2  }
0x1c: {  	s12 =	sshra.s32 s11, $0x2;
	s11 =	sadd.s32 $0x40, s11;
	[tilespmem:v1+s9+$0x0] =	vst.idx.add.f32.msk $0xffff, v2  }
0x1d: {  	v1 =	vld [tilespmem:s12+$0x0];
	_ =	sdelay $0x2  }
0x1e: {  	v2 =	vld [tilespmem:s12+$0x2A00];
	_ =	sdelay $0x2  }
0x1f: {  	s10 =	sadd.s32 $0x1, s10  }
0x20: {  	p0 =	sne.s32 s10, s6  }
.Ltmp2:
0x21: {  	[tilespmem:v1+s9+$0x0] =	vst.idx.add.f32.msk $0xffff, v2;
	(pc) =	sbr.rel @p0 .LBB2_1-.Ltmp2, $4  }
0x22: {  	[hbm4b:s5+s2] =	stream.linear.scatter [tilespmem:s9], [sflag:$0x1], $0x2800, $0x38;
	[tilespmem:$0x7C00] =	vst v63  }
0x23: {  	_ =	swait.ge [sflag:s7], $0x2800  }
0x24: {  	[sflag:s7] =	ssyncset.done $0x0  }
0x25: {  	[sflag:s7] =	ssyncadd.s32 $0xFFFFD800  }
0x26: {  	_ =	sfence.sel $0x180000  }
0x27: {  	[bflag:$0x0] =	sbarrier.arrive $0xFFFF  }
0x28: {  	p0 =	sne.s32 s0, $0x0;
	_ =	strace $0x90000047  }
0x29: {  	s0 =	sadd.s32 @!p0 $0x100000, s1;
	[bflag:$0x2] =	sbarrier.arrive $0xFFFF  }
0x2a: {  	[sflag:s0] =	ssyncadd.tile.s32 @!p0 $0x1;
	_ =	shalt  }
.Lfunc_end2:
_tile_overlayer_lowered:
.L_overlay_start_2:
0x2b: {  	(tag) =	ssettag $0x2  }
0x2c: {  	s0 =	rddreg [dreg:$0x0];
	s2 =	stileid.u32  }
0x2d: {  	s1 =	rddreg [dreg:$0x1];
	p0 =	sne.s32 s2, $0x0  }
0x2e: {  	s3 =	rddreg [dreg:$0x2];
	[bflag:$0x3] =	sbarrier.arrive $0xFFFF;
	s2 =	simm.s32 @!p0 $0x1C01  }
0x2f: {  	[timem:s3], [sflag:s2] =	dma.local @!p0 [hbm:s0], s1  }
0x30: {  	s0 =	simm.s32 @!p0 $0x1  }
0x31: {  	_ =	swait.ge @!p0 [sflag:s0], s1  }
0x32: {  	s1 =	ssub.s32 @!p0 $0x0, s1;
	[sflag:s0] =	ssyncset.done @!p0 $0x0  }
0x33: {  	[sflag:s0] =	ssyncadd.s32 @!p0 s1  }
0x34: {  	[bflag:$0x3] =	sbarrier.arrive $0xFFFF  }
0x35: {  	_ =	shalt  }

</sc_bundles>
